<compile_context>
chip_gen: v7x
topology: tpu7x:2x2x1
jax: 0.10.2.dev20260603
libtpu: 0.0.44.dev20260713+nightly
codegen_flags: <defaults>
</compile_context>

<pallas_src>
import functools

import jax
import jax.numpy as jnp
import numpy as np
from jax import lax
from jax.experimental import pallas as pl
from jax.experimental.pallas import tpu as pltpu
from jax.experimental.pallas import tpu_sc as plsc

SPATIAL_SHAPES = [(92, 92), (46, 46), (23, 23), (12, 12)]
D_MODEL = 256
N_HEADS = 8
N_LEVELS = 4
N_POINTS = 4
D_HEAD = 32
LEN_IN = 11253
B = 2
Q_TILE = 512
N_TILES = 22
LEN_PAD = Q_TILE * N_TILES
QT = B * LEN_PAD
N_WORKERS = 32
QPW = QT // N_WORKERS
MACRO = 16
N_MACRO = QPW // MACRO
SUB = 2
N_SUB = MACRO // SUB
ROWS_PER_B = LEN_PAD * N_HEADS


def _col_consts():
    j = np.arange(128)
    l = (j >> 2) & 3
    h = j >> 4
    wv = np.array([w for (_, w) in SPATIAL_SHAPES], np.float32)
    hv = np.array([hh for (hh, _) in SPATIAL_SHAPES], np.float32)
    starts = np.concatenate([[0], np.cumsum([hh * w for hh, w in SPATIAL_SHAPES])[:-1]])
    wc = wv[l]
    hc = hv[l]
    cc = (starts[l] * 8 + h).astype(np.int32)
    return (wc.reshape(1, 128), hc.reshape(1, 128),
            wc.astype(np.int32).reshape(1, 128), cc.reshape(1, 128))


def _value_body(x_ref, w_ref, o_ref):
    o_ref[...] = jnp.dot(x_ref[0], w_ref[...],
                         preferred_element_type=jnp.float32)[None]


def _outproj_body(x_ref, w_ref, o_ref):
    o_ref[...] = jnp.dot(x_ref[0], w_ref[...],
                         preferred_element_type=jnp.float32)[None]


def _prep_body(q_ref, rx_ref, ry_ref, wox_ref, woy_ref, wat_ref, bd_ref,
               wcf_ref, hcf_ref, wci_ref, cc_ref,
               i0_ref, i1_ref, i2_ref, i3_ref,
               w0_ref, w1_ref, w2_ref, w3_ref):
    bi = pl.program_id(0)
    q = q_ref[0]
    xo = jnp.dot(q, wox_ref[...], preferred_element_type=jnp.float32)
    yo = jnp.dot(q, woy_ref[...], preferred_element_type=jnp.float32)
    a = jnp.dot(q, wat_ref[...], preferred_element_type=jnp.float32)
    e = jnp.exp(a)
    denom = jnp.dot(e, bd_ref[...], preferred_element_type=jnp.float32)
    aw = e / denom

    wcf = wcf_ref[0]
    hcf = hcf_ref[0]
    x = rx_ref[0] * wcf + xo - 0.5
    y = ry_ref[0] * hcf + yo - 0.5
    x0 = jnp.floor(x)
    y0 = jnp.floor(y)
    wx1 = x - x0
    wx0 = 1.0 - wx1
    wy1 = y - y0
    wy0 = 1.0 - wy1
    x1 = x0 + 1.0
    y1 = y0 + 1.0
    vx0 = (x0 >= 0.0) & (x0 <= wcf - 1.0)
    vx1 = (x1 >= 0.0) & (x1 <= wcf - 1.0)
    vy0 = (y0 >= 0.0) & (y0 <= hcf - 1.0)
    vy1 = (y1 >= 0.0) & (y1 <= hcf - 1.0)
    px0 = jnp.clip(x0, 0.0, wcf - 1.0).astype(jnp.int32)
    px1 = jnp.clip(x1, 0.0, wcf - 1.0).astype(jnp.int32)
    py0 = jnp.clip(y0, 0.0, hcf - 1.0).astype(jnp.int32)
    py1 = jnp.clip(y1, 0.0, hcf - 1.0).astype(jnp.int32)

    wci = wci_ref[0]
    base = cc_ref[0] + bi * ROWS_PER_B
    i0_ref[0] = (py0 * wci + px0) * 8 + base
    i1_ref[0] = (py0 * wci + px1) * 8 + base
    i2_ref[0] = (py1 * wci + px0) * 8 + base
    i3_ref[0] = (py1 * wci + px1) * 8 + base
    zero = jnp.zeros_like(aw)
    w0_ref[0] = jnp.where(vx0 & vy0, wx0 * wy0 * aw, zero)
    w1_ref[0] = jnp.where(vx1 & vy0, wx1 * wy0 * aw, zero)
    w2_ref[0] = jnp.where(vx0 & vy1, wx0 * wy1 * aw, zero)
    w3_ref[0] = jnp.where(vx1 & vy1, wx1 * wy1 * aw, zero)


def _sc_body(value_hbm, i0, i1, i2, i3, w0, w1, w2, w3, out_hbm,
             idx_m, w_m, rows, out_v, csem, gsem):
    wid = lax.axis_index("s") * 2 + lax.axis_index("c")
    q0w = wid * QPW
    iarrs = (i0, i1, i2, i3)
    warrs = (w0, w1, w2, w3)

    def macro_body(m, carry):
        qb = q0w + m * MACRO
        descs = []
        for c in range(4):
            descs.append(pltpu.async_copy(
                iarrs[c].at[pl.ds(qb, MACRO)],
                idx_m.at[pl.ds(c * MACRO, MACRO)], csem))
            descs.append(pltpu.async_copy(
                warrs[c].at[pl.ds(qb, MACRO)],
                w_m.at[pl.ds(c * MACRO, MACRO)], csem))
        for d in descs:
            d.wait()

        def sub_body(s, carry2):
            qs0 = s * SUB
            gds = []
            for c in range(4):
                for qq in range(SUB):
                    gds.append(pltpu.async_copy(
                        value_hbm.at[idx_m.at[c * MACRO + qs0 + qq]],
                        rows.at[c * SUB + qq], gsem))
            for d in gds:
                d.wait()

            def qh_body(qh, carry3):
                qs = qh >> 3
                h = qh & 7
                acc0 = jnp.zeros((16,), jnp.float32)
                acc1 = jnp.zeros((16,), jnp.float32)
                h16 = h * 16
                for c in range(4):
                    r = c * SUB + qs
                    wr = c * MACRO + qs0 + qs
                    w16 = w_m[wr, pl.ds(h16, 16)]
                    for j in range(16):
                        wv = w16[j]
                        acc0 = acc0 + wv * rows[r, h16 + j, pl.ds(0, 16)]
                        acc1 = acc1 + wv * rows[r, h16 + j, pl.ds(16, 16)]
                out_v[qs0 + qs, pl.ds(h * 32, 16)] = acc0
                out_v[qs0 + qs, pl.ds(h * 32 + 16, 16)] = acc1
                return carry3

            lax.fori_loop(0, SUB * N_HEADS, qh_body, 0, unroll=False)
            return carry2

        lax.fori_loop(0, N_SUB, sub_body, 0, unroll=False)
        pltpu.sync_copy(out_v, out_hbm.at[pl.ds(qb, MACRO)])
        return carry

    lax.fori_loop(0, N_MACRO, macro_body, 0, unroll=False)


def kernel(query, reference_points, input_flatten, input_spatial_shapes,
           input_level_start_index, W_offsets, b_offsets, W_attn, b_attn,
           W_value, b_value, W_out, b_out):
    f32 = jnp.float32
    pad_q = LEN_PAD - LEN_IN

    query_p = jnp.pad(query, ((0, 0), (0, pad_q), (0, 0)))
    input_p = jnp.pad(input_flatten, ((0, 0), (0, pad_q), (0, 0)))
    refx = jnp.tile(jnp.repeat(reference_points[..., 0], 4, axis=2), (1, 1, 8))
    refy = jnp.tile(jnp.repeat(reference_points[..., 1], 4, axis=2), (1, 1, 8))
    refx = jnp.pad(refx, ((0, 0), (0, pad_q), (0, 0)))
    refy = jnp.pad(refy, ((0, 0), (0, pad_q), (0, 0)))

    w_off = W_offsets.reshape(D_MODEL, 128, 2)
    w_off_x = w_off[:, :, 0]
    w_off_y = w_off[:, :, 1]
    bd = jnp.asarray(np.kron(np.eye(8, dtype=np.float32), np.ones((16, 16), np.float32)))
    wcf, hcf, wci, cc = _col_consts()
    wcf = jnp.asarray(wcf)
    hcf = jnp.asarray(hcf)
    wci = jnp.asarray(wci)
    cc = jnp.asarray(cc)

    qspec = pl.BlockSpec((1, Q_TILE, D_MODEL), lambda b, t: (b, t, 0))
    cspec128 = pl.BlockSpec((1, Q_TILE, 128), lambda b, t: (b, t, 0))
    wspec = pl.BlockSpec((D_MODEL, D_MODEL), lambda b, t: (0, 0))
    wspec128 = pl.BlockSpec((D_MODEL, 128), lambda b, t: (0, 0))
    bdspec = pl.BlockSpec((128, 128), lambda b, t: (0, 0))
    constspec = pl.BlockSpec((1, 128), lambda b, t: (0, 0))

    value_pad = pl.pallas_call(
        _value_body,
        grid=(B, N_TILES),
        in_specs=[qspec, wspec],
        out_specs=qspec,
        out_shape=jax.ShapeDtypeStruct((B, LEN_PAD, D_MODEL), f32),
    )(input_p, W_value)
    value_tbl = value_pad.reshape(B * ROWS_PER_B, D_HEAD)

    outs = pl.pallas_call(
        _prep_body,
        grid=(B, N_TILES),
        in_specs=[qspec, cspec128, cspec128, wspec128, wspec128, wspec128,
                  bdspec, constspec, constspec, constspec, constspec],
        out_specs=[cspec128] * 8,
        out_shape=[jax.ShapeDtypeStruct((B, LEN_PAD, 128), jnp.int32)] * 4
                  + [jax.ShapeDtypeStruct((B, LEN_PAD, 128), f32)] * 4,
    )(query_p, refx, refy, w_off_x, w_off_y, W_attn, bd, wcf, hcf, wci, cc)
    i0, i1, i2, i3 = (o.reshape(QT, 128) for o in outs[:4])
    w0, w1, w2, w3 = (o.reshape(QT, 128) for o in outs[4:])

    sc_fn = pl.kernel(
        _sc_body,
        out_type=jax.ShapeDtypeStruct((QT, D_MODEL), f32),
        mesh=plsc.VectorSubcoreMesh(core_axis_name="c", subcore_axis_name="s"),
        compiler_params=pltpu.CompilerParams(use_tc_tiling_on_sc=False),
        scratch_types=[
            pltpu.VMEM((4 * MACRO, 128), jnp.int32),
            pltpu.VMEM((4 * MACRO, 128), f32),
            pltpu.VMEM((4 * SUB, 128, D_HEAD), f32),
            pltpu.VMEM((MACRO, D_MODEL), f32),
            pltpu.SemaphoreType.DMA,
            pltpu.SemaphoreType.DMA,
        ],
    )
    out_sc = sc_fn(value_tbl, i0, i1, i2, i3, w0, w1, w2, w3)

    out_proj = pl.pallas_call(
        _outproj_body,
        grid=(B, N_TILES),
        in_specs=[qspec, wspec],
        out_specs=qspec,
        out_shape=jax.ShapeDtypeStruct((B, LEN_PAD, D_MODEL), f32),
    )(out_sc.reshape(B, LEN_PAD, D_MODEL), W_out)
    return out_proj[:, :LEN_IN, :]

# --- scband reference (transcript-rebuilt; emitter-appended) ---
"""Pipeline reference for scband-msdeform-attn-56367150792939 (READ-ONLY COPY).

The authoritative reference and input builder live on the scoring server;
editing this copy changes nothing except your own understanding.
"""

import jax, jax.numpy as jnp
import numpy as np

SPATIAL_SHAPES = [(92, 92), (46, 46), (23, 23), (12, 12)]
D_MODEL = 256; N_HEADS = 8; N_LEVELS = 4; N_POINTS = 4; D_HEAD = D_MODEL // N_HEADS


def bilinear_sample(v, loc, H, W):
    # v: (b, H*W, nh, dh)   loc: (b, q, nh, p, 2) normalized in [0,1]
    b, L, nh, dh = v.shape
    q = loc.shape[1]; p = loc.shape[3]
    x = loc[..., 0] * W - 0.5
    y = loc[..., 1] * H - 0.5
    x0 = jnp.floor(x); y0 = jnp.floor(y)
    vt = v.transpose(0, 2, 1, 3)  # (b, nh, L, dh)
    def gather(xi, yi):
        valid = (xi >= 0) & (xi <= W - 1) & (yi >= 0) & (yi <= H - 1)
        xc = jnp.clip(xi, 0, W - 1).astype(jnp.int32)
        yc = jnp.clip(yi, 0, H - 1).astype(jnp.int32)
        flat = yc * W + xc  # (b, q, nh, p)
        idx = flat.transpose(0, 2, 1, 3).reshape(b, nh, q * p)
        g = jnp.take_along_axis(vt, idx[..., None], axis=2)  # (b, nh, q*p, dh)
        g = g.reshape(b, nh, q, p, dh).transpose(0, 2, 1, 3, 4)
        return g * valid[..., None].astype(g.dtype)
    wx1 = x - x0; wx0 = 1.0 - wx1
    wy1 = y - y0; wy0 = 1.0 - wy1
    g00 = gather(x0, y0)
    g10 = gather(x0 + 1.0, y0)
    g01 = gather(x0, y0 + 1.0)
    g11 = gather(x0 + 1.0, y0 + 1.0)
    return (g00 * (wx0 * wy0)[..., None] + g10 * (wx1 * wy0)[..., None]
            + g01 * (wx0 * wy1)[..., None] + g11 * (wx1 * wy1)[..., None])


def setup_inputs(seed: int = 0) -> dict:
    key = jax.random.key(seed)
    ks = jax.random.split(key, 12)
    b = 2
    len_in = sum(h * w for h, w in SPATIAL_SHAPES)  # 11253
    len_q = len_in
    inp = {}
    inp['query'] = jax.random.normal(ks[0], (b, len_q, D_MODEL), jnp.float32)
    inp['reference_points'] = jax.random.uniform(ks[1], (b, len_q, N_LEVELS, 2), jnp.float32)
    inp['input_flatten'] = jax.random.normal(ks[2], (b, len_in, D_MODEL), jnp.float32)
    inp['input_spatial_shapes'] = jnp.array(SPATIAL_SHAPES, dtype=jnp.int32)
    starts = np.concatenate([[0], np.cumsum([h * w for h, w in SPATIAL_SHAPES])[:-1]])
    inp['input_level_start_index'] = jnp.array(starts, dtype=jnp.int32)
    s = 0.02
    inp['W_offsets'] = jax.random.normal(ks[3], (D_MODEL, N_HEADS * N_LEVELS * N_POINTS * 2), jnp.float32) * s
    inp['b_offsets'] = jnp.zeros((N_HEADS * N_LEVELS * N_POINTS * 2,), jnp.float32)
    inp['W_attn'] = jax.random.normal(ks[4], (D_MODEL, N_HEADS * N_LEVELS * N_POINTS), jnp.float32) * s
    inp['b_attn'] = jnp.zeros((N_HEADS * N_LEVELS * N_POINTS,), jnp.float32)
    inp['W_value'] = jax.random.normal(ks[5], (D_MODEL, D_MODEL), jnp.float32) * (1.0 / np.sqrt(D_MODEL))
    inp['b_value'] = jnp.zeros((D_MODEL,), jnp.float32)
    inp['W_out'] = jax.random.normal(ks[6], (D_MODEL, D_MODEL), jnp.float32) * (1.0 / np.sqrt(D_MODEL))
    inp['b_out'] = jnp.zeros((D_MODEL,), jnp.float32)
    return inp


def reference(query, reference_points, input_flatten, input_spatial_shapes, input_level_start_index,
              W_offsets, b_offsets, W_attn, b_attn, W_value, b_value, W_out, b_out):
    b, len_q, _ = query.shape
    value = input_flatten @ W_value + b_value
    value = value.reshape(b, -1, N_HEADS, D_HEAD)
    offs = (query @ W_offsets + b_offsets).reshape(b, len_q, N_HEADS, N_LEVELS, N_POINTS, 2)
    attn = (query @ W_attn + b_attn).reshape(b, len_q, N_HEADS, N_LEVELS * N_POINTS)
    attn = jax.nn.softmax(attn, axis=-1).reshape(b, len_q, N_HEADS, N_LEVELS, N_POINTS)
    normalizer = jnp.array([[w, h] for h, w in SPATIAL_SHAPES], jnp.float32)  # (L, 2) as [w, h]
    loc = reference_points[:, :, None, :, None, :] + offs / normalizer[None, None, None, :, None, :]
    out = jnp.zeros((b, len_q, N_HEADS, D_HEAD), jnp.float32)
    start = 0
    for lvl, (H, W) in enumerate(SPATIAL_SHAPES):
        L = H * W
        v = value[:, start:start + L]
        start += L
        sampled = bilinear_sample(v, loc[:, :, :, lvl], H, W)  # (b, q, nh, p, dh)
        out = out + (sampled * attn[:, :, :, lvl][..., None]).sum(axis=3)
    out = out.reshape(b, len_q, N_HEADS * D_HEAD)
    return out @ W_out + b_out

if __name__ == "__main__":
    import jax
    _d = setup_inputs()
    print(jax.jit(kernel)(*tuple(_d.values())))

</pallas_src>

<mosaic_0001>
#map = affine_map<(d0, d1) -> (0, 0)>
module attributes {stable_mosaic.version = 14 : i64} {
  func.func @_sc_body(%arg0: i32, %arg1: i32, %arg2: memref<180224x32xf32, #tpu.memory_space<hbm>>, %arg3: memref<22528x128xi32, #tpu.memory_space<hbm>>, %arg4: memref<22528x128xi32, #tpu.memory_space<hbm>>, %arg5: memref<22528x128xi32, #tpu.memory_space<hbm>>, %arg6: memref<22528x128xi32, #tpu.memory_space<hbm>>, %arg7: memref<22528x128xf32, #tpu.memory_space<hbm>>, %arg8: memref<22528x128xf32, #tpu.memory_space<hbm>>, %arg9: memref<22528x128xf32, #tpu.memory_space<hbm>>, %arg10: memref<22528x128xf32, #tpu.memory_space<hbm>>, %arg11: memref<22528x256xf32, #tpu.memory_space<hbm>>, %arg12: memref<64x128xi32, #tpu.memory_space<vmem>>, %arg13: memref<64x128xf32, #tpu.memory_space<vmem>>, %arg14: memref<8x128x32xf32, #tpu.memory_space<vmem>>, %arg15: memref<16x256xf32, #tpu.memory_space<vmem>>, %arg16: memref<!tpu.dma_semaphore, #tpu.memory_space<semaphore_mem>>, %arg17: memref<!tpu.dma_semaphore, #tpu.memory_space<semaphore_mem>>) attributes {dimension_semantics = [#tpu.dimension_semantics<core_parallel>, #tpu.dimension_semantics<subcore_parallel>], iteration_bounds = array<i64: 2, 16>, scalar_prefetch = 0 : i64, scratch_operands = 6 : i64, tpu.core_type = #tpu.core_type<sc_vector_subcore>, window_params = [{transform_indices = #map}, {transform_indices = #map}, {transform_indices = #map}, {transform_indices = #map}, {transform_indices = #map}, {transform_indices = #map}, {transform_indices = #map}, {transform_indices = #map}, {transform_indices = #map}, {transform_indices = #map}]} {
    %mul3A = arith.constant 2 : i32
    %mul3A_0 = arith.muli %arg1, %mul3A : i32
    %add3A = arith.addi %mul3A_0, %arg0 : i32
    %mul3A_1 = arith.constant 704 : i32
    %mul3A_2 = arith.muli %add3A, %mul3A_1 : i32
    %scan3A = arith.constant 0 : i32
    %scan3A_3 = arith.constant 0 : i32
    %scan3A_4 = arith.constant 44 : i32
    %scan3A_5 = arith.addi %scan3A_3, %scan3A_4 : i32
    %scan3A_6 = arith.constant 1 : i32
    scf.for %scan3A_8 = %scan3A_3 to %scan3A_5 step %scan3A_6  : i32 {
      %mul3A_9 = arith.constant 16 : i32
      %mul3A_10 = arith.muli %scan3A_8, %mul3A_9 : i32
      %add3A_11 = arith.addi %mul3A_2, %mul3A_10 : i32
      %dma_start3A = arith.constant 0 : i32
      %dma_start3A_12 = arith.constant 0 : i32
      %dma_start3A_13 = tpu.memref_slice %arg12[%dma_start3A, %dma_start3A_12] : memref<64x128xi32, #tpu.memory_space<vmem>> -> memref<16x128xi32, #tpu.memory_space<vmem>>
      %dma_start3A_14 = arith.constant 0 : i32
      %dma_start3A_15 = tpu.memref_slice %arg3[%add3A_11, %dma_start3A_14] : memref<22528x128xi32, #tpu.memory_space<hbm>> -> memref<16x128xi32, #tpu.memory_space<hbm>>
      %dma_start3A_16 = arith.constant 0 : i32
      %dma_start3A_17 = arith.constant 0 : i32
      %dma_start3A_18 = tpu.memref_slice %arg12[%dma_start3A_16, %dma_start3A_17] : memref<64x128xi32, #tpu.memory_space<vmem>> -> memref<16x128xi32, #tpu.memory_space<vmem>>
      %dma_start3A_19 = arith.constant 0 : i32
      %dma_start3A_20 = tpu.memref_slice %arg3[%add3A_11, %dma_start3A_19] : memref<22528x128xi32, #tpu.memory_space<hbm>> -> memref<16x128xi32, #tpu.memory_space<hbm>>
      tpu.enqueue_dma source(%dma_start3A_20 : memref<16x128xi32, #tpu.memory_space<hbm>>) target(%dma_start3A_18 : memref<16x128xi32, #tpu.memory_space<vmem>>) target_semaphore(%arg16 : memref<!tpu.dma_semaphore, #tpu.memory_space<semaphore_mem>>)
      %dma_start3A_21 = arith.constant 0 : i32
      %dma_start3A_22 = arith.constant 0 : i32
      %dma_start3A_23 = tpu.memref_slice %arg13[%dma_start3A_21, %dma_start3A_22] : memref<64x128xf32, #tpu.memory_space<vmem>> -> memref<16x128xf32, #tpu.memory_space<vmem>>
      %dma_start3A_24 = arith.constant 0 : i32
      %dma_start3A_25 = tpu.memref_slice %arg7[%add3A_11, %dma_start3A_24] : memref<22528x128xf32, #tpu.memory_space<hbm>> -> memref<16x128xf32, #tpu.memory_space<hbm>>
      %dma_start3A_26 = arith.constant 0 : i32
      %dma_start3A_27 = arith.constant 0 : i32
      %dma_start3A_28 = tpu.memref_slice %arg13[%dma_start3A_26, %dma_start3A_27] : memref<64x128xf32, #tpu.memory_space<vmem>> -> memref<16x128xf32, #tpu.memory_space<vmem>>
      %dma_start3A_29 = arith.constant 0 : i32
      %dma_start3A_30 = tpu.memref_slice %arg7[%add3A_11, %dma_start3A_29] : memref<22528x128xf32, #tpu.memory_space<hbm>> -> memref<16x128xf32, #tpu.memory_space<hbm>>
      tpu.enqueue_dma source(%dma_start3A_30 : memref<16x128xf32, #tpu.memory_space<hbm>>) target(%dma_start3A_28 : memref<16x128xf32, #tpu.memory_space<vmem>>) target_semaphore(%arg16 : memref<!tpu.dma_semaphore, #tpu.memory_space<semaphore_mem>>)
      %dma_start3A_31 = arith.constant 16 : i32
      %dma_start3A_32 = arith.constant 0 : i32
      %dma_start3A_33 = tpu.memref_slice %arg12[%dma_start3A_31, %dma_start3A_32] : memref<64x128xi32, #tpu.memory_space<vmem>> -> memref<16x128xi32, #tpu.memory_space<vmem>>
      %dma_start3A_34 = arith.constant 0 : i32
      %dma_start3A_35 = tpu.memref_slice %arg4[%add3A_11, %dma_start3A_34] : memref<22528x128xi32, #tpu.memory_space<hbm>> -> memref<16x128xi32, #tpu.memory_space<hbm>>
      %dma_start3A_36 = arith.constant 16 : i32
      %dma_start3A_37 = arith.constant 0 : i32
      %dma_start3A_38 = tpu.memref_slice %arg12[%dma_start3A_36, %dma_start3A_37] : memref<64x128xi32, #tpu.memory_space<vmem>> -> memref<16x128xi32, #tpu.memory_space<vmem>>
      %dma_start3A_39 = arith.constant 0 : i32
      %dma_start3A_40 = tpu.memref_slice %arg4[%add3A_11, %dma_start3A_39] : memref<22528x128xi32, #tpu.memory_space<hbm>> -> memref<16x128xi32, #tpu.memory_space<hbm>>
      tpu.enqueue_dma source(%dma_start3A_40 : memref<16x128xi32, #tpu.memory_space<hbm>>) target(%dma_start3A_38 : memref<16x128xi32, #tpu.memory_space<vmem>>) target_semaphore(%arg16 : memref<!tpu.dma_semaphore, #tpu.memory_space<semaphore_mem>>)
      %dma_start3A_41 = arith.constant 16 : i32
      %dma_start3A_42 = arith.constant 0 : i32
      %dma_start3A_43 = tpu.memref_slice %arg13[%dma_start3A_41, %dma_start3A_42] : memref<64x128xf32, #tpu.memory_space<vmem>> -> memref<16x128xf32, #tpu.memory_space<vmem>>
      %dma_start3A_44 = arith.constant 0 : i32
      %dma_start3A_45 = tpu.memref_slice %arg8[%add3A_11, %dma_start3A_44] : memref<22528x128xf32, #tpu.memory_space<hbm>> -> memref<16x128xf32, #tpu.memory_space<hbm>>
      %dma_start3A_46 = arith.constant 16 : i32
      %dma_start3A_47 = arith.constant 0 : i32
      %dma_start3A_48 = tpu.memref_slice %arg13[%dma_start3A_46, %dma_start3A_47] : memref<64x128xf32, #tpu.memory_space<vmem>> -> memref<16x128xf32, #tpu.memory_space<vmem>>
      %dma_start3A_49 = arith.constant 0 : i32
      %dma_start3A_50 = tpu.memref_slice %arg8[%add3A_11, %dma_start3A_49] : memref<22528x128xf32, #tpu.memory_space<hbm>> -> memref<16x128xf32, #tpu.memory_space<hbm>>
      tpu.enqueue_dma source(%dma_start3A_50 : memref<16x128xf32, #tpu.memory_space<hbm>>) target(%dma_start3A_48 : memref<16x128xf32, #tpu.memory_space<vmem>>) target_semaphore(%arg16 : memref<!tpu.dma_semaphore, #tpu.memory_space<semaphore_mem>>)
      %dma_start3A_51 = arith.constant 32 : i32
      %dma_start3A_52 = arith.constant 0 : i32
      %dma_start3A_53 = tpu.memref_slice %arg12[%dma_start3A_51, %dma_start3A_52] : memref<64x128xi32, #tpu.memory_space<vmem>> -> memref<16x128xi32, #tpu.memory_space<vmem>>
      %dma_start3A_54 = arith.constant 0 : i32
      %dma_start3A_55 = tpu.memref_slice %arg5[%add3A_11, %dma_start3A_54] : memref<22528x128xi32, #tpu.memory_space<hbm>> -> memref<16x128xi32, #tpu.memory_space<hbm>>
      %dma_start3A_56 = arith.constant 32 : i32
      %dma_start3A_57 = arith.constant 0 : i32
      %dma_start3A_58 = tpu.memref_slice %arg12[%dma_start3A_56, %dma_start3A_57] : memref<64x128xi32, #tpu.memory_space<vmem>> -> memref<16x128xi32, #tpu.memory_space<vmem>>
      %dma_start3A_59 = arith.constant 0 : i32
      %dma_start3A_60 = tpu.memref_slice %arg5[%add3A_11, %dma_start3A_59] : memref<22528x128xi32, #tpu.memory_space<hbm>> -> memref<16x128xi32, #tpu.memory_space<hbm>>
      tpu.enqueue_dma source(%dma_start3A_60 : memref<16x128xi32, #tpu.memory_space<hbm>>) target(%dma_start3A_58 : memref<16x128xi32, #tpu.memory_space<vmem>>) target_semaphore(%arg16 : memref<!tpu.dma_semaphore, #tpu.memory_space<semaphore_mem>>)
      %dma_start3A_61 = arith.constant 32 : i32
      %dma_start3A_62 = arith.constant 0 : i32
      %dma_start3A_63 = tpu.memref_slice %arg13[%dma_start3A_61, %dma_start3A_62] : memref<64x128xf32, #tpu.memory_space<vmem>> -> memref<16x128xf32, #tpu.memory_space<vmem>>
      %dma_start3A_64 = arith.constant 0 : i32
      %dma_start3A_65 = tpu.memref_slice %arg9[%add3A_11, %dma_start3A_64] : memref<22528x128xf32, #tpu.memory_space<hbm>> -> memref<16x128xf32, #tpu.memory_space<hbm>>
      %dma_start3A_66 = arith.constant 32 : i32
      %dma_start3A_67 = arith.constant 0 : i32
      %dma_start3A_68 = tpu.memref_slice %arg13[%dma_start3A_66, %dma_start3A_67] : memref<64x128xf32, #tpu.memory_space<vmem>> -> memref<16x128xf32, #tpu.memory_space<vmem>>
      %dma_start3A_69 = arith.constant 0 : i32
      %dma_start3A_70 = tpu.memref_slice %arg9[%add3A_11, %dma_start3A_69] : memref<22528x128xf32, #tpu.memory_space<hbm>> -> memref<16x128xf32, #tpu.memory_space<hbm>>
      tpu.enqueue_dma source(%dma_start3A_70 : memref<16x128xf32, #tpu.memory_space<hbm>>) target(%dma_start3A_68 : memref<16x128xf32, #tpu.memory_space<vmem>>) target_semaphore(%arg16 : memref<!tpu.dma_semaphore, #tpu.memory_space<semaphore_mem>>)
      %dma_start3A_71 = arith.constant 48 : i32
      %dma_start3A_72 = arith.constant 0 : i32
      %dma_start3A_73 = tpu.memref_slice %arg12[%dma_start3A_71, %dma_start3A_72] : memref<64x128xi32, #tpu.memory_space<vmem>> -> memref<16x128xi32, #tpu.memory_space<vmem>>
      %dma_start3A_74 = arith.constant 0 : i32
      %dma_start3A_75 = tpu.memref_slice %arg6[%add3A_11, %dma_start3A_74] : memref<22528x128xi32, #tpu.memory_space<hbm>> -> memref<16x128xi32, #tpu.memory_space<hbm>>
      %dma_start3A_76 = arith.constant 48 : i32
      %dma_start3A_77 = arith.constant 0 : i32
      %dma_start3A_78 = tpu.memref_slice %arg12[%dma_start3A_76, %dma_start3A_77] : memref<64x128xi32, #tpu.memory_space<vmem>> -> memref<16x128xi32, #tpu.memory_space<vmem>>
      %dma_start3A_79 = arith.constant 0 : i32
      %dma_start3A_80 = tpu.memref_slice %arg6[%add3A_11, %dma_start3A_79] : memref<22528x128xi32, #tpu.memory_space<hbm>> -> memref<16x128xi32, #tpu.memory_space<hbm>>
      tpu.enqueue_dma source(%dma_start3A_80 : memref<16x128xi32, #tpu.memory_space<hbm>>) target(%dma_start3A_78 : memref<16x128xi32, #tpu.memory_space<vmem>>) target_semaphore(%arg16 : memref<!tpu.dma_semaphore, #tpu.memory_space<semaphore_mem>>)
      %dma_start3A_81 = arith.constant 48 : i32
      %dma_start3A_82 = arith.constant 0 : i32
      %dma_start3A_83 = tpu.memref_slice %arg13[%dma_start3A_81, %dma_start3A_82] : memref<64x128xf32, #tpu.memory_space<vmem>> -> memref<16x128xf32, #tpu.memory_space<vmem>>
      %dma_start3A_84 = arith.constant 0 : i32
      %dma_start3A_85 = tpu.memref_slice %arg10[%add3A_11, %dma_start3A_84] : memref<22528x128xf32, #tpu.memory_space<hbm>> -> memref<16x128xf32, #tpu.memory_space<hbm>>
      %dma_start3A_86 = arith.constant 48 : i32
      %dma_start3A_87 = arith.constant 0 : i32
      %dma_start3A_88 = tpu.memref_slice %arg13[%dma_start3A_86, %dma_start3A_87] : memref<64x128xf32, #tpu.memory_space<vmem>> -> memref<16x128xf32, #tpu.memory_space<vmem>>
      %dma_start3A_89 = arith.constant 0 : i32
      %dma_start3A_90 = tpu.memref_slice %arg10[%add3A_11, %dma_start3A_89] : memref<22528x128xf32, #tpu.memory_space<hbm>> -> memref<16x128xf32, #tpu.memory_space<hbm>>
      tpu.enqueue_dma source(%dma_start3A_90 : memref<16x128xf32, #tpu.memory_space<hbm>>) target(%dma_start3A_88 : memref<16x128xf32, #tpu.memory_space<vmem>>) target_semaphore(%arg16 : memref<!tpu.dma_semaphore, #tpu.memory_space<semaphore_mem>>)
      %dma_wait3A = arith.constant 0 : i32
      %dma_wait3A_91 = arith.constant 0 : i32
      %dma_wait3A_92 = tpu.memref_slice %arg12[%dma_wait3A, %dma_wait3A_91] : memref<64x128xi32, #tpu.memory_space<vmem>> -> memref<16x128xi32, #tpu.memory_space<vmem>>
      %dma_wait3A_93 = arith.constant 0 : i32
      %dma_wait3A_94 = tpu.memref_slice %arg3[%add3A_11, %dma_wait3A_93] : memref<22528x128xi32, #tpu.memory_space<hbm>> -> memref<16x128xi32, #tpu.memory_space<hbm>>
      %dma_wait3A_95 = arith.constant 0 : i32
      %dma_wait3A_96 = arith.constant 0 : i32
      %dma_wait3A_97 = tpu.memref_slice %arg12[%dma_wait3A_95, %dma_wait3A_96] : memref<64x128xi32, #tpu.memory_space<vmem>> -> memref<16x128xi32, #tpu.memory_space<vmem>>
      %dma_wait3A_98 = arith.constant 0 : i32
      %dma_wait3A_99 = tpu.memref_slice %arg3[%add3A_11, %dma_wait3A_98] : memref<22528x128xi32, #tpu.memory_space<hbm>> -> memref<16x128xi32, #tpu.memory_space<hbm>>
      tpu.wait_dma2 semaphore(%arg16 : memref<!tpu.dma_semaphore, #tpu.memory_space<semaphore_mem>>) src(%dma_wait3A_99 : memref<16x128xi32, #tpu.memory_space<hbm>>) dst(%dma_wait3A_97 : memref<16x128xi32, #tpu.memory_space<vmem>>)
      %dma_wait3A_100 = arith.constant 0 : i32
      %dma_wait3A_101 = arith.constant 0 : i32
      %dma_wait3A_102 = tpu.memref_slice %arg13[%dma_wait3A_100, %dma_wait3A_101] : memref<64x128xf32, #tpu.memory_space<vmem>> -> memref<16x128xf32, #tpu.memory_space<vmem>>
      %dma_wait3A_103 = arith.constant 0 : i32
      %dma_wait3A_104 = tpu.memref_slice %arg7[%add3A_11, %dma_wait3A_103] : memref<22528x128xf32, #tpu.memory_space<hbm>> -> memref<16x128xf32, #tpu.memory_space<hbm>>
      %dma_wait3A_105 = arith.constant 0 : i32
      %dma_wait3A_106 = arith.constant 0 : i32
      %dma_wait3A_107 = tpu.memref_slice %arg13[%dma_wait3A_105, %dma_wait3A_106] : memref<64x128xf32, #tpu.memory_space<vmem>> -> memref<16x128xf32, #tpu.memory_space<vmem>>
      %dma_wait3A_108 = arith.constant 0 : i32
      %dma_wait3A_109 = tpu.memref_slice %arg7[%add3A_11, %dma_wait3A_108] : memref<22528x128xf32, #tpu.memory_space<hbm>> -> memref<16x128xf32, #tpu.memory_space<hbm>>
      tpu.wait_dma2 semaphore(%arg16 : memref<!tpu.dma_semaphore, #tpu.memory_space<semaphore_mem>>) src(%dma_wait3A_109 : memref<16x128xf32, #tpu.memory_space<hbm>>) dst(%dma_wait3A_107 : memref<16x128xf32, #tpu.memory_space<vmem>>)
      %dma_wait3A_110 = arith.constant 16 : i32
      %dma_wait3A_111 = arith.constant 0 : i32
      %dma_wait3A_112 = tpu.memref_slice %arg12[%dma_wait3A_110, %dma_wait3A_111] : memref<64x128xi32, #tpu.memory_space<vmem>> -> memref<16x128xi32, #tpu.memory_space<vmem>>
      %dma_wait3A_113 = arith.constant 0 : i32
      %dma_wait3A_114 = tpu.memref_slice %arg4[%add3A_11, %dma_wait3A_113] : memref<22528x128xi32, #tpu.memory_space<hbm>> -> memref<16x128xi32, #tpu.memory_space<hbm>>
      %dma_wait3A_115 = arith.constant 16 : i32
      %dma_wait3A_116 = arith.constant 0 : i32
      %dma_wait3A_117 = tpu.memref_slice %arg12[%dma_wait3A_115, %dma_wait3A_116] : memref<64x128xi32, #tpu.memory_space<vmem>> -> memref<16x128xi32, #tpu.memory_space<vmem>>
      %dma_wait3A_118 = arith.constant 0 : i32
      %dma_wait3A_119 = tpu.memref_slice %arg4[%add3A_11, %dma_wait3A_118] : memref<22528x128xi32, #tpu.memory_space<hbm>> -> memref<16x128xi32, #tpu.memory_space<hbm>>
      tpu.wait_dma2 semaphore(%arg16 : memref<!tpu.dma_semaphore, #tpu.memory_space<semaphore_mem>>) src(%dma_wait3A_119 : memref<16x128xi32, #tpu.memory_space<hbm>>) dst(%dma_wait3A_117 : memref<16x128xi32, #tpu.memory_space<vmem>>)
      %dma_wait3A_120 = arith.constant 16 : i32
      %dma_wait3A_121 = arith.constant 0 : i32
      %dma_wait3A_122 = tpu.memref_slice %arg13[%dma_wait3A_120, %dma_wait3A_121] : memref<64x128xf32, #tpu.memory_space<vmem>> -> memref<16x128xf32, #tpu.memory_space<vmem>>
      %dma_wait3A_123 = arith.constant 0 : i32
      %dma_wait3A_124 = tpu.memref_slice %arg8[%add3A_11, %dma_wait3A_123] : memref<22528x128xf32, #tpu.memory_space<hbm>> -> memref<16x128xf32, #tpu.memory_space<hbm>>
      %dma_wait3A_125 = arith.constant 16 : i32
      %dma_wait3A_126 = arith.constant 0 : i32
      %dma_wait3A_127 = tpu.memref_slice %arg13[%dma_wait3A_125, %dma_wait3A_126] : memref<64x128xf32, #tpu.memory_space<vmem>> -> memref<16x128xf32, #tpu.memory_space<vmem>>
      %dma_wait3A_128 = arith.constant 0 : i32
      %dma_wait3A_129 = tpu.memref_slice %arg8[%add3A_11, %dma_wait3A_128] : memref<22528x128xf32, #tpu.memory_space<hbm>> -> memref<16x128xf32, #tpu.memory_space<hbm>>
      tpu.wait_dma2 semaphore(%arg16 : memref<!tpu.dma_semaphore, #tpu.memory_space<semaphore_mem>>) src(%dma_wait3A_129 : memref<16x128xf32, #tpu.memory_space<hbm>>) dst(%dma_wait3A_127 : memref<16x128xf32, #tpu.memory_space<vmem>>)
      %dma_wait3A_130 = arith.constant 32 : i32
      %dma_wait3A_131 = arith.constant 0 : i32
      %dma_wait3A_132 = tpu.memref_slice %arg12[%dma_wait3A_130, %dma_wait3A_131] : memref<64x128xi32, #tpu.memory_space<vmem>> -> memref<16x128xi32, #tpu.memory_space<vmem>>
      %dma_wait3A_133 = arith.constant 0 : i32
      %dma_wait3A_134 = tpu.memref_slice %arg5[%add3A_11, %dma_wait3A_133] : memref<22528x128xi32, #tpu.memory_space<hbm>> -> memref<16x128xi32, #tpu.memory_space<hbm>>
      %dma_wait3A_135 = arith.constant 32 : i32
      %dma_wait3A_136 = arith.constant 0 : i32
      %dma_wait3A_137 = tpu.memref_slice %arg12[%dma_wait3A_135, %dma_wait3A_136] : memref<64x128xi32, #tpu.memory_space<vmem>> -> memref<16x128xi32, #tpu.memory_space<vmem>>
      %dma_wait3A_138 = arith.constant 0 : i32
      %dma_wait3A_139 = tpu.memref_slice %arg5[%add3A_11, %dma_wait3A_138] : memref<22528x128xi32, #tpu.memory_space<hbm>> -> memref<16x128xi32, #tpu.memory_space<hbm>>
      tpu.wait_dma2 semaphore(%arg16 : memref<!tpu.dma_semaphore, #tpu.memory_space<semaphore_mem>>) src(%dma_wait3A_139 : memref<16x128xi32, #tpu.memory_space<hbm>>) dst(%dma_wait3A_137 : memref<16x128xi32, #tpu.memory_space<vmem>>)
      %dma_wait3A_140 = arith.constant 32 : i32
      %dma_wait3A_141 = arith.constant 0 : i32
      %dma_wait3A_142 = tpu.memref_slice %arg13[%dma_wait3A_140, %dma_wait3A_141] : memref<64x128xf32, #tpu.memory_space<vmem>> -> memref<16x128xf32, #tpu.memory_space<vmem>>
      %dma_wait3A_143 = arith.constant 0 : i32
      %dma_wait3A_144 = tpu.memref_slice %arg9[%add3A_11, %dma_wait3A_143] : memref<22528x128xf32, #tpu.memory_space<hbm>> -> memref<16x128xf32, #tpu.memory_space<hbm>>
      %dma_wait3A_145 = arith.constant 32 : i32
      %dma_wait3A_146 = arith.constant 0 : i32
      %dma_wait3A_147 = tpu.memref_slice %arg13[%dma_wait3A_145, %dma_wait3A_146] : memref<64x128xf32, #tpu.memory_space<vmem>> -> memref<16x128xf32, #tpu.memory_space<vmem>>
      %dma_wait3A_148 = arith.constant 0 : i32
      %dma_wait3A_149 = tpu.memref_slice %arg9[%add3A_11, %dma_wait3A_148] : memref<22528x128xf32, #tpu.memory_space<hbm>> -> memref<16x128xf32, #tpu.memory_space<hbm>>
      tpu.wait_dma2 semaphore(%arg16 : memref<!tpu.dma_semaphore, #tpu.memory_space<semaphore_mem>>) src(%dma_wait3A_149 : memref<16x128xf32, #tpu.memory_space<hbm>>) dst(%dma_wait3A_147 : memref<16x128xf32, #tpu.memory_space<vmem>>)
      %dma_wait3A_150 = arith.constant 48 : i32
      %dma_wait3A_151 = arith.constant 0 : i32
      %dma_wait3A_152 = tpu.memref_slice %arg12[%dma_wait3A_150, %dma_wait3A_151] : memref<64x128xi32, #tpu.memory_space<vmem>> -> memref<16x128xi32, #tpu.memory_space<vmem>>
      %dma_wait3A_153 = arith.constant 0 : i32
      %dma_wait3A_154 = tpu.memref_slice %arg6[%add3A_11, %dma_wait3A_153] : memref<22528x128xi32, #tpu.memory_space<hbm>> -> memref<16x128xi32, #tpu.memory_space<hbm>>
      %dma_wait3A_155 = arith.constant 48 : i32
      %dma_wait3A_156 = arith.constant 0 : i32
      %dma_wait3A_157 = tpu.memref_slice %arg12[%dma_wait3A_155, %dma_wait3A_156] : memref<64x128xi32, #tpu.memory_space<vmem>> -> memref<16x128xi32, #tpu.memory_space<vmem>>
      %dma_wait3A_158 = arith.constant 0 : i32
      %dma_wait3A_159 = tpu.memref_slice %arg6[%add3A_11, %dma_wait3A_158] : memref<22528x128xi32, #tpu.memory_space<hbm>> -> memref<16x128xi32, #tpu.memory_space<hbm>>
      tpu.wait_dma2 semaphore(%arg16 : memref<!tpu.dma_semaphore, #tpu.memory_space<semaphore_mem>>) src(%dma_wait3A_159 : memref<16x128xi32, #tpu.memory_space<hbm>>) dst(%dma_wait3A_157 : memref<16x128xi32, #tpu.memory_space<vmem>>)
      %dma_wait3A_160 = arith.constant 48 : i32
      %dma_wait3A_161 = arith.constant 0 : i32
      %dma_wait3A_162 = tpu.memref_slice %arg13[%dma_wait3A_160, %dma_wait3A_161] : memref<64x128xf32, #tpu.memory_space<vmem>> -> memref<16x128xf32, #tpu.memory_space<vmem>>
      %dma_wait3A_163 = arith.constant 0 : i32
      %dma_wait3A_164 = tpu.memref_slice %arg10[%add3A_11, %dma_wait3A_163] : memref<22528x128xf32, #tpu.memory_space<hbm>> -> memref<16x128xf32, #tpu.memory_space<hbm>>
      %dma_wait3A_165 = arith.constant 48 : i32
      %dma_wait3A_166 = arith.constant 0 : i32
      %dma_wait3A_167 = tpu.memref_slice %arg13[%dma_wait3A_165, %dma_wait3A_166] : memref<64x128xf32, #tpu.memory_space<vmem>> -> memref<16x128xf32, #tpu.memory_space<vmem>>
      %dma_wait3A_168 = arith.constant 0 : i32
      %dma_wait3A_169 = tpu.memref_slice %arg10[%add3A_11, %dma_wait3A_168] : memref<22528x128xf32, #tpu.memory_space<hbm>> -> memref<16x128xf32, #tpu.memory_space<hbm>>
      tpu.wait_dma2 semaphore(%arg16 : memref<!tpu.dma_semaphore, #tpu.memory_space<semaphore_mem>>) src(%dma_wait3A_169 : memref<16x128xf32, #tpu.memory_space<hbm>>) dst(%dma_wait3A_167 : memref<16x128xf32, #tpu.memory_space<vmem>>)
      %scan3A_170 = arith.constant 0 : i32
      %scan3A_171 = arith.constant 0 : i32
      %scan3A_172 = arith.constant 8 : i32
      %scan3A_173 = arith.addi %scan3A_171, %scan3A_172 : i32
      %scan3A_174 = arith.constant 1 : i32
      scf.for %scan3A_176 = %scan3A_171 to %scan3A_173 step %scan3A_174  : i32 {
        %mul3A_177 = arith.constant 2 : i32
        %mul3A_178 = arith.muli %scan3A_176, %mul3A_177 : i32
        %add3A_179 = arith.constant 0 : i32
        %add3A_180 = arith.addi %add3A_179, %mul3A_178 : i32
        %add3A_181 = arith.constant 0 : i32
        %add3A_182 = arith.addi %add3A_180, %add3A_181 : i32
        %dma_start3A_183 = arith.constant 0 : i32
        %dma_start3A_184 = arith.constant 0 : i32
        %dma_start3A_185 = arith.constant 0 : i32
        %dma_start3A_186 = tpu.memref_slice %arg14[%dma_start3A_183, %dma_start3A_184, %dma_start3A_185] : memref<8x128x32xf32, #tpu.memory_space<vmem>> -> memref<1x128x32xf32, #tpu.memory_space<vmem>>
        %dma_start3A_187 = tpu.memref_squeeze %dma_start3A_186 : memref<1x128x32xf32, #tpu.memory_space<vmem>> -> memref<128x32xf32, #tpu.memory_space<vmem>>
        %dma_start3A_188 = arith.constant 0 : i32
        %dma_start3A_189 = tpu.memref_slice %arg12[%add3A_182, %dma_start3A_188] : memref<64x128xi32, #tpu.memory_space<vmem>> -> memref<1x128xi32, #tpu.memory_space<vmem>>
        %dma_start3A_190 = tpu.memref_squeeze %dma_start3A_189 : memref<1x128xi32, #tpu.memory_space<vmem>> -> memref<128xi32, #tpu.memory_space<vmem>>
        %dma_start3A_191 = arith.constant 0 : i32
        %dma_start3A_192 = arith.constant 0 : i32
        %dma_start3A_193 = tpu.memref_slice %arg2[%dma_start3A_191, %dma_start3A_192] : memref<180224x32xf32, #tpu.memory_space<hbm>> -> memref<180224x32xf32, #tpu.memory_space<hbm>>
        tpu.enqueue_indirect_dma source(%dma_start3A_193 : memref<180224x32xf32, #tpu.memory_space<hbm>>) target(%dma_start3A_187 : memref<128x32xf32, #tpu.memory_space<vmem>>) offsets(%dma_start3A_190 : memref<128xi32, #tpu.memory_space<vmem>>) semaphore(%arg17 : memref<!tpu.dma_semaphore, #tpu.memory_space<semaphore_mem>>)
        %add3A_194 = arith.constant 0 : i32
        %add3A_195 = arith.addi %add3A_194, %mul3A_178 : i32
        %add3A_196 = arith.constant 1 : i32
        %add3A_197 = arith.addi %add3A_195, %add3A_196 : i32
        %dma_start3A_198 = arith.constant 1 : i32
        %dma_start3A_199 = arith.constant 0 : i32
        %dma_start3A_200 = arith.constant 0 : i32
        %dma_start3A_201 = tpu.memref_slice %arg14[%dma_start3A_198, %dma_start3A_199, %dma_start3A_200] : memref<8x128x32xf32, #tpu.memory_space<vmem>> -> memref<1x128x32xf32, #tpu.memory_space<vmem>>
        %dma_start3A_202 = tpu.memref_squeeze %dma_start3A_201 : memref<1x128x32xf32, #tpu.memory_space<vmem>> -> memref<128x32xf32, #tpu.memory_space<vmem>>
        %dma_start3A_203 = arith.constant 0 : i32
        %dma_start3A_204 = tpu.memref_slice %arg12[%add3A_197, %dma_start3A_203] : memref<64x128xi32, #tpu.memory_space<vmem>> -> memref<1x128xi32, #tpu.memory_space<vmem>>
        %dma_start3A_205 = tpu.memref_squeeze %dma_start3A_204 : memref<1x128xi32, #tpu.memory_space<vmem>> -> memref<128xi32, #tpu.memory_space<vmem>>
        %dma_start3A_206 = arith.constant 0 : i32
        %dma_start3A_207 = arith.constant 0 : i32
        %dma_start3A_208 = tpu.memref_slice %arg2[%dma_start3A_206, %dma_start3A_207] : memref<180224x32xf32, #tpu.memory_space<hbm>> -> memref<180224x32xf32, #tpu.memory_space<hbm>>
        tpu.enqueue_indirect_dma source(%dma_start3A_208 : memref<180224x32xf32, #tpu.memory_space<hbm>>) target(%dma_start3A_202 : memref<128x32xf32, #tpu.memory_space<vmem>>) offsets(%dma_start3A_205 : memref<128xi32, #tpu.memory_space<vmem>>) semaphore(%arg17 : memref<!tpu.dma_semaphore, #tpu.memory_space<semaphore_mem>>)
        %add3A_209 = arith.constant 16 : i32
        %add3A_210 = arith.addi %add3A_209, %mul3A_178 : i32
        %add3A_211 = arith.constant 0 : i32
        %add3A_212 = arith.addi %add3A_210, %add3A_211 : i32
        %dma_start3A_213 = arith.constant 2 : i32
        %dma_start3A_214 = arith.constant 0 : i32
        %dma_start3A_215 = arith.constant 0 : i32
        %dma_start3A_216 = tpu.memref_slice %arg14[%dma_start3A_213, %dma_start3A_214, %dma_start3A_215] : memref<8x128x32xf32, #tpu.memory_space<vmem>> -> memref<1x128x32xf32, #tpu.memory_space<vmem>>
        %dma_start3A_217 = tpu.memref_squeeze %dma_start3A_216 : memref<1x128x32xf32, #tpu.memory_space<vmem>> -> memref<128x32xf32, #tpu.memory_space<vmem>>
        %dma_start3A_218 = arith.constant 0 : i32
        %dma_start3A_219 = tpu.memref_slice %arg12[%add3A_212, %dma_start3A_218] : memref<64x128xi32, #tpu.memory_space<vmem>> -> memref<1x128xi32, #tpu.memory_space<vmem>>
        %dma_start3A_220 = tpu.memref_squeeze %dma_start3A_219 : memref<1x128xi32, #tpu.memory_space<vmem>> -> memref<128xi32, #tpu.memory_space<vmem>>
        %dma_start3A_221 = arith.constant 0 : i32
        %dma_start3A_222 = arith.constant 0 : i32
        %dma_start3A_223 = tpu.memref_slice %arg2[%dma_start3A_221, %dma_start3A_222] : memref<180224x32xf32, #tpu.memory_space<hbm>> -> memref<180224x32xf32, #tpu.memory_space<hbm>>
        tpu.enqueue_indirect_dma source(%dma_start3A_223 : memref<180224x32xf32, #tpu.memory_space<hbm>>) target(%dma_start3A_217 : memref<128x32xf32, #tpu.memory_space<vmem>>) offsets(%dma_start3A_220 : memref<128xi32, #tpu.memory_space<vmem>>) semaphore(%arg17 : memref<!tpu.dma_semaphore, #tpu.memory_space<semaphore_mem>>)
        %add3A_224 = arith.constant 16 : i32
        %add3A_225 = arith.addi %add3A_224, %mul3A_178 : i32
        %add3A_226 = arith.constant 1 : i32
        %add3A_227 = arith.addi %add3A_225, %add3A_226 : i32
        %dma_start3A_228 = arith.constant 3 : i32
        %dma_start3A_229 = arith.constant 0 : i32
        %dma_start3A_230 = arith.constant 0 : i32
        %dma_start3A_231 = tpu.memref_slice %arg14[%dma_start3A_228, %dma_start3A_229, %dma_start3A_230] : memref<8x128x32xf32, #tpu.memory_space<vmem>> -> memref<1x128x32xf32, #tpu.memory_space<vmem>>
        %dma_start3A_232 = tpu.memref_squeeze %dma_start3A_231 : memref<1x128x32xf32, #tpu.memory_space<vmem>> -> memref<128x32xf32, #tpu.memory_space<vmem>>
        %dma_start3A_233 = arith.constant 0 : i32
        %dma_start3A_234 = tpu.memref_slice %arg12[%add3A_227, %dma_start3A_233] : memref<64x128xi32, #tpu.memory_space<vmem>> -> memref<1x128xi32, #tpu.memory_space<vmem>>
        %dma_start3A_235 = tpu.memref_squeeze %dma_start3A_234 : memref<1x128xi32, #tpu.memory_space<vmem>> -> memref<128xi32, #tpu.memory_space<vmem>>
        %dma_start3A_236 = arith.constant 0 : i32
        %dma_start3A_237 = arith.constant 0 : i32
        %dma_start3A_238 = tpu.memref_slice %arg2[%dma_start3A_236, %dma_start3A_237] : memref<180224x32xf32, #tpu.memory_space<hbm>> -> memref<180224x32xf32, #tpu.memory_space<hbm>>
        tpu.enqueue_indirect_dma source(%dma_start3A_238 : memref<180224x32xf32, #tpu.memory_space<hbm>>) target(%dma_start3A_232 : memref<128x32xf32, #tpu.memory_space<vmem>>) offsets(%dma_start3A_235 : memref<128xi32, #tpu.memory_space<vmem>>) semaphore(%arg17 : memref<!tpu.dma_semaphore, #tpu.memory_space<semaphore_mem>>)
        %add3A_239 = arith.constant 32 : i32
        %add3A_240 = arith.addi %add3A_239, %mul3A_178 : i32
        %add3A_241 = arith.constant 0 : i32
        %add3A_242 = arith.addi %add3A_240, %add3A_241 : i32
        %dma_start3A_243 = arith.constant 4 : i32
        %dma_start3A_244 = arith.constant 0 : i32
        %dma_start3A_245 = arith.constant 0 : i32
        %dma_start3A_246 = tpu.memref_slice %arg14[%dma_start3A_243, %dma_start3A_244, %dma_start3A_245] : memref<8x128x32xf32, #tpu.memory_space<vmem>> -> memref<1x128x32xf32, #tpu.memory_space<vmem>>
        %dma_start3A_247 = tpu.memref_squeeze %dma_start3A_246 : memref<1x128x32xf32, #tpu.memory_space<vmem>> -> memref<128x32xf32, #tpu.memory_space<vmem>>
        %dma_start3A_248 = arith.constant 0 : i32
        %dma_start3A_249 = tpu.memref_slice %arg12[%add3A_242, %dma_start3A_248] : memref<64x128xi32, #tpu.memory_space<vmem>> -> memref<1x128xi32, #tpu.memory_space<vmem>>
        %dma_start3A_250 = tpu.memref_squeeze %dma_start3A_249 : memref<1x128xi32, #tpu.memory_space<vmem>> -> memref<128xi32, #tpu.memory_space<vmem>>
        %dma_start3A_251 = arith.constant 0 : i32
        %dma_start3A_252 = arith.constant 0 : i32
        %dma_start3A_253 = tpu.memref_slice %arg2[%dma_start3A_251, %dma_start3A_252] : memref<180224x32xf32, #tpu.memory_space<hbm>> -> memref<180224x32xf32, #tpu.memory_space<hbm>>
        tpu.enqueue_indirect_dma source(%dma_start3A_253 : memref<180224x32xf32, #tpu.memory_space<hbm>>) target(%dma_start3A_247 : memref<128x32xf32, #tpu.memory_space<vmem>>) offsets(%dma_start3A_250 : memref<128xi32, #tpu.memory_space<vmem>>) semaphore(%arg17 : memref<!tpu.dma_semaphore, #tpu.memory_space<semaphore_mem>>)
        %add3A_254 = arith.constant 32 : i32
        %add3A_255 = arith.addi %add3A_254, %mul3A_178 : i32
        %add3A_256 = arith.constant 1 : i32
        %add3A_257 = arith.addi %add3A_255, %add3A_256 : i32
        %dma_start3A_258 = arith.constant 5 : i32
        %dma_start3A_259 = arith.constant 0 : i32
        %dma_start3A_260 = arith.constant 0 : i32
        %dma_start3A_261 = tpu.memref_slice %arg14[%dma_start3A_258, %dma_start3A_259, %dma_start3A_260] : memref<8x128x32xf32, #tpu.memory_space<vmem>> -> memref<1x128x32xf32, #tpu.memory_space<vmem>>
        %dma_start3A_262 = tpu.memref_squeeze %dma_start3A_261 : memref<1x128x32xf32, #tpu.memory_space<vmem>> -> memref<128x32xf32, #tpu.memory_space<vmem>>
        %dma_start3A_263 = arith.constant 0 : i32
        %dma_start3A_264 = tpu.memref_slice %arg12[%add3A_257, %dma_start3A_263] : memref<64x128xi32, #tpu.memory_space<vmem>> -> memref<1x128xi32, #tpu.memory_space<vmem>>
        %dma_start3A_265 = tpu.memref_squeeze %dma_start3A_264 : memref<1x128xi32, #tpu.memory_space<vmem>> -> memref<128xi32, #tpu.memory_space<vmem>>
        %dma_start3A_266 = arith.constant 0 : i32
        %dma_start3A_267 = arith.constant 0 : i32
        %dma_start3A_268 = tpu.memref_slice %arg2[%dma_start3A_266, %dma_start3A_267] : memref<180224x32xf32, #tpu.memory_space<hbm>> -> memref<180224x32xf32, #tpu.memory_space<hbm>>
        tpu.enqueue_indirect_dma source(%dma_start3A_268 : memref<180224x32xf32, #tpu.memory_space<hbm>>) target(%dma_start3A_262 : memref<128x32xf32, #tpu.memory_space<vmem>>) offsets(%dma_start3A_265 : memref<128xi32, #tpu.memory_space<vmem>>) semaphore(%arg17 : memref<!tpu.dma_semaphore, #tpu.memory_space<semaphore_mem>>)
        %add3A_269 = arith.constant 48 : i32
        %add3A_270 = arith.addi %add3A_269, %mul3A_178 : i32
        %add3A_271 = arith.constant 0 : i32
        %add3A_272 = arith.addi %add3A_270, %add3A_271 : i32
        %dma_start3A_273 = arith.constant 6 : i32
        %dma_start3A_274 = arith.constant 0 : i32
        %dma_start3A_275 = arith.constant 0 : i32
        %dma_start3A_276 = tpu.memref_slice %arg14[%dma_start3A_273, %dma_start3A_274, %dma_start3A_275] : memref<8x128x32xf32, #tpu.memory_space<vmem>> -> memref<1x128x32xf32, #tpu.memory_space<vmem>>
        %dma_start3A_277 = tpu.memref_squeeze %dma_start3A_276 : memref<1x128x32xf32, #tpu.memory_space<vmem>> -> memref<128x32xf32, #tpu.memory_space<vmem>>
        %dma_start3A_278 = arith.constant 0 : i32
        %dma_start3A_279 = tpu.memref_slice %arg12[%add3A_272, %dma_start3A_278] : memref<64x128xi32, #tpu.memory_space<vmem>> -> memref<1x128xi32, #tpu.memory_space<vmem>>
        %dma_start3A_280 = tpu.memref_squeeze %dma_start3A_279 : memref<1x128xi32, #tpu.memory_space<vmem>> -> memref<128xi32, #tpu.memory_space<vmem>>
        %dma_start3A_281 = arith.constant 0 : i32
        %dma_start3A_282 = arith.constant 0 : i32
        %dma_start3A_283 = tpu.memref_slice %arg2[%dma_start3A_281, %dma_start3A_282] : memref<180224x32xf32, #tpu.memory_space<hbm>> -> memref<180224x32xf32, #tpu.memory_space<hbm>>
        tpu.enqueue_indirect_dma source(%dma_start3A_283 : memref<180224x32xf32, #tpu.memory_space<hbm>>) target(%dma_start3A_277 : memref<128x32xf32, #tpu.memory_space<vmem>>) offsets(%dma_start3A_280 : memref<128xi32, #tpu.memory_space<vmem>>) semaphore(%arg17 : memref<!tpu.dma_semaphore, #tpu.memory_space<semaphore_mem>>)
        %add3A_284 = arith.constant 48 : i32
        %add3A_285 = arith.addi %add3A_284, %mul3A_178 : i32
        %add3A_286 = arith.constant 1 : i32
        %add3A_287 = arith.addi %add3A_285, %add3A_286 : i32
        %dma_start3A_288 = arith.constant 7 : i32
        %dma_start3A_289 = arith.constant 0 : i32
        %dma_start3A_290 = arith.constant 0 : i32
        %dma_start3A_291 = tpu.memref_slice %arg14[%dma_start3A_288, %dma_start3A_289, %dma_start3A_290] : memref<8x128x32xf32, #tpu.memory_space<vmem>> -> memref<1x128x32xf32, #tpu.memory_space<vmem>>
        %dma_start3A_292 = tpu.memref_squeeze %dma_start3A_291 : memref<1x128x32xf32, #tpu.memory_space<vmem>> -> memref<128x32xf32, #tpu.memory_space<vmem>>
        %dma_start3A_293 = arith.constant 0 : i32
        %dma_start3A_294 = tpu.memref_slice %arg12[%add3A_287, %dma_start3A_293] : memref<64x128xi32, #tpu.memory_space<vmem>> -> memref<1x128xi32, #tpu.memory_space<vmem>>
        %dma_start3A_295 = tpu.memref_squeeze %dma_start3A_294 : memref<1x128xi32, #tpu.memory_space<vmem>> -> memref<128xi32, #tpu.memory_space<vmem>>
        %dma_start3A_296 = arith.constant 0 : i32
        %dma_start3A_297 = arith.constant 0 : i32
        %dma_start3A_298 = tpu.memref_slice %arg2[%dma_start3A_296, %dma_start3A_297] : memref<180224x32xf32, #tpu.memory_space<hbm>> -> memref<180224x32xf32, #tpu.memory_space<hbm>>
        tpu.enqueue_indirect_dma source(%dma_start3A_298 : memref<180224x32xf32, #tpu.memory_space<hbm>>) target(%dma_start3A_292 : memref<128x32xf32, #tpu.memory_space<vmem>>) offsets(%dma_start3A_295 : memref<128xi32, #tpu.memory_space<vmem>>) semaphore(%arg17 : memref<!tpu.dma_semaphore, #tpu.memory_space<semaphore_mem>>)
        %dma_wait3A_299 = arith.constant 0 : i32
        %dma_wait3A_300 = arith.constant 0 : i32
        %dma_wait3A_301 = arith.constant 0 : i32
        %dma_wait3A_302 = tpu.memref_slice %arg14[%dma_wait3A_299, %dma_wait3A_300, %dma_wait3A_301] : memref<8x128x32xf32, #tpu.memory_space<vmem>> -> memref<1x128x32xf32, #tpu.memory_space<vmem>>
        %dma_wait3A_303 = tpu.memref_squeeze %dma_wait3A_302 : memref<1x128x32xf32, #tpu.memory_space<vmem>> -> memref<128x32xf32, #tpu.memory_space<vmem>>
        %dma_wait3A_304 = arith.constant 0 : i32
        %dma_wait3A_305 = tpu.memref_slice %arg12[%add3A_182, %dma_wait3A_304] : memref<64x128xi32, #tpu.memory_space<vmem>> -> memref<1x128xi32, #tpu.memory_space<vmem>>
        %dma_wait3A_306 = tpu.memref_squeeze %dma_wait3A_305 : memref<1x128xi32, #tpu.memory_space<vmem>> -> memref<128xi32, #tpu.memory_space<vmem>>
        %dma_wait3A_307 = arith.constant 0 : i32
        %dma_wait3A_308 = arith.constant 0 : i32
        %dma_wait3A_309 = tpu.memref_slice %arg2[%dma_wait3A_307, %dma_wait3A_308] : memref<180224x32xf32, #tpu.memory_space<hbm>> -> memref<180224x32xf32, #tpu.memory_space<hbm>>
        tpu.wait_indirect_dma semaphore(%arg17 : memref<!tpu.dma_semaphore, #tpu.memory_space<semaphore_mem>>) src(%dma_wait3A_309 : memref<180224x32xf32, #tpu.memory_space<hbm>>) dst(%dma_wait3A_303 : memref<128x32xf32, #tpu.memory_space<vmem>>)
        %dma_wait3A_310 = arith.constant 1 : i32
        %dma_wait3A_311 = arith.constant 0 : i32
        %dma_wait3A_312 = arith.constant 0 : i32
        %dma_wait3A_313 = tpu.memref_slice %arg14[%dma_wait3A_310, %dma_wait3A_311, %dma_wait3A_312] : memref<8x128x32xf32, #tpu.memory_space<vmem>> -> memref<1x128x32xf32, #tpu.memory_space<vmem>>
        %dma_wait3A_314 = tpu.memref_squeeze %dma_wait3A_313 : memref<1x128x32xf32, #tpu.memory_space<vmem>> -> memref<128x32xf32, #tpu.memory_space<vmem>>
        %dma_wait3A_315 = arith.constant 0 : i32
        %dma_wait3A_316 = tpu.memref_slice %arg12[%add3A_197, %dma_wait3A_315] : memref<64x128xi32, #tpu.memory_space<vmem>> -> memref<1x128xi32, #tpu.memory_space<vmem>>
        %dma_wait3A_317 = tpu.memref_squeeze %dma_wait3A_316 : memref<1x128xi32, #tpu.memory_space<vmem>> -> memref<128xi32, #tpu.memory_space<vmem>>
        %dma_wait3A_318 = arith.constant 0 : i32
        %dma_wait3A_319 = arith.constant 0 : i32
        %dma_wait3A_320 = tpu.memref_slice %arg2[%dma_wait3A_318, %dma_wait3A_319] : memref<180224x32xf32, #tpu.memory_space<hbm>> -> memref<180224x32xf32, #tpu.memory_space<hbm>>
        tpu.wait_indirect_dma semaphore(%arg17 : memref<!tpu.dma_semaphore, #tpu.memory_space<semaphore_mem>>) src(%dma_wait3A_320 : memref<180224x32xf32, #tpu.memory_space<hbm>>) dst(%dma_wait3A_314 : memref<128x32xf32, #tpu.memory_space<vmem>>)
        %dma_wait3A_321 = arith.constant 2 : i32
        %dma_wait3A_322 = arith.constant 0 : i32
        %dma_wait3A_323 = arith.constant 0 : i32
        %dma_wait3A_324 = tpu.memref_slice %arg14[%dma_wait3A_321, %dma_wait3A_322, %dma_wait3A_323] : memref<8x128x32xf32, #tpu.memory_space<vmem>> -> memref<1x128x32xf32, #tpu.memory_space<vmem>>
        %dma_wait3A_325 = tpu.memref_squeeze %dma_wait3A_324 : memref<1x128x32xf32, #tpu.memory_space<vmem>> -> memref<128x32xf32, #tpu.memory_space<vmem>>
        %dma_wait3A_326 = arith.constant 0 : i32
        %dma_wait3A_327 = tpu.memref_slice %arg12[%add3A_212, %dma_wait3A_326] : memref<64x128xi32, #tpu.memory_space<vmem>> -> memref<1x128xi32, #tpu.memory_space<vmem>>
        %dma_wait3A_328 = tpu.memref_squeeze %dma_wait3A_327 : memref<1x128xi32, #tpu.memory_space<vmem>> -> memref<128xi32, #tpu.memory_space<vmem>>
        %dma_wait3A_329 = arith.constant 0 : i32
        %dma_wait3A_330 = arith.constant 0 : i32
        %dma_wait3A_331 = tpu.memref_slice %arg2[%dma_wait3A_329, %dma_wait3A_330] : memref<180224x32xf32, #tpu.memory_space<hbm>> -> memref<180224x32xf32, #tpu.memory_space<hbm>>
        tpu.wait_indirect_dma semaphore(%arg17 : memref<!tpu.dma_semaphore, #tpu.memory_space<semaphore_mem>>) src(%dma_wait3A_331 : memref<180224x32xf32, #tpu.memory_space<hbm>>) dst(%dma_wait3A_325 : memref<128x32xf32, #tpu.memory_space<vmem>>)
        %dma_wait3A_332 = arith.constant 3 : i32
        %dma_wait3A_333 = arith.constant 0 : i32
        %dma_wait3A_334 = arith.constant 0 : i32
        %dma_wait3A_335 = tpu.memref_slice %arg14[%dma_wait3A_332, %dma_wait3A_333, %dma_wait3A_334] : memref<8x128x32xf32, #tpu.memory_space<vmem>> -> memref<1x128x32xf32, #tpu.memory_space<vmem>>
        %dma_wait3A_336 = tpu.memref_squeeze %dma_wait3A_335 : memref<1x128x32xf32, #tpu.memory_space<vmem>> -> memref<128x32xf32, #tpu.memory_space<vmem>>
        %dma_wait3A_337 = arith.constant 0 : i32
        %dma_wait3A_338 = tpu.memref_slice %arg12[%add3A_227, %dma_wait3A_337] : memref<64x128xi32, #tpu.memory_space<vmem>> -> memref<1x128xi32, #tpu.memory_space<vmem>>
        %dma_wait3A_339 = tpu.memref_squeeze %dma_wait3A_338 : memref<1x128xi32, #tpu.memory_space<vmem>> -> memref<128xi32, #tpu.memory_space<vmem>>
        %dma_wait3A_340 = arith.constant 0 : i32
        %dma_wait3A_341 = arith.constant 0 : i32
        %dma_wait3A_342 = tpu.memref_slice %arg2[%dma_wait3A_340, %dma_wait3A_341] : memref<180224x32xf32, #tpu.memory_space<hbm>> -> memref<180224x32xf32, #tpu.memory_space<hbm>>
        tpu.wait_indirect_dma semaphore(%arg17 : memref<!tpu.dma_semaphore, #tpu.memory_space<semaphore_mem>>) src(%dma_wait3A_342 : memref<180224x32xf32, #tpu.memory_space<hbm>>) dst(%dma_wait3A_336 : memref<128x32xf32, #tpu.memory_space<vmem>>)
        %dma_wait3A_343 = arith.constant 4 : i32
        %dma_wait3A_344 = arith.constant 0 : i32
        %dma_wait3A_345 = arith.constant 0 : i32
        %dma_wait3A_346 = tpu.memref_slice %arg14[%dma_wait3A_343, %dma_wait3A_344, %dma_wait3A_345] : memref<8x128x32xf32, #tpu.memory_space<vmem>> -> memref<1x128x32xf32, #tpu.memory_space<vmem>>
        %dma_wait3A_347 = tpu.memref_squeeze %dma_wait3A_346 : memref<1x128x32xf32, #tpu.memory_space<vmem>> -> memref<128x32xf32, #tpu.memory_space<vmem>>
        %dma_wait3A_348 = arith.constant 0 : i32
        %dma_wait3A_349 = tpu.memref_slice %arg12[%add3A_242, %dma_wait3A_348] : memref<64x128xi32, #tpu.memory_space<vmem>> -> memref<1x128xi32, #tpu.memory_space<vmem>>
        %dma_wait3A_350 = tpu.memref_squeeze %dma_wait3A_349 : memref<1x128xi32, #tpu.memory_space<vmem>> -> memref<128xi32, #tpu.memory_space<vmem>>
        %dma_wait3A_351 = arith.constant 0 : i32
        %dma_wait3A_352 = arith.constant 0 : i32
        %dma_wait3A_353 = tpu.memref_slice %arg2[%dma_wait3A_351, %dma_wait3A_352] : memref<180224x32xf32, #tpu.memory_space<hbm>> -> memref<180224x32xf32, #tpu.memory_space<hbm>>
        tpu.wait_indirect_dma semaphore(%arg17 : memref<!tpu.dma_semaphore, #tpu.memory_space<semaphore_mem>>) src(%dma_wait3A_353 : memref<180224x32xf32, #tpu.memory_space<hbm>>) dst(%dma_wait3A_347 : memref<128x32xf32, #tpu.memory_space<vmem>>)
        %dma_wait3A_354 = arith.constant 5 : i32
        %dma_wait3A_355 = arith.constant 0 : i32
        %dma_wait3A_356 = arith.constant 0 : i32
        %dma_wait3A_357 = tpu.memref_slice %arg14[%dma_wait3A_354, %dma_wait3A_355, %dma_wait3A_356] : memref<8x128x32xf32, #tpu.memory_space<vmem>> -> memref<1x128x32xf32, #tpu.memory_space<vmem>>
        %dma_wait3A_358 = tpu.memref_squeeze %dma_wait3A_357 : memref<1x128x32xf32, #tpu.memory_space<vmem>> -> memref<128x32xf32, #tpu.memory_space<vmem>>
        %dma_wait3A_359 = arith.constant 0 : i32
        %dma_wait3A_360 = tpu.memref_slice %arg12[%add3A_257, %dma_wait3A_359] : memref<64x128xi32, #tpu.memory_space<vmem>> -> memref<1x128xi32, #tpu.memory_space<vmem>>
        %dma_wait3A_361 = tpu.memref_squeeze %dma_wait3A_360 : memref<1x128xi32, #tpu.memory_space<vmem>> -> memref<128xi32, #tpu.memory_space<vmem>>
        %dma_wait3A_362 = arith.constant 0 : i32
        %dma_wait3A_363 = arith.constant 0 : i32
        %dma_wait3A_364 = tpu.memref_slice %arg2[%dma_wait3A_362, %dma_wait3A_363] : memref<180224x32xf32, #tpu.memory_space<hbm>> -> memref<180224x32xf32, #tpu.memory_space<hbm>>
        tpu.wait_indirect_dma semaphore(%arg17 : memref<!tpu.dma_semaphore, #tpu.memory_space<semaphore_mem>>) src(%dma_wait3A_364 : memref<180224x32xf32, #tpu.memory_space<hbm>>) dst(%dma_wait3A_358 : memref<128x32xf32, #tpu.memory_space<vmem>>)
        %dma_wait3A_365 = arith.constant 6 : i32
        %dma_wait3A_366 = arith.constant 0 : i32
        %dma_wait3A_367 = arith.constant 0 : i32
        %dma_wait3A_368 = tpu.memref_slice %arg14[%dma_wait3A_365, %dma_wait3A_366, %dma_wait3A_367] : memref<8x128x32xf32, #tpu.memory_space<vmem>> -> memref<1x128x32xf32, #tpu.memory_space<vmem>>
        %dma_wait3A_369 = tpu.memref_squeeze %dma_wait3A_368 : memref<1x128x32xf32, #tpu.memory_space<vmem>> -> memref<128x32xf32, #tpu.memory_space<vmem>>
        %dma_wait3A_370 = arith.constant 0 : i32
        %dma_wait3A_371 = tpu.memref_slice %arg12[%add3A_272, %dma_wait3A_370] : memref<64x128xi32, #tpu.memory_space<vmem>> -> memref<1x128xi32, #tpu.memory_space<vmem>>
        %dma_wait3A_372 = tpu.memref_squeeze %dma_wait3A_371 : memref<1x128xi32, #tpu.memory_space<vmem>> -> memref<128xi32, #tpu.memory_space<vmem>>
        %dma_wait3A_373 = arith.constant 0 : i32
        %dma_wait3A_374 = arith.constant 0 : i32
        %dma_wait3A_375 = tpu.memref_slice %arg2[%dma_wait3A_373, %dma_wait3A_374] : memref<180224x32xf32, #tpu.memory_space<hbm>> -> memref<180224x32xf32, #tpu.memory_space<hbm>>
        tpu.wait_indirect_dma semaphore(%arg17 : memref<!tpu.dma_semaphore, #tpu.memory_space<semaphore_mem>>) src(%dma_wait3A_375 : memref<180224x32xf32, #tpu.memory_space<hbm>>) dst(%dma_wait3A_369 : memref<128x32xf32, #tpu.memory_space<vmem>>)
        %dma_wait3A_376 = arith.constant 7 : i32
        %dma_wait3A_377 = arith.constant 0 : i32
        %dma_wait3A_378 = arith.constant 0 : i32
        %dma_wait3A_379 = tpu.memref_slice %arg14[%dma_wait3A_376, %dma_wait3A_377, %dma_wait3A_378] : memref<8x128x32xf32, #tpu.memory_space<vmem>> -> memref<1x128x32xf32, #tpu.memory_space<vmem>>
        %dma_wait3A_380 = tpu.memref_squeeze %dma_wait3A_379 : memref<1x128x32xf32, #tpu.memory_space<vmem>> -> memref<128x32xf32, #tpu.memory_space<vmem>>
        %dma_wait3A_381 = arith.constant 0 : i32
        %dma_wait3A_382 = tpu.memref_slice %arg12[%add3A_287, %dma_wait3A_381] : memref<64x128xi32, #tpu.memory_space<vmem>> -> memref<1x128xi32, #tpu.memory_space<vmem>>
        %dma_wait3A_383 = tpu.memref_squeeze %dma_wait3A_382 : memref<1x128xi32, #tpu.memory_space<vmem>> -> memref<128xi32, #tpu.memory_space<vmem>>
        %dma_wait3A_384 = arith.constant 0 : i32
        %dma_wait3A_385 = arith.constant 0 : i32
        %dma_wait3A_386 = tpu.memref_slice %arg2[%dma_wait3A_384, %dma_wait3A_385] : memref<180224x32xf32, #tpu.memory_space<hbm>> -> memref<180224x32xf32, #tpu.memory_space<hbm>>
        tpu.wait_indirect_dma semaphore(%arg17 : memref<!tpu.dma_semaphore, #tpu.memory_space<semaphore_mem>>) src(%dma_wait3A_386 : memref<180224x32xf32, #tpu.memory_space<hbm>>) dst(%dma_wait3A_380 : memref<128x32xf32, #tpu.memory_space<vmem>>)
        %scan3A_387 = arith.constant 0 : i32
        %scan3A_388 = arith.constant 0 : i32
        %scan3A_389 = arith.constant 16 : i32
        %scan3A_390 = arith.addi %scan3A_388, %scan3A_389 : i32
        %scan3A_391 = arith.constant 1 : i32
        scf.for %scan3A_393 = %scan3A_388 to %scan3A_390 step %scan3A_391  : i32 {
          %shift_right_arithmetic3A = arith.constant 3 : i32
          %shift_right_arithmetic3A_394 = arith.shrsi %scan3A_393, %shift_right_arithmetic3A : i32
          %and3A = arith.constant 7 : i32
          %and3A_395 = arith.andi %scan3A_393, %and3A : i32
          %broadcast_in_dim3A = arith.constant 0.000000e+00 : f32
          %broadcast_in_dim3A_396 = vector.broadcast %broadcast_in_dim3A : f32 to vector<16xf32>
          %broadcast_in_dim3A_397 = arith.constant 0.000000e+00 : f32
          %broadcast_in_dim3A_398 = vector.broadcast %broadcast_in_dim3A_397 : f32 to vector<16xf32>
          %mul3A_399 = arith.constant 16 : i32
          %mul3A_400 = arith.muli %and3A_395, %mul3A_399 : i32
          %add3A_401 = arith.constant 0 : i32
          %add3A_402 = arith.addi %add3A_401, %shift_right_arithmetic3A_394 : i32
          %add3A_403 = arith.constant 0 : i32
          %add3A_404 = arith.addi %add3A_403, %mul3A_178 : i32
          %add3A_405 = arith.addi %add3A_404, %shift_right_arithmetic3A_394 : i32
          %get3A = arith.index_cast %add3A_405 : i32 to index
          %get3A_406 = arith.index_cast %mul3A_400 : i32 to index
          %get3A_407 = tpu.vector_load %arg13[%get3A, %get3A_406] {strides = array<i32>} : memref<64x128xf32, #tpu.memory_space<vmem>>, vector<1x16xf32>,
          %get3A_408 = vector.shape_cast %get3A_407 : vector<1x16xf32> to vector<16xf32>
          %slice3A = vector.extract_strided_slice %get3A_408 {offsets = [0], sizes = [1], strides = [1]} : vector<16xf32> to vector<1xf32>
          %squeeze3A = vector.extract %slice3A[0] : f32 from vector<1xf32>
          %add3A_409 = arith.constant 0 : i32
          %add3A_410 = arith.addi %mul3A_400, %add3A_409 : i32
          %get3A_411 = arith.index_cast %add3A_402 : i32 to index
          %get3A_412 = arith.index_cast %add3A_410 : i32 to index
          %get3A_413 = arith.constant 0 : index
          %get3A_414 = tpu.vector_load %arg14[%get3A_411, %get3A_412, %get3A_413] {strides = array<i32>} : memref<8x128x32xf32, #tpu.memory_space<vmem>>, vector<1x1x16xf32>,
          %get3A_415 = vector.shape_cast %get3A_414 : vector<1x1x16xf32> to vector<16xf32>
          %mul3A_416 = vector.broadcast %squeeze3A : f32 to vector<16xf32>
          %mul3A_417 = arith.mulf %mul3A_416, %get3A_415 : vector<16xf32>
          %add3A_418 = arith.addf %broadcast_in_dim3A_396, %mul3A_417 : vector<16xf32>
          %add3A_419 = arith.constant 0 : i32
          %add3A_420 = arith.addi %mul3A_400, %add3A_419 : i32
          %get3A_421 = arith.index_cast %add3A_402 : i32 to index
          %get3A_422 = arith.index_cast %add3A_420 : i32 to index
          %get3A_423 = arith.constant 16 : index
          %get3A_424 = tpu.vector_load %arg14[%get3A_421, %get3A_422, %get3A_423] {strides = array<i32>} : memref<8x128x32xf32, #tpu.memory_space<vmem>>, vector<1x1x16xf32>,
          %get3A_425 = vector.shape_cast %get3A_424 : vector<1x1x16xf32> to vector<16xf32>
          %mul3A_426 = vector.broadcast %squeeze3A : f32 to vector<16xf32>
          %mul3A_427 = arith.mulf %mul3A_426, %get3A_425 : vector<16xf32>
          %add3A_428 = arith.addf %broadcast_in_dim3A_398, %mul3A_427 : vector<16xf32>
          %slice3A_429 = vector.extract_strided_slice %get3A_408 {offsets = [1], sizes = [1], strides = [1]} : vector<16xf32> to vector<1xf32>
          %squeeze3A_430 = vector.extract %slice3A_429[0] : f32 from vector<1xf32>
          %add3A_431 = arith.constant 1 : i32
          %add3A_432 = arith.addi %mul3A_400, %add3A_431 : i32
          %get3A_433 = arith.index_cast %add3A_402 : i32 to index
          %get3A_434 = arith.index_cast %add3A_432 : i32 to index
          %get3A_435 = arith.constant 0 : index
          %get3A_436 = tpu.vector_load %arg14[%get3A_433, %get3A_434, %get3A_435] {strides = array<i32>} : memref<8x128x32xf32, #tpu.memory_space<vmem>>, vector<1x1x16xf32>,
          %get3A_437 = vector.shape_cast %get3A_436 : vector<1x1x16xf32> to vector<16xf32>
          %mul3A_438 = vector.broadcast %squeeze3A_430 : f32 to vector<16xf32>
          %mul3A_439 = arith.mulf %mul3A_438, %get3A_437 : vector<16xf32>
          %add3A_440 = arith.addf %add3A_418, %mul3A_439 : vector<16xf32>
          %add3A_441 = arith.constant 1 : i32
          %add3A_442 = arith.addi %mul3A_400, %add3A_441 : i32
          %get3A_443 = arith.index_cast %add3A_402 : i32 to index
          %get3A_444 = arith.index_cast %add3A_442 : i32 to index
          %get3A_445 = arith.constant 16 : index
          %get3A_446 = tpu.vector_load %arg14[%get3A_443, %get3A_444, %get3A_445] {strides = array<i32>} : memref<8x128x32xf32, #tpu.memory_space<vmem>>, vector<1x1x16xf32>,
          %get3A_447 = vector.shape_cast %get3A_446 : vector<1x1x16xf32> to vector<16xf32>
          %mul3A_448 = vector.broadcast %squeeze3A_430 : f32 to vector<16xf32>
          %mul3A_449 = arith.mulf %mul3A_448, %get3A_447 : vector<16xf32>
          %add3A_450 = arith.addf %add3A_428, %mul3A_449 : vector<16xf32>
          %slice3A_451 = vector.extract_strided_slice %get3A_408 {offsets = [2], sizes = [1], strides = [1]} : vector<16xf32> to vector<1xf32>
          %squeeze3A_452 = vector.extract %slice3A_451[0] : f32 from vector<1xf32>
          %add3A_453 = arith.constant 2 : i32
          %add3A_454 = arith.addi %mul3A_400, %add3A_453 : i32
          %get3A_455 = arith.index_cast %add3A_402 : i32 to index
          %get3A_456 = arith.index_cast %add3A_454 : i32 to index
          %get3A_457 = arith.constant 0 : index
          %get3A_458 = tpu.vector_load %arg14[%get3A_455, %get3A_456, %get3A_457] {strides = array<i32>} : memref<8x128x32xf32, #tpu.memory_space<vmem>>, vector<1x1x16xf32>,
          %get3A_459 = vector.shape_cast %get3A_458 : vector<1x1x16xf32> to vector<16xf32>
          %mul3A_460 = vector.broadcast %squeeze3A_452 : f32 to vector<16xf32>
          %mul3A_461 = arith.mulf %mul3A_460, %get3A_459 : vector<16xf32>
          %add3A_462 = arith.addf %add3A_440, %mul3A_461 : vector<16xf32>
          %add3A_463 = arith.constant 2 : i32
          %add3A_464 = arith.addi %mul3A_400, %add3A_463 : i32
          %get3A_465 = arith.index_cast %add3A_402 : i32 to index
          %get3A_466 = arith.index_cast %add3A_464 : i32 to index
          %get3A_467 = arith.constant 16 : index
          %get3A_468 = tpu.vector_load %arg14[%get3A_465, %get3A_466, %get3A_467] {strides = array<i32>} : memref<8x128x32xf32, #tpu.memory_space<vmem>>, vector<1x1x16xf32>,
          %get3A_469 = vector.shape_cast %get3A_468 : vector<1x1x16xf32> to vector<16xf32>
          %mul3A_470 = vector.broadcast %squeeze3A_452 : f32 to vector<16xf32>
          %mul3A_471 = arith.mulf %mul3A_470, %get3A_469 : vector<16xf32>
          %add3A_472 = arith.addf %add3A_450, %mul3A_471 : vector<16xf32>
          %slice3A_473 = vector.extract_strided_slice %get3A_408 {offsets = [3], sizes = [1], strides = [1]} : vector<16xf32> to vector<1xf32>
          %squeeze3A_474 = vector.extract %slice3A_473[0] : f32 from vector<1xf32>
          %add3A_475 = arith.constant 3 : i32
          %add3A_476 = arith.addi %mul3A_400, %add3A_475 : i32
          %get3A_477 = arith.index_cast %add3A_402 : i32 to index
          %get3A_478 = arith.index_cast %add3A_476 : i32 to index
          %get3A_479 = arith.constant 0 : index
          %get3A_480 = tpu.vector_load %arg14[%get3A_477, %get3A_478, %get3A_479] {strides = array<i32>} : memref<8x128x32xf32, #tpu.memory_space<vmem>>, vector<1x1x16xf32>,
          %get3A_481 = vector.shape_cast %get3A_480 : vector<1x1x16xf32> to vector<16xf32>
          %mul3A_482 = vector.broadcast %squeeze3A_474 : f32 to vector<16xf32>
          %mul3A_483 = arith.mulf %mul3A_482, %get3A_481 : vector<16xf32>
          %add3A_484 = arith.addf %add3A_462, %mul3A_483 : vector<16xf32>
          %add3A_485 = arith.constant 3 : i32
          %add3A_486 = arith.addi %mul3A_400, %add3A_485 : i32
          %get3A_487 = arith.index_cast %add3A_402 : i32 to index
          %get3A_488 = arith.index_cast %add3A_486 : i32 to index
          %get3A_489 = arith.constant 16 : index
          %get3A_490 = tpu.vector_load %arg14[%get3A_487, %get3A_488, %get3A_489] {strides = array<i32>} : memref<8x128x32xf32, #tpu.memory_space<vmem>>, vector<1x1x16xf32>,
          %get3A_491 = vector.shape_cast %get3A_490 : vector<1x1x16xf32> to vector<16xf32>
          %mul3A_492 = vector.broadcast %squeeze3A_474 : f32 to vector<16xf32>
          %mul3A_493 = arith.mulf %mul3A_492, %get3A_491 : vector<16xf32>
          %add3A_494 = arith.addf %add3A_472, %mul3A_493 : vector<16xf32>
          %slice3A_495 = vector.extract_strided_slice %get3A_408 {offsets = [4], sizes = [1], strides = [1]} : vector<16xf32> to vector<1xf32>
          %squeeze3A_496 = vector.extract %slice3A_495[0] : f32 from vector<1xf32>
          %add3A_497 = arith.constant 4 : i32
          %add3A_498 = arith.addi %mul3A_400, %add3A_497 : i32
          %get3A_499 = arith.index_cast %add3A_402 : i32 to index
          %get3A_500 = arith.index_cast %add3A_498 : i32 to index
          %get3A_501 = arith.constant 0 : index
          %get3A_502 = tpu.vector_load %arg14[%get3A_499, %get3A_500, %get3A_501] {strides = array<i32>} : memref<8x128x32xf32, #tpu.memory_space<vmem>>, vector<1x1x16xf32>,
          %get3A_503 = vector.shape_cast %get3A_502 : vector<1x1x16xf32> to vector<16xf32>
          %mul3A_504 = vector.broadcast %squeeze3A_496 : f32 to vector<16xf32>
          %mul3A_505 = arith.mulf %mul3A_504, %get3A_503 : vector<16xf32>
          %add3A_506 = arith.addf %add3A_484, %mul3A_505 : vector<16xf32>
          %add3A_507 = arith.constant 4 : i32
          %add3A_508 = arith.addi %mul3A_400, %add3A_507 : i32
          %get3A_509 = arith.index_cast %add3A_402 : i32 to index
          %get3A_510 = arith.index_cast %add3A_508 : i32 to index
          %get3A_511 = arith.constant 16 : index
          %get3A_512 = tpu.vector_load %arg14[%get3A_509, %get3A_510, %get3A_511] {strides = array<i32>} : memref<8x128x32xf32, #tpu.memory_space<vmem>>, vector<1x1x16xf32>,
          %get3A_513 = vector.shape_cast %get3A_512 : vector<1x1x16xf32> to vector<16xf32>
          %mul3A_514 = vector.broadcast %squeeze3A_496 : f32 to vector<16xf32>
          %mul3A_515 = arith.mulf %mul3A_514, %get3A_513 : vector<16xf32>
          %add3A_516 = arith.addf %add3A_494, %mul3A_515 : vector<16xf32>
          %slice3A_517 = vector.extract_strided_slice %get3A_408 {offsets = [5], sizes = [1], strides = [1]} : vector<16xf32> to vector<1xf32>
          %squeeze3A_518 = vector.extract %slice3A_517[0] : f32 from vector<1xf32>
          %add3A_519 = arith.constant 5 : i32
          %add3A_520 = arith.addi %mul3A_400, %add3A_519 : i32
          %get3A_521 = arith.index_cast %add3A_402 : i32 to index
          %get3A_522 = arith.index_cast %add3A_520 : i32 to index
          %get3A_523 = arith.constant 0 : index
          %get3A_524 = tpu.vector_load %arg14[%get3A_521, %get3A_522, %get3A_523] {strides = array<i32>} : memref<8x128x32xf32, #tpu.memory_space<vmem>>, vector<1x1x16xf32>,
          %get3A_525 = vector.shape_cast %get3A_524 : vector<1x1x16xf32> to vector<16xf32>
          %mul3A_526 = vector.broadcast %squeeze3A_518 : f32 to vector<16xf32>
          %mul3A_527 = arith.mulf %mul3A_526, %get3A_525 : vector<16xf32>
          %add3A_528 = arith.addf %add3A_506, %mul3A_527 : vector<16xf32>
          %add3A_529 = arith.constant 5 : i32
          %add3A_530 = arith.addi %mul3A_400, %add3A_529 : i32
          %get3A_531 = arith.index_cast %add3A_402 : i32 to index
          %get3A_532 = arith.index_cast %add3A_530 : i32 to index
          %get3A_533 = arith.constant 16 : index
          %get3A_534 = tpu.vector_load %arg14[%get3A_531, %get3A_532, %get3A_533] {strides = array<i32>} : memref<8x128x32xf32, #tpu.memory_space<vmem>>, vector<1x1x16xf32>,
          %get3A_535 = vector.shape_cast %get3A_534 : vector<1x1x16xf32> to vector<16xf32>
          %mul3A_536 = vector.broadcast %squeeze3A_518 : f32 to vector<16xf32>
          %mul3A_537 = arith.mulf %mul3A_536, %get3A_535 : vector<16xf32>
          %add3A_538 = arith.addf %add3A_516, %mul3A_537 : vector<16xf32>
          %slice3A_539 = vector.extract_strided_slice %get3A_408 {offsets = [6], sizes = [1], strides = [1]} : vector<16xf32> to vector<1xf32>
          %squeeze3A_540 = vector.extract %slice3A_539[0] : f32 from vector<1xf32>
          %add3A_541 = arith.constant 6 : i32
          %add3A_542 = arith.addi %mul3A_400, %add3A_541 : i32
          %get3A_543 = arith.index_cast %add3A_402 : i32 to index
          %get3A_544 = arith.index_cast %add3A_542 : i32 to index
          %get3A_545 = arith.constant 0 : index
          %get3A_546 = tpu.vector_load %arg14[%get3A_543, %get3A_544, %get3A_545] {strides = array<i32>} : memref<8x128x32xf32, #tpu.memory_space<vmem>>, vector<1x1x16xf32>,
          %get3A_547 = vector.shape_cast %get3A_546 : vector<1x1x16xf32> to vector<16xf32>
          %mul3A_548 = vector.broadcast %squeeze3A_540 : f32 to vector<16xf32>
          %mul3A_549 = arith.mulf %mul3A_548, %get3A_547 : vector<16xf32>
          %add3A_550 = arith.addf %add3A_528, %mul3A_549 : vector<16xf32>
          %add3A_551 = arith.constant 6 : i32
          %add3A_552 = arith.addi %mul3A_400, %add3A_551 : i32
          %get3A_553 = arith.index_cast %add3A_402 : i32 to index
          %get3A_554 = arith.index_cast %add3A_552 : i32 to index
          %get3A_555 = arith.constant 16 : index
          %get3A_556 = tpu.vector_load %arg14[%get3A_553, %get3A_554, %get3A_555] {strides = array<i32>} : memref<8x128x32xf32, #tpu.memory_space<vmem>>, vector<1x1x16xf32>,
          %get3A_557 = vector.shape_cast %get3A_556 : vector<1x1x16xf32> to vector<16xf32>
          %mul3A_558 = vector.broadcast %squeeze3A_540 : f32 to vector<16xf32>
          %mul3A_559 = arith.mulf %mul3A_558, %get3A_557 : vector<16xf32>
          %add3A_560 = arith.addf %add3A_538, %mul3A_559 : vector<16xf32>
          %slice3A_561 = vector.extract_strided_slice %get3A_408 {offsets = [7], sizes = [1], strides = [1]} : vector<16xf32> to vector<1xf32>
          %squeeze3A_562 = vector.extract %slice3A_561[0] : f32 from vector<1xf32>
          %add3A_563 = arith.constant 7 : i32
          %add3A_564 = arith.addi %mul3A_400, %add3A_563 : i32
          %get3A_565 = arith.index_cast %add3A_402 : i32 to index
          %get3A_566 = arith.index_cast %add3A_564 : i32 to index
          %get3A_567 = arith.constant 0 : index
          %get3A_568 = tpu.vector_load %arg14[%get3A_565, %get3A_566, %get3A_567] {strides = array<i32>} : memref<8x128x32xf32, #tpu.memory_space<vmem>>, vector<1x1x16xf32>,
          %get3A_569 = vector.shape_cast %get3A_568 : vector<1x1x16xf32> to vector<16xf32>
          %mul3A_570 = vector.broadcast %squeeze3A_562 : f32 to vector<16xf32>
          %mul3A_571 = arith.mulf %mul3A_570, %get3A_569 : vector<16xf32>
          %add3A_572 = arith.addf %add3A_550, %mul3A_571 : vector<16xf32>
          %add3A_573 = arith.constant 7 : i32
          %add3A_574 = arith.addi %mul3A_400, %add3A_573 : i32
          %get3A_575 = arith.index_cast %add3A_402 : i32 to index
          %get3A_576 = arith.index_cast %add3A_574 : i32 to index
          %get3A_577 = arith.constant 16 : index
          %get3A_578 = tpu.vector_load %arg14[%get3A_575, %get3A_576, %get3A_577] {strides = array<i32>} : memref<8x128x32xf32, #tpu.memory_space<vmem>>, vector<1x1x16xf32>,
          %get3A_579 = vector.shape_cast %get3A_578 : vector<1x1x16xf32> to vector<16xf32>
          %mul3A_580 = vector.broadcast %squeeze3A_562 : f32 to vector<16xf32>
          %mul3A_581 = arith.mulf %mul3A_580, %get3A_579 : vector<16xf32>
          %add3A_582 = arith.addf %add3A_560, %mul3A_581 : vector<16xf32>
          %slice3A_583 = vector.extract_strided_slice %get3A_408 {offsets = [8], sizes = [1], strides = [1]} : vector<16xf32> to vector<1xf32>
          %squeeze3A_584 = vector.extract %slice3A_583[0] : f32 from vector<1xf32>
          %add3A_585 = arith.constant 8 : i32
          %add3A_586 = arith.addi %mul3A_400, %add3A_585 : i32
          %get3A_587 = arith.index_cast %add3A_402 : i32 to index
          %get3A_588 = arith.index_cast %add3A_586 : i32 to index
          %get3A_589 = arith.constant 0 : index
          %get3A_590 = tpu.vector_load %arg14[%get3A_587, %get3A_588, %get3A_589] {strides = array<i32>} : memref<8x128x32xf32, #tpu.memory_space<vmem>>, vector<1x1x16xf32>,
          %get3A_591 = vector.shape_cast %get3A_590 : vector<1x1x16xf32> to vector<16xf32>
          %mul3A_592 = vector.broadcast %squeeze3A_584 : f32 to vector<16xf32>
          %mul3A_593 = arith.mulf %mul3A_592, %get3A_591 : vector<16xf32>
          %add3A_594 = arith.addf %add3A_572, %mul3A_593 : vector<16xf32>
          %add3A_595 = arith.constant 8 : i32
          %add3A_596 = arith.addi %mul3A_400, %add3A_595 : i32
          %get3A_597 = arith.index_cast %add3A_402 : i32 to index
          %get3A_598 = arith.index_cast %add3A_596 : i32 to index
          %get3A_599 = arith.constant 16 : index
          %get3A_600 = tpu.vector_load %arg14[%get3A_597, %get3A_598, %get3A_599] {strides = array<i32>} : memref<8x128x32xf32, #tpu.memory_space<vmem>>, vector<1x1x16xf32>,
          %get3A_601 = vector.shape_cast %get3A_600 : vector<1x1x16xf32> to vector<16xf32>
          %mul3A_602 = vector.broadcast %squeeze3A_584 : f32 to vector<16xf32>
          %mul3A_603 = arith.mulf %mul3A_602, %get3A_601 : vector<16xf32>
          %add3A_604 = arith.addf %add3A_582, %mul3A_603 : vector<16xf32>
          %slice3A_605 = vector.extract_strided_slice %get3A_408 {offsets = [9], sizes = [1], strides = [1]} : vector<16xf32> to vector<1xf32>
          %squeeze3A_606 = vector.extract %slice3A_605[0] : f32 from vector<1xf32>
          %add3A_607 = arith.constant 9 : i32
          %add3A_608 = arith.addi %mul3A_400, %add3A_607 : i32
          %get3A_609 = arith.index_cast %add3A_402 : i32 to index
          %get3A_610 = arith.index_cast %add3A_608 : i32 to index
          %get3A_611 = arith.constant 0 : index
          %get3A_612 = tpu.vector_load %arg14[%get3A_609, %get3A_610, %get3A_611] {strides = array<i32>} : memref<8x128x32xf32, #tpu.memory_space<vmem>>, vector<1x1x16xf32>,
          %get3A_613 = vector.shape_cast %get3A_612 : vector<1x1x16xf32> to vector<16xf32>
          %mul3A_614 = vector.broadcast %squeeze3A_606 : f32 to vector<16xf32>
          %mul3A_615 = arith.mulf %mul3A_614, %get3A_613 : vector<16xf32>
          %add3A_616 = arith.addf %add3A_594, %mul3A_615 : vector<16xf32>
          %add3A_617 = arith.constant 9 : i32
          %add3A_618 = arith.addi %mul3A_400, %add3A_617 : i32
          %get3A_619 = arith.index_cast %add3A_402 : i32 to index
          %get3A_620 = arith.index_cast %add3A_618 : i32 to index
          %get3A_621 = arith.constant 16 : index
          %get3A_622 = tpu.vector_load %arg14[%get3A_619, %get3A_620, %get3A_621] {strides = array<i32>} : memref<8x128x32xf32, #tpu.memory_space<vmem>>, vector<1x1x16xf32>,
          %get3A_623 = vector.shape_cast %get3A_622 : vector<1x1x16xf32> to vector<16xf32>
          %mul3A_624 = vector.broadcast %squeeze3A_606 : f32 to vector<16xf32>
          %mul3A_625 = arith.mulf %mul3A_624, %get3A_623 : vector<16xf32>
          %add3A_626 = arith.addf %add3A_604, %mul3A_625 : vector<16xf32>
          %slice3A_627 = vector.extract_strided_slice %get3A_408 {offsets = [10], sizes = [1], strides = [1]} : vector<16xf32> to vector<1xf32>
          %squeeze3A_628 = vector.extract %slice3A_627[0] : f32 from vector<1xf32>
          %add3A_629 = arith.constant 10 : i32
          %add3A_630 = arith.addi %mul3A_400, %add3A_629 : i32
          %get3A_631 = arith.index_cast %add3A_402 : i32 to index
          %get3A_632 = arith.index_cast %add3A_630 : i32 to index
          %get3A_633 = arith.constant 0 : index
          %get3A_634 = tpu.vector_load %arg14[%get3A_631, %get3A_632, %get3A_633] {strides = array<i32>} : memref<8x128x32xf32, #tpu.memory_space<vmem>>, vector<1x1x16xf32>,
          %get3A_635 = vector.shape_cast %get3A_634 : vector<1x1x16xf32> to vector<16xf32>
          %mul3A_636 = vector.broadcast %squeeze3A_628 : f32 to vector<16xf32>
          %mul3A_637 = arith.mulf %mul3A_636, %get3A_635 : vector<16xf32>
          %add3A_638 = arith.addf %add3A_616, %mul3A_637 : vector<16xf32>
          %add3A_639 = arith.constant 10 : i32
          %add3A_640 = arith.addi %mul3A_400, %add3A_639 : i32
          %get3A_641 = arith.index_cast %add3A_402 : i32 to index
          %get3A_642 = arith.index_cast %add3A_640 : i32 to index
          %get3A_643 = arith.constant 16 : index
          %get3A_644 = tpu.vector_load %arg14[%get3A_641, %get3A_642, %get3A_643] {strides = array<i32>} : memref<8x128x32xf32, #tpu.memory_space<vmem>>, vector<1x1x16xf32>,
          %get3A_645 = vector.shape_cast %get3A_644 : vector<1x1x16xf32> to vector<16xf32>
          %mul3A_646 = vector.broadcast %squeeze3A_628 : f32 to vector<16xf32>
          %mul3A_647 = arith.mulf %mul3A_646, %get3A_645 : vector<16xf32>
          %add3A_648 = arith.addf %add3A_626, %mul3A_647 : vector<16xf32>
          %slice3A_649 = vector.extract_strided_slice %get3A_408 {offsets = [11], sizes = [1], strides = [1]} : vector<16xf32> to vector<1xf32>
          %squeeze3A_650 = vector.extract %slice3A_649[0] : f32 from vector<1xf32>
          %add3A_651 = arith.constant 11 : i32
          %add3A_652 = arith.addi %mul3A_400, %add3A_651 : i32
          %get3A_653 = arith.index_cast %add3A_402 : i32 to index
          %get3A_654 = arith.index_cast %add3A_652 : i32 to index
          %get3A_655 = arith.constant 0 : index
          %get3A_656 = tpu.vector_load %arg14[%get3A_653, %get3A_654, %get3A_655] {strides = array<i32>} : memref<8x128x32xf32, #tpu.memory_space<vmem>>, vector<1x1x16xf32>,
          %get3A_657 = vector.shape_cast %get3A_656 : vector<1x1x16xf32> to vector<16xf32>
          %mul3A_658 = vector.broadcast %squeeze3A_650 : f32 to vector<16xf32>
          %mul3A_659 = arith.mulf %mul3A_658, %get3A_657 : vector<16xf32>
          %add3A_660 = arith.addf %add3A_638, %mul3A_659 : vector<16xf32>
          %add3A_661 = arith.constant 11 : i32
          %add3A_662 = arith.addi %mul3A_400, %add3A_661 : i32
          %get3A_663 = arith.index_cast %add3A_402 : i32 to index
          %get3A_664 = arith.index_cast %add3A_662 : i32 to index
          %get3A_665 = arith.constant 16 : index
          %get3A_666 = tpu.vector_load %arg14[%get3A_663, %get3A_664, %get3A_665] {strides = array<i32>} : memref<8x128x32xf32, #tpu.memory_space<vmem>>, vector<1x1x16xf32>,
          %get3A_667 = vector.shape_cast %get3A_666 : vector<1x1x16xf32> to vector<16xf32>
          %mul3A_668 = vector.broadcast %squeeze3A_650 : f32 to vector<16xf32>
          %mul3A_669 = arith.mulf %mul3A_668, %get3A_667 : vector<16xf32>
          %add3A_670 = arith.addf %add3A_648, %mul3A_669 : vector<16xf32>
          %slice3A_671 = vector.extract_strided_slice %get3A_408 {offsets = [12], sizes = [1], strides = [1]} : vector<16xf32> to vector<1xf32>
          %squeeze3A_672 = vector.extract %slice3A_671[0] : f32 from vector<1xf32>
          %add3A_673 = arith.constant 12 : i32
          %add3A_674 = arith.addi %mul3A_400, %add3A_673 : i32
          %get3A_675 = arith.index_cast %add3A_402 : i32 to index
          %get3A_676 = arith.index_cast %add3A_674 : i32 to index
          %get3A_677 = arith.constant 0 : index
          %get3A_678 = tpu.vector_load %arg14[%get3A_675, %get3A_676, %get3A_677] {strides = array<i32>} : memref<8x128x32xf32, #tpu.memory_space<vmem>>, vector<1x1x16xf32>,
          %get3A_679 = vector.shape_cast %get3A_678 : vector<1x1x16xf32> to vector<16xf32>
          %mul3A_680 = vector.broadcast %squeeze3A_672 : f32 to vector<16xf32>
          %mul3A_681 = arith.mulf %mul3A_680, %get3A_679 : vector<16xf32>
          %add3A_682 = arith.addf %add3A_660, %mul3A_681 : vector<16xf32>
          %add3A_683 = arith.constant 12 : i32
          %add3A_684 = arith.addi %mul3A_400, %add3A_683 : i32
          %get3A_685 = arith.index_cast %add3A_402 : i32 to index
          %get3A_686 = arith.index_cast %add3A_684 : i32 to index
          %get3A_687 = arith.constant 16 : index
          %get3A_688 = tpu.vector_load %arg14[%get3A_685, %get3A_686, %get3A_687] {strides = array<i32>} : memref<8x128x32xf32, #tpu.memory_space<vmem>>, vector<1x1x16xf32>,
          %get3A_689 = vector.shape_cast %get3A_688 : vector<1x1x16xf32> to vector<16xf32>
          %mul3A_690 = vector.broadcast %squeeze3A_672 : f32 to vector<16xf32>
          %mul3A_691 = arith.mulf %mul3A_690, %get3A_689 : vector<16xf32>
          %add3A_692 = arith.addf %add3A_670, %mul3A_691 : vector<16xf32>
          %slice3A_693 = vector.extract_strided_slice %get3A_408 {offsets = [13], sizes = [1], strides = [1]} : vector<16xf32> to vector<1xf32>
          %squeeze3A_694 = vector.extract %slice3A_693[0] : f32 from vector<1xf32>
          %add3A_695 = arith.constant 13 : i32
          %add3A_696 = arith.addi %mul3A_400, %add3A_695 : i32
          %get3A_697 = arith.index_cast %add3A_402 : i32 to index
          %get3A_698 = arith.index_cast %add3A_696 : i32 to index
          %get3A_699 = arith.constant 0 : index
          %get3A_700 = tpu.vector_load %arg14[%get3A_697, %get3A_698, %get3A_699] {strides = array<i32>} : memref<8x128x32xf32, #tpu.memory_space<vmem>>, vector<1x1x16xf32>,
          %get3A_701 = vector.shape_cast %get3A_700 : vector<1x1x16xf32> to vector<16xf32>
          %mul3A_702 = vector.broadcast %squeeze3A_694 : f32 to vector<16xf32>
          %mul3A_703 = arith.mulf %mul3A_702, %get3A_701 : vector<16xf32>
          %add3A_704 = arith.addf %add3A_682, %mul3A_703 : vector<16xf32>
          %add3A_705 = arith.constant 13 : i32
          %add3A_706 = arith.addi %mul3A_400, %add3A_705 : i32
          %get3A_707 = arith.index_cast %add3A_402 : i32 to index
          %get3A_708 = arith.index_cast %add3A_706 : i32 to index
          %get3A_709 = arith.constant 16 : index
          %get3A_710 = tpu.vector_load %arg14[%get3A_707, %get3A_708, %get3A_709] {strides = array<i32>} : memref<8x128x32xf32, #tpu.memory_space<vmem>>, vector<1x1x16xf32>,
          %get3A_711 = vector.shape_cast %get3A_710 : vector<1x1x16xf32> to vector<16xf32>
          %mul3A_712 = vector.broadcast %squeeze3A_694 : f32 to vector<16xf32>
          %mul3A_713 = arith.mulf %mul3A_712, %get3A_711 : vector<16xf32>
          %add3A_714 = arith.addf %add3A_692, %mul3A_713 : vector<16xf32>
          %slice3A_715 = vector.extract_strided_slice %get3A_408 {offsets = [14], sizes = [1], strides = [1]} : vector<16xf32> to vector<1xf32>
          %squeeze3A_716 = vector.extract %slice3A_715[0] : f32 from vector<1xf32>
          %add3A_717 = arith.constant 14 : i32
          %add3A_718 = arith.addi %mul3A_400, %add3A_717 : i32
          %get3A_719 = arith.index_cast %add3A_402 : i32 to index
          %get3A_720 = arith.index_cast %add3A_718 : i32 to index
          %get3A_721 = arith.constant 0 : index
          %get3A_722 = tpu.vector_load %arg14[%get3A_719, %get3A_720, %get3A_721] {strides = array<i32>} : memref<8x128x32xf32, #tpu.memory_space<vmem>>, vector<1x1x16xf32>,
          %get3A_723 = vector.shape_cast %get3A_722 : vector<1x1x16xf32> to vector<16xf32>
          %mul3A_724 = vector.broadcast %squeeze3A_716 : f32 to vector<16xf32>
          %mul3A_725 = arith.mulf %mul3A_724, %get3A_723 : vector<16xf32>
          %add3A_726 = arith.addf %add3A_704, %mul3A_725 : vector<16xf32>
          %add3A_727 = arith.constant 14 : i32
          %add3A_728 = arith.addi %mul3A_400, %add3A_727 : i32
          %get3A_729 = arith.index_cast %add3A_402 : i32 to index
          %get3A_730 = arith.index_cast %add3A_728 : i32 to index
          %get3A_731 = arith.constant 16 : index
          %get3A_732 = tpu.vector_load %arg14[%get3A_729, %get3A_730, %get3A_731] {strides = array<i32>} : memref<8x128x32xf32, #tpu.memory_space<vmem>>, vector<1x1x16xf32>,
          %get3A_733 = vector.shape_cast %get3A_732 : vector<1x1x16xf32> to vector<16xf32>
          %mul3A_734 = vector.broadcast %squeeze3A_716 : f32 to vector<16xf32>
          %mul3A_735 = arith.mulf %mul3A_734, %get3A_733 : vector<16xf32>
          %add3A_736 = arith.addf %add3A_714, %mul3A_735 : vector<16xf32>
          %slice3A_737 = vector.extract_strided_slice %get3A_408 {offsets = [15], sizes = [1], strides = [1]} : vector<16xf32> to vector<1xf32>
          %squeeze3A_738 = vector.extract %slice3A_737[0] : f32 from vector<1xf32>
          %add3A_739 = arith.constant 15 : i32
          %add3A_740 = arith.addi %mul3A_400, %add3A_739 : i32
          %get3A_741 = arith.index_cast %add3A_402 : i32 to index
          %get3A_742 = arith.index_cast %add3A_740 : i32 to index
          %get3A_743 = arith.constant 0 : index
          %get3A_744 = tpu.vector_load %arg14[%get3A_741, %get3A_742, %get3A_743] {strides = array<i32>} : memref<8x128x32xf32, #tpu.memory_space<vmem>>, vector<1x1x16xf32>,
          %get3A_745 = vector.shape_cast %get3A_744 : vector<1x1x16xf32> to vector<16xf32>
          %mul3A_746 = vector.broadcast %squeeze3A_738 : f32 to vector<16xf32>
          %mul3A_747 = arith.mulf %mul3A_746, %get3A_745 : vector<16xf32>
          %add3A_748 = arith.addf %add3A_726, %mul3A_747 : vector<16xf32>
          %add3A_749 = arith.constant 15 : i32
          %add3A_750 = arith.addi %mul3A_400, %add3A_749 : i32
          %get3A_751 = arith.index_cast %add3A_402 : i32 to index
          %get3A_752 = arith.index_cast %add3A_750 : i32 to index
          %get3A_753 = arith.constant 16 : index
          %get3A_754 = tpu.vector_load %arg14[%get3A_751, %get3A_752, %get3A_753] {strides = array<i32>} : memref<8x128x32xf32, #tpu.memory_space<vmem>>, vector<1x1x16xf32>,
          %get3A_755 = vector.shape_cast %get3A_754 : vector<1x1x16xf32> to vector<16xf32>
          %mul3A_756 = vector.broadcast %squeeze3A_738 : f32 to vector<16xf32>
          %mul3A_757 = arith.mulf %mul3A_756, %get3A_755 : vector<16xf32>
          %add3A_758 = arith.addf %add3A_736, %mul3A_757 : vector<16xf32>
          %add3A_759 = arith.constant 2 : i32
          %add3A_760 = arith.addi %add3A_759, %shift_right_arithmetic3A_394 : i32
          %add3A_761 = arith.constant 16 : i32
          %add3A_762 = arith.addi %add3A_761, %mul3A_178 : i32
          %add3A_763 = arith.addi %add3A_762, %shift_right_arithmetic3A_394 : i32
          %get3A_764 = arith.index_cast %add3A_763 : i32 to index
          %get3A_765 = arith.index_cast %mul3A_400 : i32 to index
          %get3A_766 = tpu.vector_load %arg13[%get3A_764, %get3A_765] {strides = array<i32>} : memref<64x128xf32, #tpu.memory_space<vmem>>, vector<1x16xf32>,
          %get3A_767 = vector.shape_cast %get3A_766 : vector<1x16xf32> to vector<16xf32>
          %slice3A_768 = vector.extract_strided_slice %get3A_767 {offsets = [0], sizes = [1], strides = [1]} : vector<16xf32> to vector<1xf32>
          %squeeze3A_769 = vector.extract %slice3A_768[0] : f32 from vector<1xf32>
          %add3A_770 = arith.constant 0 : i32
          %add3A_771 = arith.addi %mul3A_400, %add3A_770 : i32
          %get3A_772 = arith.index_cast %add3A_760 : i32 to index
          %get3A_773 = arith.index_cast %add3A_771 : i32 to index
          %get3A_774 = arith.constant 0 : index
          %get3A_775 = tpu.vector_load %arg14[%get3A_772, %get3A_773, %get3A_774] {strides = array<i32>} : memref<8x128x32xf32, #tpu.memory_space<vmem>>, vector<1x1x16xf32>,
          %get3A_776 = vector.shape_cast %get3A_775 : vector<1x1x16xf32> to vector<16xf32>
          %mul3A_777 = vector.broadcast %squeeze3A_769 : f32 to vector<16xf32>
          %mul3A_778 = arith.mulf %mul3A_777, %get3A_776 : vector<16xf32>
          %add3A_779 = arith.addf %add3A_748, %mul3A_778 : vector<16xf32>
          %add3A_780 = arith.constant 0 : i32
          %add3A_781 = arith.addi %mul3A_400, %add3A_780 : i32
          %get3A_782 = arith.index_cast %add3A_760 : i32 to index
          %get3A_783 = arith.index_cast %add3A_781 : i32 to index
          %get3A_784 = arith.constant 16 : index
          %get3A_785 = tpu.vector_load %arg14[%get3A_782, %get3A_783, %get3A_784] {strides = array<i32>} : memref<8x128x32xf32, #tpu.memory_space<vmem>>, vector<1x1x16xf32>,
          %get3A_786 = vector.shape_cast %get3A_785 : vector<1x1x16xf32> to vector<16xf32>
          %mul3A_787 = vector.broadcast %squeeze3A_769 : f32 to vector<16xf32>
          %mul3A_788 = arith.mulf %mul3A_787, %get3A_786 : vector<16xf32>
          %add3A_789 = arith.addf %add3A_758, %mul3A_788 : vector<16xf32>
          %slice3A_790 = vector.extract_strided_slice %get3A_767 {offsets = [1], sizes = [1], strides = [1]} : vector<16xf32> to vector<1xf32>
          %squeeze3A_791 = vector.extract %slice3A_790[0] : f32 from vector<1xf32>
          %add3A_792 = arith.constant 1 : i32
          %add3A_793 = arith.addi %mul3A_400, %add3A_792 : i32
          %get3A_794 = arith.index_cast %add3A_760 : i32 to index
          %get3A_795 = arith.index_cast %add3A_793 : i32 to index
          %get3A_796 = arith.constant 0 : index
          %get3A_797 = tpu.vector_load %arg14[%get3A_794, %get3A_795, %get3A_796] {strides = array<i32>} : memref<8x128x32xf32, #tpu.memory_space<vmem>>, vector<1x1x16xf32>,
          %get3A_798 = vector.shape_cast %get3A_797 : vector<1x1x16xf32> to vector<16xf32>
          %mul3A_799 = vector.broadcast %squeeze3A_791 : f32 to vector<16xf32>
          %mul3A_800 = arith.mulf %mul3A_799, %get3A_798 : vector<16xf32>
          %add3A_801 = arith.addf %add3A_779, %mul3A_800 : vector<16xf32>
          %add3A_802 = arith.constant 1 : i32
          %add3A_803 = arith.addi %mul3A_400, %add3A_802 : i32
          %get3A_804 = arith.index_cast %add3A_760 : i32 to index
          %get3A_805 = arith.index_cast %add3A_803 : i32 to index
          %get3A_806 = arith.constant 16 : index
          %get3A_807 = tpu.vector_load %arg14[%get3A_804, %get3A_805, %get3A_806] {strides = array<i32>} : memref<8x128x32xf32, #tpu.memory_space<vmem>>, vector<1x1x16xf32>,
          %get3A_808 = vector.shape_cast %get3A_807 : vector<1x1x16xf32> to vector<16xf32>
          %mul3A_809 = vector.broadcast %squeeze3A_791 : f32 to vector<16xf32>
          %mul3A_810 = arith.mulf %mul3A_809, %get3A_808 : vector<16xf32>
          %add3A_811 = arith.addf %add3A_789, %mul3A_810 : vector<16xf32>
          %slice3A_812 = vector.extract_strided_slice %get3A_767 {offsets = [2], sizes = [1], strides = [1]} : vector<16xf32> to vector<1xf32>
          %squeeze3A_813 = vector.extract %slice3A_812[0] : f32 from vector<1xf32>
          %add3A_814 = arith.constant 2 : i32
          %add3A_815 = arith.addi %mul3A_400, %add3A_814 : i32
          %get3A_816 = arith.index_cast %add3A_760 : i32 to index
          %get3A_817 = arith.index_cast %add3A_815 : i32 to index
          %get3A_818 = arith.constant 0 : index
          %get3A_819 = tpu.vector_load %arg14[%get3A_816, %get3A_817, %get3A_818] {strides = array<i32>} : memref<8x128x32xf32, #tpu.memory_space<vmem>>, vector<1x1x16xf32>,
          %get3A_820 = vector.shape_cast %get3A_819 : vector<1x1x16xf32> to vector<16xf32>
          %mul3A_821 = vector.broadcast %squeeze3A_813 : f32 to vector<16xf32>
          %mul3A_822 = arith.mulf %mul3A_821, %get3A_820 : vector<16xf32>
          %add3A_823 = arith.addf %add3A_801, %mul3A_822 : vector<16xf32>
          %add3A_824 = arith.constant 2 : i32
          %add3A_825 = arith.addi %mul3A_400, %add3A_824 : i32
          %get3A_826 = arith.index_cast %add3A_760 : i32 to index
          %get3A_827 = arith.index_cast %add3A_825 : i32 to index
          %get3A_828 = arith.constant 16 : index
          %get3A_829 = tpu.vector_load %arg14[%get3A_826, %get3A_827, %get3A_828] {strides = array<i32>} : memref<8x128x32xf32, #tpu.memory_space<vmem>>, vector<1x1x16xf32>,
          %get3A_830 = vector.shape_cast %get3A_829 : vector<1x1x16xf32> to vector<16xf32>
          %mul3A_831 = vector.broadcast %squeeze3A_813 : f32 to vector<16xf32>
          %mul3A_832 = arith.mulf %mul3A_831, %get3A_830 : vector<16xf32>
          %add3A_833 = arith.addf %add3A_811, %mul3A_832 : vector<16xf32>
          %slice3A_834 = vector.extract_strided_slice %get3A_767 {offsets = [3], sizes = [1], strides = [1]} : vector<16xf32> to vector<1xf32>
          %squeeze3A_835 = vector.extract %slice3A_834[0] : f32 from vector<1xf32>
          %add3A_836 = arith.constant 3 : i32
          %add3A_837 = arith.addi %mul3A_400, %add3A_836 : i32
          %get3A_838 = arith.index_cast %add3A_760 : i32 to index
          %get3A_839 = arith.index_cast %add3A_837 : i32 to index
          %get3A_840 = arith.constant 0 : index
          %get3A_841 = tpu.vector_load %arg14[%get3A_838, %get3A_839, %get3A_840] {strides = array<i32>} : memref<8x128x32xf32, #tpu.memory_space<vmem>>, vector<1x1x16xf32>,
          %get3A_842 = vector.shape_cast %get3A_841 : vector<1x1x16xf32> to vector<16xf32>
          %mul3A_843 = vector.broadcast %squeeze3A_835 : f32 to vector<16xf32>
          %mul3A_844 = arith.mulf %mul3A_843, %get3A_842 : vector<16xf32>
          %add3A_845 = arith.addf %add3A_823, %mul3A_844 : vector<16xf32>
          %add3A_846 = arith.constant 3 : i32
          %add3A_847 = arith.addi %mul3A_400, %add3A_846 : i32
          %get3A_848 = arith.index_cast %add3A_760 : i32 to index
          %get3A_849 = arith.index_cast %add3A_847 : i32 to index
          %get3A_850 = arith.constant 16 : index
          %get3A_851 = tpu.vector_load %arg14[%get3A_848, %get3A_849, %get3A_850] {strides = array<i32>} : memref<8x128x32xf32, #tpu.memory_space<vmem>>, vector<1x1x16xf32>,
          %get3A_852 = vector.shape_cast %get3A_851 : vector<1x1x16xf32> to vector<16xf32>
          %mul3A_853 = vector.broadcast %squeeze3A_835 : f32 to vector<16xf32>
          %mul3A_854 = arith.mulf %mul3A_853, %get3A_852 : vector<16xf32>
          %add3A_855 = arith.addf %add3A_833, %mul3A_854 : vector<16xf32>
          %slice3A_856 = vector.extract_strided_slice %get3A_767 {offsets = [4], sizes = [1], strides = [1]} : vector<16xf32> to vector<1xf32>
          %squeeze3A_857 = vector.extract %slice3A_856[0] : f32 from vector<1xf32>
          %add3A_858 = arith.constant 4 : i32
          %add3A_859 = arith.addi %mul3A_400, %add3A_858 : i32
          %get3A_860 = arith.index_cast %add3A_760 : i32 to index
          %get3A_861 = arith.index_cast %add3A_859 : i32 to index
          %get3A_862 = arith.constant 0 : index
          %get3A_863 = tpu.vector_load %arg14[%get3A_860, %get3A_861, %get3A_862] {strides = array<i32>} : memref<8x128x32xf32, #tpu.memory_space<vmem>>, vector<1x1x16xf32>,
          %get3A_864 = vector.shape_cast %get3A_863 : vector<1x1x16xf32> to vector<16xf32>
          %mul3A_865 = vector.broadcast %squeeze3A_857 : f32 to vector<16xf32>
          %mul3A_866 = arith.mulf %mul3A_865, %get3A_864 : vector<16xf32>
          %add3A_867 = arith.addf %add3A_845, %mul3A_866 : vector<16xf32>
          %add3A_868 = arith.constant 4 : i32
          %add3A_869 = arith.addi %mul3A_400, %add3A_868 : i32
          %get3A_870 = arith.index_cast %add3A_760 : i32 to index
          %get3A_871 = arith.index_cast %add3A_869 : i32 to index
          %get3A_872 = arith.constant 16 : index
          %get3A_873 = tpu.vector_load %arg14[%get3A_870, %get3A_871, %get3A_872] {strides = array<i32>} : memref<8x128x32xf32, #tpu.memory_space<vmem>>, vector<1x1x16xf32>,
          %get3A_874 = vector.shape_cast %get3A_873 : vector<1x1x16xf32> to vector<16xf32>
          %mul3A_875 = vector.broadcast %squeeze3A_857 : f32 to vector<16xf32>
          %mul3A_876 = arith.mulf %mul3A_875, %get3A_874 : vector<16xf32>
          %add3A_877 = arith.addf %add3A_855, %mul3A_876 : vector<16xf32>
          %slice3A_878 = vector.extract_strided_slice %get3A_767 {offsets = [5], sizes = [1], strides = [1]} : vector<16xf32> to vector<1xf32>
          %squeeze3A_879 = vector.extract %slice3A_878[0] : f32 from vector<1xf32>
          %add3A_880 = arith.constant 5 : i32
          %add3A_881 = arith.addi %mul3A_400, %add3A_880 : i32
          %get3A_882 = arith.index_cast %add3A_760 : i32 to index
          %get3A_883 = arith.index_cast %add3A_881 : i32 to index
          %get3A_884 = arith.constant 0 : index
          %get3A_885 = tpu.vector_load %arg14[%get3A_882, %get3A_883, %get3A_884] {strides = array<i32>} : memref<8x128x32xf32, #tpu.memory_space<vmem>>, vector<1x1x16xf32>,
          %get3A_886 = vector.shape_cast %get3A_885 : vector<1x1x16xf32> to vector<16xf32>
          %mul3A_887 = vector.broadcast %squeeze3A_879 : f32 to vector<16xf32>
          %mul3A_888 = arith.mulf %mul3A_887, %get3A_886 : vector<16xf32>
          %add3A_889 = arith.addf %add3A_867, %mul3A_888 : vector<16xf32>
          %add3A_890 = arith.constant 5 : i32
          %add3A_891 = arith.addi %mul3A_400, %add3A_890 : i32
          %get3A_892 = arith.index_cast %add3A_760 : i32 to index
          %get3A_893 = arith.index_cast %add3A_891 : i32 to index
          %get3A_894 = arith.constant 16 : index
          %get3A_895 = tpu.vector_load %arg14[%get3A_892, %get3A_893, %get3A_894] {strides = array<i32>} : memref<8x128x32xf32, #tpu.memory_space<vmem>>, vector<1x1x16xf32>,
          %get3A_896 = vector.shape_cast %get3A_895 : vector<1x1x16xf32> to vector<16xf32>
          %mul3A_897 = vector.broadcast %squeeze3A_879 : f32 to vector<16xf32>
          %mul3A_898 = arith.mulf %mul3A_897, %get3A_896 : vector<16xf32>
          %add3A_899 = arith.addf %add3A_877, %mul3A_898 : vector<16xf32>
          %slice3A_900 = vector.extract_strided_slice %get3A_767 {offsets = [6], sizes = [1], strides = [1]} : vector<16xf32> to vector<1xf32>
          %squeeze3A_901 = vector.extract %slice3A_900[0] : f32 from vector<1xf32>
          %add3A_902 = arith.constant 6 : i32
          %add3A_903 = arith.addi %mul3A_400, %add3A_902 : i32
          %get3A_904 = arith.index_cast %add3A_760 : i32 to index
          %get3A_905 = arith.index_cast %add3A_903 : i32 to index
          %get3A_906 = arith.constant 0 : index
          %get3A_907 = tpu.vector_load %arg14[%get3A_904, %get3A_905, %get3A_906] {strides = array<i32>} : memref<8x128x32xf32, #tpu.memory_space<vmem>>, vector<1x1x16xf32>,
          %get3A_908 = vector.shape_cast %get3A_907 : vector<1x1x16xf32> to vector<16xf32>
          %mul3A_909 = vector.broadcast %squeeze3A_901 : f32 to vector<16xf32>
          %mul3A_910 = arith.mulf %mul3A_909, %get3A_908 : vector<16xf32>
          %add3A_911 = arith.addf %add3A_889, %mul3A_910 : vector<16xf32>
          %add3A_912 = arith.constant 6 : i32
          %add3A_913 = arith.addi %mul3A_400, %add3A_912 : i32
          %get3A_914 = arith.index_cast %add3A_760 : i32 to index
          %get3A_915 = arith.index_cast %add3A_913 : i32 to index
          %get3A_916 = arith.constant 16 : index
          %get3A_917 = tpu.vector_load %arg14[%get3A_914, %get3A_915, %get3A_916] {strides = array<i32>} : memref<8x128x32xf32, #tpu.memory_space<vmem>>, vector<1x1x16xf32>,
          %get3A_918 = vector.shape_cast %get3A_917 : vector<1x1x16xf32> to vector<16xf32>
          %mul3A_919 = vector.broadcast %squeeze3A_901 : f32 to vector<16xf32>
          %mul3A_920 = arith.mulf %mul3A_919, %get3A_918 : vector<16xf32>
          %add3A_921 = arith.addf %add3A_899, %mul3A_920 : vector<16xf32>
          %slice3A_922 = vector.extract_strided_slice %get3A_767 {offsets = [7], sizes = [1], strides = [1]} : vector<16xf32> to vector<1xf32>
          %squeeze3A_923 = vector.extract %slice3A_922[0] : f32 from vector<1xf32>
          %add3A_924 = arith.constant 7 : i32
          %add3A_925 = arith.addi %mul3A_400, %add3A_924 : i32
          %get3A_926 = arith.index_cast %add3A_760 : i32 to index
          %get3A_927 = arith.index_cast %add3A_925 : i32 to index
          %get3A_928 = arith.constant 0 : index
          %get3A_929 = tpu.vector_load %arg14[%get3A_926, %get3A_927, %get3A_928] {strides = array<i32>} : memref<8x128x32xf32, #tpu.memory_space<vmem>>, vector<1x1x16xf32>,
          %get3A_930 = vector.shape_cast %get3A_929 : vector<1x1x16xf32> to vector<16xf32>
          %mul3A_931 = vector.broadcast %squeeze3A_923 : f32 to vector<16xf32>
          %mul3A_932 = arith.mulf %mul3A_931, %get3A_930 : vector<16xf32>
          %add3A_933 = arith.addf %add3A_911, %mul3A_932 : vector<16xf32>
          %add3A_934 = arith.constant 7 : i32
          %add3A_935 = arith.addi %mul3A_400, %add3A_934 : i32
          %get3A_936 = arith.index_cast %add3A_760 : i32 to index
          %get3A_937 = arith.index_cast %add3A_935 : i32 to index
          %get3A_938 = arith.constant 16 : index
          %get3A_939 = tpu.vector_load %arg14[%get3A_936, %get3A_937, %get3A_938] {strides = array<i32>} : memref<8x128x32xf32, #tpu.memory_space<vmem>>, vector<1x1x16xf32>,
          %get3A_940 = vector.shape_cast %get3A_939 : vector<1x1x16xf32> to vector<16xf32>
          %mul3A_941 = vector.broadcast %squeeze3A_923 : f32 to vector<16xf32>
          %mul3A_942 = arith.mulf %mul3A_941, %get3A_940 : vector<16xf32>
          %add3A_943 = arith.addf %add3A_921, %mul3A_942 : vector<16xf32>
          %slice3A_944 = vector.extract_strided_slice %get3A_767 {offsets = [8], sizes = [1], strides = [1]} : vector<16xf32> to vector<1xf32>
          %squeeze3A_945 = vector.extract %slice3A_944[0] : f32 from vector<1xf32>
          %add3A_946 = arith.constant 8 : i32
          %add3A_947 = arith.addi %mul3A_400, %add3A_946 : i32
          %get3A_948 = arith.index_cast %add3A_760 : i32 to index
          %get3A_949 = arith.index_cast %add3A_947 : i32 to index
          %get3A_950 = arith.constant 0 : index
          %get3A_951 = tpu.vector_load %arg14[%get3A_948, %get3A_949, %get3A_950] {strides = array<i32>} : memref<8x128x32xf32, #tpu.memory_space<vmem>>, vector<1x1x16xf32>,
          %get3A_952 = vector.shape_cast %get3A_951 : vector<1x1x16xf32> to vector<16xf32>
          %mul3A_953 = vector.broadcast %squeeze3A_945 : f32 to vector<16xf32>
          %mul3A_954 = arith.mulf %mul3A_953, %get3A_952 : vector<16xf32>
          %add3A_955 = arith.addf %add3A_933, %mul3A_954 : vector<16xf32>
          %add3A_956 = arith.constant 8 : i32
          %add3A_957 = arith.addi %mul3A_400, %add3A_956 : i32
          %get3A_958 = arith.index_cast %add3A_760 : i32 to index
          %get3A_959 = arith.index_cast %add3A_957 : i32 to index
          %get3A_960 = arith.constant 16 : index
          %get3A_961 = tpu.vector_load %arg14[%get3A_958, %get3A_959, %get3A_960] {strides = array<i32>} : memref<8x128x32xf32, #tpu.memory_space<vmem>>, vector<1x1x16xf32>,
          %get3A_962 = vector.shape_cast %get3A_961 : vector<1x1x16xf32> to vector<16xf32>
          %mul3A_963 = vector.broadcast %squeeze3A_945 : f32 to vector<16xf32>
          %mul3A_964 = arith.mulf %mul3A_963, %get3A_962 : vector<16xf32>
          %add3A_965 = arith.addf %add3A_943, %mul3A_964 : vector<16xf32>
          %slice3A_966 = vector.extract_strided_slice %get3A_767 {offsets = [9], sizes = [1], strides = [1]} : vector<16xf32> to vector<1xf32>
          %squeeze3A_967 = vector.extract %slice3A_966[0] : f32 from vector<1xf32>
          %add3A_968 = arith.constant 9 : i32
          %add3A_969 = arith.addi %mul3A_400, %add3A_968 : i32
          %get3A_970 = arith.index_cast %add3A_760 : i32 to index
          %get3A_971 = arith.index_cast %add3A_969 : i32 to index
          %get3A_972 = arith.constant 0 : index
          %get3A_973 = tpu.vector_load %arg14[%get3A_970, %get3A_971, %get3A_972] {strides = array<i32>} : memref<8x128x32xf32, #tpu.memory_space<vmem>>, vector<1x1x16xf32>,
          %get3A_974 = vector.shape_cast %get3A_973 : vector<1x1x16xf32> to vector<16xf32>
          %mul3A_975 = vector.broadcast %squeeze3A_967 : f32 to vector<16xf32>
          %mul3A_976 = arith.mulf %mul3A_975, %get3A_974 : vector<16xf32>
          %add3A_977 = arith.addf %add3A_955, %mul3A_976 : vector<16xf32>
          %add3A_978 = arith.constant 9 : i32
          %add3A_979 = arith.addi %mul3A_400, %add3A_978 : i32
          %get3A_980 = arith.index_cast %add3A_760 : i32 to index
          %get3A_981 = arith.index_cast %add3A_979 : i32 to index
          %get3A_982 = arith.constant 16 : index
          %get3A_983 = tpu.vector_load %arg14[%get3A_980, %get3A_981, %get3A_982] {strides = array<i32>} : memref<8x128x32xf32, #tpu.memory_space<vmem>>, vector<1x1x16xf32>,
          %get3A_984 = vector.shape_cast %get3A_983 : vector<1x1x16xf32> to vector<16xf32>
          %mul3A_985 = vector.broadcast %squeeze3A_967 : f32 to vector<16xf32>
          %mul3A_986 = arith.mulf %mul3A_985, %get3A_984 : vector<16xf32>
          %add3A_987 = arith.addf %add3A_965, %mul3A_986 : vector<16xf32>
          %slice3A_988 = vector.extract_strided_slice %get3A_767 {offsets = [10], sizes = [1], strides = [1]} : vector<16xf32> to vector<1xf32>
          %squeeze3A_989 = vector.extract %slice3A_988[0] : f32 from vector<1xf32>
          %add3A_990 = arith.constant 10 : i32
          %add3A_991 = arith.addi %mul3A_400, %add3A_990 : i32
          %get3A_992 = arith.index_cast %add3A_760 : i32 to index
          %get3A_993 = arith.index_cast %add3A_991 : i32 to index
          %get3A_994 = arith.constant 0 : index
          %get3A_995 = tpu.vector_load %arg14[%get3A_992, %get3A_993, %get3A_994] {strides = array<i32>} : memref<8x128x32xf32, #tpu.memory_space<vmem>>, vector<1x1x16xf32>,
          %get3A_996 = vector.shape_cast %get3A_995 : vector<1x1x16xf32> to vector<16xf32>
          %mul3A_997 = vector.broadcast %squeeze3A_989 : f32 to vector<16xf32>
          %mul3A_998 = arith.mulf %mul3A_997, %get3A_996 : vector<16xf32>
          %add3A_999 = arith.addf %add3A_977, %mul3A_998 : vector<16xf32>
          %add3A_1000 = arith.constant 10 : i32
          %add3A_1001 = arith.addi %mul3A_400, %add3A_1000 : i32
          %get3A_1002 = arith.index_cast %add3A_760 : i32 to index
          %get3A_1003 = arith.index_cast %add3A_1001 : i32 to index
          %get3A_1004 = arith.constant 16 : index
          %get3A_1005 = tpu.vector_load %arg14[%get3A_1002, %get3A_1003, %get3A_1004] {strides = array<i32>} : memref<8x128x32xf32, #tpu.memory_space<vmem>>, vector<1x1x16xf32>,
          %get3A_1006 = vector.shape_cast %get3A_1005 : vector<1x1x16xf32> to vector<16xf32>
          %mul3A_1007 = vector.broadcast %squeeze3A_989 : f32 to vector<16xf32>
          %mul3A_1008 = arith.mulf %mul3A_1007, %get3A_1006 : vector<16xf32>
          %add3A_1009 = arith.addf %add3A_987, %mul3A_1008 : vector<16xf32>
          %slice3A_1010 = vector.extract_strided_slice %get3A_767 {offsets = [11], sizes = [1], strides = [1]} : vector<16xf32> to vector<1xf32>
          %squeeze3A_1011 = vector.extract %slice3A_1010[0] : f32 from vector<1xf32>
          %add3A_1012 = arith.constant 11 : i32
          %add3A_1013 = arith.addi %mul3A_400, %add3A_1012 : i32
          %get3A_1014 = arith.index_cast %add3A_760 : i32 to index
          %get3A_1015 = arith.index_cast %add3A_1013 : i32 to index
          %get3A_1016 = arith.constant 0 : index
          %get3A_1017 = tpu.vector_load %arg14[%get3A_1014, %get3A_1015, %get3A_1016] {strides = array<i32>} : memref<8x128x32xf32, #tpu.memory_space<vmem>>, vector<1x1x16xf32>,
          %get3A_1018 = vector.shape_cast %get3A_1017 : vector<1x1x16xf32> to vector<16xf32>
          %mul3A_1019 = vector.broadcast %squeeze3A_1011 : f32 to vector<16xf32>
          %mul3A_1020 = arith.mulf %mul3A_1019, %get3A_1018 : vector<16xf32>
          %add3A_1021 = arith.addf %add3A_999, %mul3A_1020 : vector<16xf32>
          %add3A_1022 = arith.constant 11 : i32
          %add3A_1023 = arith.addi %mul3A_400, %add3A_1022 : i32
          %get3A_1024 = arith.index_cast %add3A_760 : i32 to index
          %get3A_1025 = arith.index_cast %add3A_1023 : i32 to index
          %get3A_1026 = arith.constant 16 : index
          %get3A_1027 = tpu.vector_load %arg14[%get3A_1024, %get3A_1025, %get3A_1026] {strides = array<i32>} : memref<8x128x32xf32, #tpu.memory_space<vmem>>, vector<1x1x16xf32>,
          %get3A_1028 = vector.shape_cast %get3A_1027 : vector<1x1x16xf32> to vector<16xf32>
          %mul3A_1029 = vector.broadcast %squeeze3A_1011 : f32 to vector<16xf32>
          %mul3A_1030 = arith.mulf %mul3A_1029, %get3A_1028 : vector<16xf32>
          %add3A_1031 = arith.addf %add3A_1009, %mul3A_1030 : vector<16xf32>
          %slice3A_1032 = vector.extract_strided_slice %get3A_767 {offsets = [12], sizes = [1], strides = [1]} : vector<16xf32> to vector<1xf32>
          %squeeze3A_1033 = vector.extract %slice3A_1032[0] : f32 from vector<1xf32>
          %add3A_1034 = arith.constant 12 : i32
          %add3A_1035 = arith.addi %mul3A_400, %add3A_1034 : i32
          %get3A_1036 = arith.index_cast %add3A_760 : i32 to index
          %get3A_1037 = arith.index_cast %add3A_1035 : i32 to index
          %get3A_1038 = arith.constant 0 : index
          %get3A_1039 = tpu.vector_load %arg14[%get3A_1036, %get3A_1037, %get3A_1038] {strides = array<i32>} : memref<8x128x32xf32, #tpu.memory_space<vmem>>, vector<1x1x16xf32>,
          %get3A_1040 = vector.shape_cast %get3A_1039 : vector<1x1x16xf32> to vector<16xf32>
          %mul3A_1041 = vector.broadcast %squeeze3A_1033 : f32 to vector<16xf32>
          %mul3A_1042 = arith.mulf %mul3A_1041, %get3A_1040 : vector<16xf32>
          %add3A_1043 = arith.addf %add3A_1021, %mul3A_1042 : vector<16xf32>
          %add3A_1044 = arith.constant 12 : i32
          %add3A_1045 = arith.addi %mul3A_400, %add3A_1044 : i32
          %get3A_1046 = arith.index_cast %add3A_760 : i32 to index
          %get3A_1047 = arith.index_cast %add3A_1045 : i32 to index
          %get3A_1048 = arith.constant 16 : index
          %get3A_1049 = tpu.vector_load %arg14[%get3A_1046, %get3A_1047, %get3A_1048] {strides = array<i32>} : memref<8x128x32xf32, #tpu.memory_space<vmem>>, vector<1x1x16xf32>,
          %get3A_1050 = vector.shape_cast %get3A_1049 : vector<1x1x16xf32> to vector<16xf32>
          %mul3A_1051 = vector.broadcast %squeeze3A_1033 : f32 to vector<16xf32>
          %mul3A_1052 = arith.mulf %mul3A_1051, %get3A_1050 : vector<16xf32>
          %add3A_1053 = arith.addf %add3A_1031, %mul3A_1052 : vector<16xf32>
          %slice3A_1054 = vector.extract_strided_slice %get3A_767 {offsets = [13], sizes = [1], strides = [1]} : vector<16xf32> to vector<1xf32>
          %squeeze3A_1055 = vector.extract %slice3A_1054[0] : f32 from vector<1xf32>
          %add3A_1056 = arith.constant 13 : i32
          %add3A_1057 = arith.addi %mul3A_400, %add3A_1056 : i32
          %get3A_1058 = arith.index_cast %add3A_760 : i32 to index
          %get3A_1059 = arith.index_cast %add3A_1057 : i32 to index
          %get3A_1060 = arith.constant 0 : index
          %get3A_1061 = tpu.vector_load %arg14[%get3A_1058, %get3A_1059, %get3A_1060] {strides = array<i32>} : memref<8x128x32xf32, #tpu.memory_space<vmem>>, vector<1x1x16xf32>,
          %get3A_1062 = vector.shape_cast %get3A_1061 : vector<1x1x16xf32> to vector<16xf32>
          %mul3A_1063 = vector.broadcast %squeeze3A_1055 : f32 to vector<16xf32>
          %mul3A_1064 = arith.mulf %mul3A_1063, %get3A_1062 : vector<16xf32>
          %add3A_1065 = arith.addf %add3A_1043, %mul3A_1064 : vector<16xf32>
          %add3A_1066 = arith.constant 13 : i32
          %add3A_1067 = arith.addi %mul3A_400, %add3A_1066 : i32
          %get3A_1068 = arith.index_cast %add3A_760 : i32 to index
          %get3A_1069 = arith.index_cast %add3A_1067 : i32 to index
          %get3A_1070 = arith.constant 16 : index
          %get3A_1071 = tpu.vector_load %arg14[%get3A_1068, %get3A_1069, %get3A_1070] {strides = array<i32>} : memref<8x128x32xf32, #tpu.memory_space<vmem>>, vector<1x1x16xf32>,
          %get3A_1072 = vector.shape_cast %get3A_1071 : vector<1x1x16xf32> to vector<16xf32>
          %mul3A_1073 = vector.broadcast %squeeze3A_1055 : f32 to vector<16xf32>
          %mul3A_1074 = arith.mulf %mul3A_1073, %get3A_1072 : vector<16xf32>
          %add3A_1075 = arith.addf %add3A_1053, %mul3A_1074 : vector<16xf32>
          %slice3A_1076 = vector.extract_strided_slice %get3A_767 {offsets = [14], sizes = [1], strides = [1]} : vector<16xf32> to vector<1xf32>
          %squeeze3A_1077 = vector.extract %slice3A_1076[0] : f32 from vector<1xf32>
          %add3A_1078 = arith.constant 14 : i32
          %add3A_1079 = arith.addi %mul3A_400, %add3A_1078 : i32
          %get3A_1080 = arith.index_cast %add3A_760 : i32 to index
          %get3A_1081 = arith.index_cast %add3A_1079 : i32 to index
          %get3A_1082 = arith.constant 0 : index
          %get3A_1083 = tpu.vector_load %arg14[%get3A_1080, %get3A_1081, %get3A_1082] {strides = array<i32>} : memref<8x128x32xf32, #tpu.memory_space<vmem>>, vector<1x1x16xf32>,
          %get3A_1084 = vector.shape_cast %get3A_1083 : vector<1x1x16xf32> to vector<16xf32>
          %mul3A_1085 = vector.broadcast %squeeze3A_1077 : f32 to vector<16xf32>
          %mul3A_1086 = arith.mulf %mul3A_1085, %get3A_1084 : vector<16xf32>
          %add3A_1087 = arith.addf %add3A_1065, %mul3A_1086 : vector<16xf32>
          %add3A_1088 = arith.constant 14 : i32
          %add3A_1089 = arith.addi %mul3A_400, %add3A_1088 : i32
          %get3A_1090 = arith.index_cast %add3A_760 : i32 to index
          %get3A_1091 = arith.index_cast %add3A_1089 : i32 to index
          %get3A_1092 = arith.constant 16 : index
          %get3A_1093 = tpu.vector_load %arg14[%get3A_1090, %get3A_1091, %get3A_1092] {strides = array<i32>} : memref<8x128x32xf32, #tpu.memory_space<vmem>>, vector<1x1x16xf32>,
          %get3A_1094 = vector.shape_cast %get3A_1093 : vector<1x1x16xf32> to vector<16xf32>
          %mul3A_1095 = vector.broadcast %squeeze3A_1077 : f32 to vector<16xf32>
          %mul3A_1096 = arith.mulf %mul3A_1095, %get3A_1094 : vector<16xf32>
          %add3A_1097 = arith.addf %add3A_1075, %mul3A_1096 : vector<16xf32>
          %slice3A_1098 = vector.extract_strided_slice %get3A_767 {offsets = [15], sizes = [1], strides = [1]} : vector<16xf32> to vector<1xf32>
          %squeeze3A_1099 = vector.extract %slice3A_1098[0] : f32 from vector<1xf32>
          %add3A_1100 = arith.constant 15 : i32
          %add3A_1101 = arith.addi %mul3A_400, %add3A_1100 : i32
          %get3A_1102 = arith.index_cast %add3A_760 : i32 to index
          %get3A_1103 = arith.index_cast %add3A_1101 : i32 to index
          %get3A_1104 = arith.constant 0 : index
          %get3A_1105 = tpu.vector_load %arg14[%get3A_1102, %get3A_1103, %get3A_1104] {strides = array<i32>} : memref<8x128x32xf32, #tpu.memory_space<vmem>>, vector<1x1x16xf32>,
          %get3A_1106 = vector.shape_cast %get3A_1105 : vector<1x1x16xf32> to vector<16xf32>
          %mul3A_1107 = vector.broadcast %squeeze3A_1099 : f32 to vector<16xf32>
          %mul3A_1108 = arith.mulf %mul3A_1107, %get3A_1106 : vector<16xf32>
          %add3A_1109 = arith.addf %add3A_1087, %mul3A_1108 : vector<16xf32>
          %add3A_1110 = arith.constant 15 : i32
          %add3A_1111 = arith.addi %mul3A_400, %add3A_1110 : i32
          %get3A_1112 = arith.index_cast %add3A_760 : i32 to index
          %get3A_1113 = arith.index_cast %add3A_1111 : i32 to index
          %get3A_1114 = arith.constant 16 : index
          %get3A_1115 = tpu.vector_load %arg14[%get3A_1112, %get3A_1113, %get3A_1114] {strides = array<i32>} : memref<8x128x32xf32, #tpu.memory_space<vmem>>, vector<1x1x16xf32>,
          %get3A_1116 = vector.shape_cast %get3A_1115 : vector<1x1x16xf32> to vector<16xf32>
          %mul3A_1117 = vector.broadcast %squeeze3A_1099 : f32 to vector<16xf32>
          %mul3A_1118 = arith.mulf %mul3A_1117, %get3A_1116 : vector<16xf32>
          %add3A_1119 = arith.addf %add3A_1097, %mul3A_1118 : vector<16xf32>
          %add3A_1120 = arith.constant 4 : i32
          %add3A_1121 = arith.addi %add3A_1120, %shift_right_arithmetic3A_394 : i32
          %add3A_1122 = arith.constant 32 : i32
          %add3A_1123 = arith.addi %add3A_1122, %mul3A_178 : i32
          %add3A_1124 = arith.addi %add3A_1123, %shift_right_arithmetic3A_394 : i32
          %get3A_1125 = arith.index_cast %add3A_1124 : i32 to index
          %get3A_1126 = arith.index_cast %mul3A_400 : i32 to index
          %get3A_1127 = tpu.vector_load %arg13[%get3A_1125, %get3A_1126] {strides = array<i32>} : memref<64x128xf32, #tpu.memory_space<vmem>>, vector<1x16xf32>,
          %get3A_1128 = vector.shape_cast %get3A_1127 : vector<1x16xf32> to vector<16xf32>
          %slice3A_1129 = vector.extract_strided_slice %get3A_1128 {offsets = [0], sizes = [1], strides = [1]} : vector<16xf32> to vector<1xf32>
          %squeeze3A_1130 = vector.extract %slice3A_1129[0] : f32 from vector<1xf32>
          %add3A_1131 = arith.constant 0 : i32
          %add3A_1132 = arith.addi %mul3A_400, %add3A_1131 : i32
          %get3A_1133 = arith.index_cast %add3A_1121 : i32 to index
          %get3A_1134 = arith.index_cast %add3A_1132 : i32 to index
          %get3A_1135 = arith.constant 0 : index
          %get3A_1136 = tpu.vector_load %arg14[%get3A_1133, %get3A_1134, %get3A_1135] {strides = array<i32>} : memref<8x128x32xf32, #tpu.memory_space<vmem>>, vector<1x1x16xf32>,
          %get3A_1137 = vector.shape_cast %get3A_1136 : vector<1x1x16xf32> to vector<16xf32>
          %mul3A_1138 = vector.broadcast %squeeze3A_1130 : f32 to vector<16xf32>
          %mul3A_1139 = arith.mulf %mul3A_1138, %get3A_1137 : vector<16xf32>
          %add3A_1140 = arith.addf %add3A_1109, %mul3A_1139 : vector<16xf32>
          %add3A_1141 = arith.constant 0 : i32
          %add3A_1142 = arith.addi %mul3A_400, %add3A_1141 : i32
          %get3A_1143 = arith.index_cast %add3A_1121 : i32 to index
          %get3A_1144 = arith.index_cast %add3A_1142 : i32 to index
          %get3A_1145 = arith.constant 16 : index
          %get3A_1146 = tpu.vector_load %arg14[%get3A_1143, %get3A_1144, %get3A_1145] {strides = array<i32>} : memref<8x128x32xf32, #tpu.memory_space<vmem>>, vector<1x1x16xf32>,
          %get3A_1147 = vector.shape_cast %get3A_1146 : vector<1x1x16xf32> to vector<16xf32>
          %mul3A_1148 = vector.broadcast %squeeze3A_1130 : f32 to vector<16xf32>
          %mul3A_1149 = arith.mulf %mul3A_1148, %get3A_1147 : vector<16xf32>
          %add3A_1150 = arith.addf %add3A_1119, %mul3A_1149 : vector<16xf32>
          %slice3A_1151 = vector.extract_strided_slice %get3A_1128 {offsets = [1], sizes = [1], strides = [1]} : vector<16xf32> to vector<1xf32>
          %squeeze3A_1152 = vector.extract %slice3A_1151[0] : f32 from vector<1xf32>
          %add3A_1153 = arith.constant 1 : i32
          %add3A_1154 = arith.addi %mul3A_400, %add3A_1153 : i32
          %get3A_1155 = arith.index_cast %add3A_1121 : i32 to index
          %get3A_1156 = arith.index_cast %add3A_1154 : i32 to index
          %get3A_1157 = arith.constant 0 : index
          %get3A_1158 = tpu.vector_load %arg14[%get3A_1155, %get3A_1156, %get3A_1157] {strides = array<i32>} : memref<8x128x32xf32, #tpu.memory_space<vmem>>, vector<1x1x16xf32>,
          %get3A_1159 = vector.shape_cast %get3A_1158 : vector<1x1x16xf32> to vector<16xf32>
          %mul3A_1160 = vector.broadcast %squeeze3A_1152 : f32 to vector<16xf32>
          %mul3A_1161 = arith.mulf %mul3A_1160, %get3A_1159 : vector<16xf32>
          %add3A_1162 = arith.addf %add3A_1140, %mul3A_1161 : vector<16xf32>
          %add3A_1163 = arith.constant 1 : i32
          %add3A_1164 = arith.addi %mul3A_400, %add3A_1163 : i32
          %get3A_1165 = arith.index_cast %add3A_1121 : i32 to index
          %get3A_1166 = arith.index_cast %add3A_1164 : i32 to index
          %get3A_1167 = arith.constant 16 : index
          %get3A_1168 = tpu.vector_load %arg14[%get3A_1165, %get3A_1166, %get3A_1167] {strides = array<i32>} : memref<8x128x32xf32, #tpu.memory_space<vmem>>, vector<1x1x16xf32>,
          %get3A_1169 = vector.shape_cast %get3A_1168 : vector<1x1x16xf32> to vector<16xf32>
          %mul3A_1170 = vector.broadcast %squeeze3A_1152 : f32 to vector<16xf32>
          %mul3A_1171 = arith.mulf %mul3A_1170, %get3A_1169 : vector<16xf32>
          %add3A_1172 = arith.addf %add3A_1150, %mul3A_1171 : vector<16xf32>
          %slice3A_1173 = vector.extract_strided_slice %get3A_1128 {offsets = [2], sizes = [1], strides = [1]} : vector<16xf32> to vector<1xf32>
          %squeeze3A_1174 = vector.extract %slice3A_1173[0] : f32 from vector<1xf32>
          %add3A_1175 = arith.constant 2 : i32
          %add3A_1176 = arith.addi %mul3A_400, %add3A_1175 : i32
          %get3A_1177 = arith.index_cast %add3A_1121 : i32 to index
          %get3A_1178 = arith.index_cast %add3A_1176 : i32 to index
          %get3A_1179 = arith.constant 0 : index
          %get3A_1180 = tpu.vector_load %arg14[%get3A_1177, %get3A_1178, %get3A_1179] {strides = array<i32>} : memref<8x128x32xf32, #tpu.memory_space<vmem>>, vector<1x1x16xf32>,
          %get3A_1181 = vector.shape_cast %get3A_1180 : vector<1x1x16xf32> to vector<16xf32>
          %mul3A_1182 = vector.broadcast %squeeze3A_1174 : f32 to vector<16xf32>
          %mul3A_1183 = arith.mulf %mul3A_1182, %get3A_1181 : vector<16xf32>
          %add3A_1184 = arith.addf %add3A_1162, %mul3A_1183 : vector<16xf32>
          %add3A_1185 = arith.constant 2 : i32
          %add3A_1186 = arith.addi %mul3A_400, %add3A_1185 : i32
          %get3A_1187 = arith.index_cast %add3A_1121 : i32 to index
          %get3A_1188 = arith.index_cast %add3A_1186 : i32 to index
          %get3A_1189 = arith.constant 16 : index
          %get3A_1190 = tpu.vector_load %arg14[%get3A_1187, %get3A_1188, %get3A_1189] {strides = array<i32>} : memref<8x128x32xf32, #tpu.memory_space<vmem>>, vector<1x1x16xf32>,
          %get3A_1191 = vector.shape_cast %get3A_1190 : vector<1x1x16xf32> to vector<16xf32>
          %mul3A_1192 = vector.broadcast %squeeze3A_1174 : f32 to vector<16xf32>
          %mul3A_1193 = arith.mulf %mul3A_1192, %get3A_1191 : vector<16xf32>
          %add3A_1194 = arith.addf %add3A_1172, %mul3A_1193 : vector<16xf32>
          %slice3A_1195 = vector.extract_strided_slice %get3A_1128 {offsets = [3], sizes = [1], strides = [1]} : vector<16xf32> to vector<1xf32>
          %squeeze3A_1196 = vector.extract %slice3A_1195[0] : f32 from vector<1xf32>
          %add3A_1197 = arith.constant 3 : i32
          %add3A_1198 = arith.addi %mul3A_400, %add3A_1197 : i32
          %get3A_1199 = arith.index_cast %add3A_1121 : i32 to index
          %get3A_1200 = arith.index_cast %add3A_1198 : i32 to index
          %get3A_1201 = arith.constant 0 : index
          %get3A_1202 = tpu.vector_load %arg14[%get3A_1199, %get3A_1200, %get3A_1201] {strides = array<i32>} : memref<8x128x32xf32, #tpu.memory_space<vmem>>, vector<1x1x16xf32>,
          %get3A_1203 = vector.shape_cast %get3A_1202 : vector<1x1x16xf32> to vector<16xf32>
          %mul3A_1204 = vector.broadcast %squeeze3A_1196 : f32 to vector<16xf32>
          %mul3A_1205 = arith.mulf %mul3A_1204, %get3A_1203 : vector<16xf32>
          %add3A_1206 = arith.addf %add3A_1184, %mul3A_1205 : vector<16xf32>
          %add3A_1207 = arith.constant 3 : i32
          %add3A_1208 = arith.addi %mul3A_400, %add3A_1207 : i32
          %get3A_1209 = arith.index_cast %add3A_1121 : i32 to index
          %get3A_1210 = arith.index_cast %add3A_1208 : i32 to index
          %get3A_1211 = arith.constant 16 : index
          %get3A_1212 = tpu.vector_load %arg14[%get3A_1209, %get3A_1210, %get3A_1211] {strides = array<i32>} : memref<8x128x32xf32, #tpu.memory_space<vmem>>, vector<1x1x16xf32>,
          %get3A_1213 = vector.shape_cast %get3A_1212 : vector<1x1x16xf32> to vector<16xf32>
          %mul3A_1214 = vector.broadcast %squeeze3A_1196 : f32 to vector<16xf32>
          %mul3A_1215 = arith.mulf %mul3A_1214, %get3A_1213 : vector<16xf32>
          %add3A_1216 = arith.addf %add3A_1194, %mul3A_1215 : vector<16xf32>
          %slice3A_1217 = vector.extract_strided_slice %get3A_1128 {offsets = [4], sizes = [1], strides = [1]} : vector<16xf32> to vector<1xf32>
          %squeeze3A_1218 = vector.extract %slice3A_1217[0] : f32 from vector<1xf32>
          %add3A_1219 = arith.constant 4 : i32
          %add3A_1220 = arith.addi %mul3A_400, %add3A_1219 : i32
          %get3A_1221 = arith.index_cast %add3A_1121 : i32 to index
          %get3A_1222 = arith.index_cast %add3A_1220 : i32 to index
          %get3A_1223 = arith.constant 0 : index
          %get3A_1224 = tpu.vector_load %arg14[%get3A_1221, %get3A_1222, %get3A_1223] {strides = array<i32>} : memref<8x128x32xf32, #tpu.memory_space<vmem>>, vector<1x1x16xf32>,
          %get3A_1225 = vector.shape_cast %get3A_1224 : vector<1x1x16xf32> to vector<16xf32>
          %mul3A_1226 = vector.broadcast %squeeze3A_1218 : f32 to vector<16xf32>
          %mul3A_1227 = arith.mulf %mul3A_1226, %get3A_1225 : vector<16xf32>
          %add3A_1228 = arith.addf %add3A_1206, %mul3A_1227 : vector<16xf32>
          %add3A_1229 = arith.constant 4 : i32
          %add3A_1230 = arith.addi %mul3A_400, %add3A_1229 : i32
          %get3A_1231 = arith.index_cast %add3A_1121 : i32 to index
          %get3A_1232 = arith.index_cast %add3A_1230 : i32 to index
          %get3A_1233 = arith.constant 16 : index
          %get3A_1234 = tpu.vector_load %arg14[%get3A_1231, %get3A_1232, %get3A_1233] {strides = array<i32>} : memref<8x128x32xf32, #tpu.memory_space<vmem>>, vector<1x1x16xf32>,
          %get3A_1235 = vector.shape_cast %get3A_1234 : vector<1x1x16xf32> to vector<16xf32>
          %mul3A_1236 = vector.broadcast %squeeze3A_1218 : f32 to vector<16xf32>
          %mul3A_1237 = arith.mulf %mul3A_1236, %get3A_1235 : vector<16xf32>
          %add3A_1238 = arith.addf %add3A_1216, %mul3A_1237 : vector<16xf32>
          %slice3A_1239 = vector.extract_strided_slice %get3A_1128 {offsets = [5], sizes = [1], strides = [1]} : vector<16xf32> to vector<1xf32>
          %squeeze3A_1240 = vector.extract %slice3A_1239[0] : f32 from vector<1xf32>
          %add3A_1241 = arith.constant 5 : i32
          %add3A_1242 = arith.addi %mul3A_400, %add3A_1241 : i32
          %get3A_1243 = arith.index_cast %add3A_1121 : i32 to index
          %get3A_1244 = arith.index_cast %add3A_1242 : i32 to index
          %get3A_1245 = arith.constant 0 : index
          %get3A_1246 = tpu.vector_load %arg14[%get3A_1243, %get3A_1244, %get3A_1245] {strides = array<i32>} : memref<8x128x32xf32, #tpu.memory_space<vmem>>, vector<1x1x16xf32>,
          %get3A_1247 = vector.shape_cast %get3A_1246 : vector<1x1x16xf32> to vector<16xf32>
          %mul3A_1248 = vector.broadcast %squeeze3A_1240 : f32 to vector<16xf32>
          %mul3A_1249 = arith.mulf %mul3A_1248, %get3A_1247 : vector<16xf32>
          %add3A_1250 = arith.addf %add3A_1228, %mul3A_1249 : vector<16xf32>
          %add3A_1251 = arith.constant 5 : i32
          %add3A_1252 = arith.addi %mul3A_400, %add3A_1251 : i32
          %get3A_1253 = arith.index_cast %add3A_1121 : i32 to index
          %get3A_1254 = arith.index_cast %add3A_1252 : i32 to index
          %get3A_1255 = arith.constant 16 : index
          %get3A_1256 = tpu.vector_load %arg14[%get3A_1253, %get3A_1254, %get3A_1255] {strides = array<i32>} : memref<8x128x32xf32, #tpu.memory_space<vmem>>, vector<1x1x16xf32>,
          %get3A_1257 = vector.shape_cast %get3A_1256 : vector<1x1x16xf32> to vector<16xf32>
          %mul3A_1258 = vector.broadcast %squeeze3A_1240 : f32 to vector<16xf32>
          %mul3A_1259 = arith.mulf %mul3A_1258, %get3A_1257 : vector<16xf32>
          %add3A_1260 = arith.addf %add3A_1238, %mul3A_1259 : vector<16xf32>
          %slice3A_1261 = vector.extract_strided_slice %get3A_1128 {offsets = [6], sizes = [1], strides = [1]} : vector<16xf32> to vector<1xf32>
          %squeeze3A_1262 = vector.extract %slice3A_1261[0] : f32 from vector<1xf32>
          %add3A_1263 = arith.constant 6 : i32
          %add3A_1264 = arith.addi %mul3A_400, %add3A_1263 : i32
          %get3A_1265 = arith.index_cast %add3A_1121 : i32 to index
          %get3A_1266 = arith.index_cast %add3A_1264 : i32 to index
          %get3A_1267 = arith.constant 0 : index
          %get3A_1268 = tpu.vector_load %arg14[%get3A_1265, %get3A_1266, %get3A_1267] {strides = array<i32>} : memref<8x128x32xf32, #tpu.memory_space<vmem>>, vector<1x1x16xf32>,
          %get3A_1269 = vector.shape_cast %get3A_1268 : vector<1x1x16xf32> to vector<16xf32>
          %mul3A_1270 = vector.broadcast %squeeze3A_1262 : f32 to vector<16xf32>
          %mul3A_1271 = arith.mulf %mul3A_1270, %get3A_1269 : vector<16xf32>
          %add3A_1272 = arith.addf %add3A_1250, %mul3A_1271 : vector<16xf32>
          %add3A_1273 = arith.constant 6 : i32
          %add3A_1274 = arith.addi %mul3A_400, %add3A_1273 : i32
          %get3A_1275 = arith.index_cast %add3A_1121 : i32 to index
          %get3A_1276 = arith.index_cast %add3A_1274 : i32 to index
          %get3A_1277 = arith.constant 16 : index
          %get3A_1278 = tpu.vector_load %arg14[%get3A_1275, %get3A_1276, %get3A_1277] {strides = array<i32>} : memref<8x128x32xf32, #tpu.memory_space<vmem>>, vector<1x1x16xf32>,
          %get3A_1279 = vector.shape_cast %get3A_1278 : vector<1x1x16xf32> to vector<16xf32>
          %mul3A_1280 = vector.broadcast %squeeze3A_1262 : f32 to vector<16xf32>
          %mul3A_1281 = arith.mulf %mul3A_1280, %get3A_1279 : vector<16xf32>
          %add3A_1282 = arith.addf %add3A_1260, %mul3A_1281 : vector<16xf32>
          %slice3A_1283 = vector.extract_strided_slice %get3A_1128 {offsets = [7], sizes = [1], strides = [1]} : vector<16xf32> to vector<1xf32>
          %squeeze3A_1284 = vector.extract %slice3A_1283[0] : f32 from vector<1xf32>
          %add3A_1285 = arith.constant 7 : i32
          %add3A_1286 = arith.addi %mul3A_400, %add3A_1285 : i32
          %get3A_1287 = arith.index_cast %add3A_1121 : i32 to index
          %get3A_1288 = arith.index_cast %add3A_1286 : i32 to index
          %get3A_1289 = arith.constant 0 : index
          %get3A_1290 = tpu.vector_load %arg14[%get3A_1287, %get3A_1288, %get3A_1289] {strides = array<i32>} : memref<8x128x32xf32, #tpu.memory_space<vmem>>, vector<1x1x16xf32>,
          %get3A_1291 = vector.shape_cast %get3A_1290 : vector<1x1x16xf32> to vector<16xf32>
          %mul3A_1292 = vector.broadcast %squeeze3A_1284 : f32 to vector<16xf32>
          %mul3A_1293 = arith.mulf %mul3A_1292, %get3A_1291 : vector<16xf32>
          %add3A_1294 = arith.addf %add3A_1272, %mul3A_1293 : vector<16xf32>
          %add3A_1295 = arith.constant 7 : i32
          %add3A_1296 = arith.addi %mul3A_400, %add3A_1295 : i32
          %get3A_1297 = arith.index_cast %add3A_1121 : i32 to index
          %get3A_1298 = arith.index_cast %add3A_1296 : i32 to index
          %get3A_1299 = arith.constant 16 : index
          %get3A_1300 = tpu.vector_load %arg14[%get3A_1297, %get3A_1298, %get3A_1299] {strides = array<i32>} : memref<8x128x32xf32, #tpu.memory_space<vmem>>, vector<1x1x16xf32>,
          %get3A_1301 = vector.shape_cast %get3A_1300 : vector<1x1x16xf32> to vector<16xf32>
          %mul3A_1302 = vector.broadcast %squeeze3A_1284 : f32 to vector<16xf32>
          %mul3A_1303 = arith.mulf %mul3A_1302, %get3A_1301 : vector<16xf32>
          %add3A_1304 = arith.addf %add3A_1282, %mul3A_1303 : vector<16xf32>
          %slice3A_1305 = vector.extract_strided_slice %get3A_1128 {offsets = [8], sizes = [1], strides = [1]} : vector<16xf32> to vector<1xf32>
          %squeeze3A_1306 = vector.extract %slice3A_1305[0] : f32 from vector<1xf32>
          %add3A_1307 = arith.constant 8 : i32
          %add3A_1308 = arith.addi %mul3A_400, %add3A_1307 : i32
          %get3A_1309 = arith.index_cast %add3A_1121 : i32 to index
          %get3A_1310 = arith.index_cast %add3A_1308 : i32 to index
          %get3A_1311 = arith.constant 0 : index
          %get3A_1312 = tpu.vector_load %arg14[%get3A_1309, %get3A_1310, %get3A_1311] {strides = array<i32>} : memref<8x128x32xf32, #tpu.memory_space<vmem>>, vector<1x1x16xf32>,
          %get3A_1313 = vector.shape_cast %get3A_1312 : vector<1x1x16xf32> to vector<16xf32>
          %mul3A_1314 = vector.broadcast %squeeze3A_1306 : f32 to vector<16xf32>
          %mul3A_1315 = arith.mulf %mul3A_1314, %get3A_1313 : vector<16xf32>
          %add3A_1316 = arith.addf %add3A_1294, %mul3A_1315 : vector<16xf32>
          %add3A_1317 = arith.constant 8 : i32
          %add3A_1318 = arith.addi %mul3A_400, %add3A_1317 : i32
          %get3A_1319 = arith.index_cast %add3A_1121 : i32 to index
          %get3A_1320 = arith.index_cast %add3A_1318 : i32 to index
          %get3A_1321 = arith.constant 16 : index
          %get3A_1322 = tpu.vector_load %arg14[%get3A_1319, %get3A_1320, %get3A_1321] {strides = array<i32>} : memref<8x128x32xf32, #tpu.memory_space<vmem>>, vector<1x1x16xf32>,
          %get3A_1323 = vector.shape_cast %get3A_1322 : vector<1x1x16xf32> to vector<16xf32>
          %mul3A_1324 = vector.broadcast %squeeze3A_1306 : f32 to vector<16xf32>
          %mul3A_1325 = arith.mulf %mul3A_1324, %get3A_1323 : vector<16xf32>
          %add3A_1326 = arith.addf %add3A_1304, %mul3A_1325 : vector<16xf32>
          %slice3A_1327 = vector.extract_strided_slice %get3A_1128 {offsets = [9], sizes = [1], strides = [1]} : vector<16xf32> to vector<1xf32>
          %squeeze3A_1328 = vector.extract %slice3A_1327[0] : f32 from vector<1xf32>
          %add3A_1329 = arith.constant 9 : i32
          %add3A_1330 = arith.addi %mul3A_400, %add3A_1329 : i32
          %get3A_1331 = arith.index_cast %add3A_1121 : i32 to index
          %get3A_1332 = arith.index_cast %add3A_1330 : i32 to index
          %get3A_1333 = arith.constant 0 : index
          %get3A_1334 = tpu.vector_load %arg14[%get3A_1331, %get3A_1332, %get3A_1333] {strides = array<i32>} : memref<8x128x32xf32, #tpu.memory_space<vmem>>, vector<1x1x16xf32>,
          %get3A_1335 = vector.shape_cast %get3A_1334 : vector<1x1x16xf32> to vector<16xf32>
          %mul3A_1336 = vector.broadcast %squeeze3A_1328 : f32 to vector<16xf32>
          %mul3A_1337 = arith.mulf %mul3A_1336, %get3A_1335 : vector<16xf32>
          %add3A_1338 = arith.addf %add3A_1316, %mul3A_1337 : vector<16xf32>
          %add3A_1339 = arith.constant 9 : i32
          %add3A_1340 = arith.addi %mul3A_400, %add3A_1339 : i32
          %get3A_1341 = arith.index_cast %add3A_1121 : i32 to index
          %get3A_1342 = arith.index_cast %add3A_1340 : i32 to index
          %get3A_1343 = arith.constant 16 : index
          %get3A_1344 = tpu.vector_load %arg14[%get3A_1341, %get3A_1342, %get3A_1343] {strides = array<i32>} : memref<8x128x32xf32, #tpu.memory_space<vmem>>, vector<1x1x16xf32>,
          %get3A_1345 = vector.shape_cast %get3A_1344 : vector<1x1x16xf32> to vector<16xf32>
          %mul3A_1346 = vector.broadcast %squeeze3A_1328 : f32 to vector<16xf32>
          %mul3A_1347 = arith.mulf %mul3A_1346, %get3A_1345 : vector<16xf32>
          %add3A_1348 = arith.addf %add3A_1326, %mul3A_1347 : vector<16xf32>
          %slice3A_1349 = vector.extract_strided_slice %get3A_1128 {offsets = [10], sizes = [1], strides = [1]} : vector<16xf32> to vector<1xf32>
          %squeeze3A_1350 = vector.extract %slice3A_1349[0] : f32 from vector<1xf32>
          %add3A_1351 = arith.constant 10 : i32
          %add3A_1352 = arith.addi %mul3A_400, %add3A_1351 : i32
          %get3A_1353 = arith.index_cast %add3A_1121 : i32 to index
          %get3A_1354 = arith.index_cast %add3A_1352 : i32 to index
          %get3A_1355 = arith.constant 0 : index
          %get3A_1356 = tpu.vector_load %arg14[%get3A_1353, %get3A_1354, %get3A_1355] {strides = array<i32>} : memref<8x128x32xf32, #tpu.memory_space<vmem>>, vector<1x1x16xf32>,
          %get3A_1357 = vector.shape_cast %get3A_1356 : vector<1x1x16xf32> to vector<16xf32>
          %mul3A_1358 = vector.broadcast %squeeze3A_1350 : f32 to vector<16xf32>
          %mul3A_1359 = arith.mulf %mul3A_1358, %get3A_1357 : vector<16xf32>
          %add3A_1360 = arith.addf %add3A_1338, %mul3A_1359 : vector<16xf32>
          %add3A_1361 = arith.constant 10 : i32
          %add3A_1362 = arith.addi %mul3A_400, %add3A_1361 : i32
          %get3A_1363 = arith.index_cast %add3A_1121 : i32 to index
          %get3A_1364 = arith.index_cast %add3A_1362 : i32 to index
          %get3A_1365 = arith.constant 16 : index
          %get3A_1366 = tpu.vector_load %arg14[%get3A_1363, %get3A_1364, %get3A_1365] {strides = array<i32>} : memref<8x128x32xf32, #tpu.memory_space<vmem>>, vector<1x1x16xf32>,
          %get3A_1367 = vector.shape_cast %get3A_1366 : vector<1x1x16xf32> to vector<16xf32>
          %mul3A_1368 = vector.broadcast %squeeze3A_1350 : f32 to vector<16xf32>
          %mul3A_1369 = arith.mulf %mul3A_1368, %get3A_1367 : vector<16xf32>
          %add3A_1370 = arith.addf %add3A_1348, %mul3A_1369 : vector<16xf32>
          %slice3A_1371 = vector.extract_strided_slice %get3A_1128 {offsets = [11], sizes = [1], strides = [1]} : vector<16xf32> to vector<1xf32>
          %squeeze3A_1372 = vector.extract %slice3A_1371[0] : f32 from vector<1xf32>
          %add3A_1373 = arith.constant 11 : i32
          %add3A_1374 = arith.addi %mul3A_400, %add3A_1373 : i32
          %get3A_1375 = arith.index_cast %add3A_1121 : i32 to index
          %get3A_1376 = arith.index_cast %add3A_1374 : i32 to index
          %get3A_1377 = arith.constant 0 : index
          %get3A_1378 = tpu.vector_load %arg14[%get3A_1375, %get3A_1376, %get3A_1377] {strides = array<i32>} : memref<8x128x32xf32, #tpu.memory_space<vmem>>, vector<1x1x16xf32>,
          %get3A_1379 = vector.shape_cast %get3A_1378 : vector<1x1x16xf32> to vector<16xf32>
          %mul3A_1380 = vector.broadcast %squeeze3A_1372 : f32 to vector<16xf32>
          %mul3A_1381 = arith.mulf %mul3A_1380, %get3A_1379 : vector<16xf32>
          %add3A_1382 = arith.addf %add3A_1360, %mul3A_1381 : vector<16xf32>
          %add3A_1383 = arith.constant 11 : i32
          %add3A_1384 = arith.addi %mul3A_400, %add3A_1383 : i32
          %get3A_1385 = arith.index_cast %add3A_1121 : i32 to index
          %get3A_1386 = arith.index_cast %add3A_1384 : i32 to index
          %get3A_1387 = arith.constant 16 : index
          %get3A_1388 = tpu.vector_load %arg14[%get3A_1385, %get3A_1386, %get3A_1387] {strides = array<i32>} : memref<8x128x32xf32, #tpu.memory_space<vmem>>, vector<1x1x16xf32>,
          %get3A_1389 = vector.shape_cast %get3A_1388 : vector<1x1x16xf32> to vector<16xf32>
          %mul3A_1390 = vector.broadcast %squeeze3A_1372 : f32 to vector<16xf32>
          %mul3A_1391 = arith.mulf %mul3A_1390, %get3A_1389 : vector<16xf32>
          %add3A_1392 = arith.addf %add3A_1370, %mul3A_1391 : vector<16xf32>
          %slice3A_1393 = vector.extract_strided_slice %get3A_1128 {offsets = [12], sizes = [1], strides = [1]} : vector<16xf32> to vector<1xf32>
          %squeeze3A_1394 = vector.extract %slice3A_1393[0] : f32 from vector<1xf32>
          %add3A_1395 = arith.constant 12 : i32
          %add3A_1396 = arith.addi %mul3A_400, %add3A_1395 : i32
          %get3A_1397 = arith.index_cast %add3A_1121 : i32 to index
          %get3A_1398 = arith.index_cast %add3A_1396 : i32 to index
          %get3A_1399 = arith.constant 0 : index
          %get3A_1400 = tpu.vector_load %arg14[%get3A_1397, %get3A_1398, %get3A_1399] {strides = array<i32>} : memref<8x128x32xf32, #tpu.memory_space<vmem>>, vector<1x1x16xf32>,
          %get3A_1401 = vector.shape_cast %get3A_1400 : vector<1x1x16xf32> to vector<16xf32>
          %mul3A_1402 = vector.broadcast %squeeze3A_1394 : f32 to vector<16xf32>
          %mul3A_1403 = arith.mulf %mul3A_1402, %get3A_1401 : vector<16xf32>
          %add3A_1404 = arith.addf %add3A_1382, %mul3A_1403 : vector<16xf32>
          %add3A_1405 = arith.constant 12 : i32
          %add3A_1406 = arith.addi %mul3A_400, %add3A_1405 : i32
          %get3A_1407 = arith.index_cast %add3A_1121 : i32 to index
          %get3A_1408 = arith.index_cast %add3A_1406 : i32 to index
          %get3A_1409 = arith.constant 16 : index
          %get3A_1410 = tpu.vector_load %arg14[%get3A_1407, %get3A_1408, %get3A_1409] {strides = array<i32>} : memref<8x128x32xf32, #tpu.memory_space<vmem>>, vector<1x1x16xf32>,
          %get3A_1411 = vector.shape_cast %get3A_1410 : vector<1x1x16xf32> to vector<16xf32>
          %mul3A_1412 = vector.broadcast %squeeze3A_1394 : f32 to vector<16xf32>
          %mul3A_1413 = arith.mulf %mul3A_1412, %get3A_1411 : vector<16xf32>
          %add3A_1414 = arith.addf %add3A_1392, %mul3A_1413 : vector<16xf32>
          %slice3A_1415 = vector.extract_strided_slice %get3A_1128 {offsets = [13], sizes = [1], strides = [1]} : vector<16xf32> to vector<1xf32>
          %squeeze3A_1416 = vector.extract %slice3A_1415[0] : f32 from vector<1xf32>
          %add3A_1417 = arith.constant 13 : i32
          %add3A_1418 = arith.addi %mul3A_400, %add3A_1417 : i32
          %get3A_1419 = arith.index_cast %add3A_1121 : i32 to index
          %get3A_1420 = arith.index_cast %add3A_1418 : i32 to index
          %get3A_1421 = arith.constant 0 : index
          %get3A_1422 = tpu.vector_load %arg14[%get3A_1419, %get3A_1420, %get3A_1421] {strides = array<i32>} : memref<8x128x32xf32, #tpu.memory_space<vmem>>, vector<1x1x16xf32>,
          %get3A_1423 = vector.shape_cast %get3A_1422 : vector<1x1x16xf32> to vector<16xf32>
          %mul3A_1424 = vector.broadcast %squeeze3A_1416 : f32 to vector<16xf32>
          %mul3A_1425 = arith.mulf %mul3A_1424, %get3A_1423 : vector<16xf32>
          %add3A_1426 = arith.addf %add3A_1404, %mul3A_1425 : vector<16xf32>
          %add3A_1427 = arith.constant 13 : i32
          %add3A_1428 = arith.addi %mul3A_400, %add3A_1427 : i32
          %get3A_1429 = arith.index_cast %add3A_1121 : i32 to index
          %get3A_1430 = arith.index_cast %add3A_1428 : i32 to index
          %get3A_1431 = arith.constant 16 : index
          %get3A_1432 = tpu.vector_load %arg14[%get3A_1429, %get3A_1430, %get3A_1431] {strides = array<i32>} : memref<8x128x32xf32, #tpu.memory_space<vmem>>, vector<1x1x16xf32>,
          %get3A_1433 = vector.shape_cast %get3A_1432 : vector<1x1x16xf32> to vector<16xf32>
          %mul3A_1434 = vector.broadcast %squeeze3A_1416 : f32 to vector<16xf32>
          %mul3A_1435 = arith.mulf %mul3A_1434, %get3A_1433 : vector<16xf32>
          %add3A_1436 = arith.addf %add3A_1414, %mul3A_1435 : vector<16xf32>
          %slice3A_1437 = vector.extract_strided_slice %get3A_1128 {offsets = [14], sizes = [1], strides = [1]} : vector<16xf32> to vector<1xf32>
          %squeeze3A_1438 = vector.extract %slice3A_1437[0] : f32 from vector<1xf32>
          %add3A_1439 = arith.constant 14 : i32
          %add3A_1440 = arith.addi %mul3A_400, %add3A_1439 : i32
          %get3A_1441 = arith.index_cast %add3A_1121 : i32 to index
          %get3A_1442 = arith.index_cast %add3A_1440 : i32 to index
          %get3A_1443 = arith.constant 0 : index
          %get3A_1444 = tpu.vector_load %arg14[%get3A_1441, %get3A_1442, %get3A_1443] {strides = array<i32>} : memref<8x128x32xf32, #tpu.memory_space<vmem>>, vector<1x1x16xf32>,
          %get3A_1445 = vector.shape_cast %get3A_1444 : vector<1x1x16xf32> to vector<16xf32>
          %mul3A_1446 = vector.broadcast %squeeze3A_1438 : f32 to vector<16xf32>
          %mul3A_1447 = arith.mulf %mul3A_1446, %get3A_1445 : vector<16xf32>
          %add3A_1448 = arith.addf %add3A_1426, %mul3A_1447 : vector<16xf32>
          %add3A_1449 = arith.constant 14 : i32
          %add3A_1450 = arith.addi %mul3A_400, %add3A_1449 : i32
          %get3A_1451 = arith.index_cast %add3A_1121 : i32 to index
          %get3A_1452 = arith.index_cast %add3A_1450 : i32 to index
          %get3A_1453 = arith.constant 16 : index
          %get3A_1454 = tpu.vector_load %arg14[%get3A_1451, %get3A_1452, %get3A_1453] {strides = array<i32>} : memref<8x128x32xf32, #tpu.memory_space<vmem>>, vector<1x1x16xf32>,
          %get3A_1455 = vector.shape_cast %get3A_1454 : vector<1x1x16xf32> to vector<16xf32>
          %mul3A_1456 = vector.broadcast %squeeze3A_1438 : f32 to vector<16xf32>
          %mul3A_1457 = arith.mulf %mul3A_1456, %get3A_1455 : vector<16xf32>
          %add3A_1458 = arith.addf %add3A_1436, %mul3A_1457 : vector<16xf32>
          %slice3A_1459 = vector.extract_strided_slice %get3A_1128 {offsets = [15], sizes = [1], strides = [1]} : vector<16xf32> to vector<1xf32>
          %squeeze3A_1460 = vector.extract %slice3A_1459[0] : f32 from vector<1xf32>
          %add3A_1461 = arith.constant 15 : i32
          %add3A_1462 = arith.addi %mul3A_400, %add3A_1461 : i32
          %get3A_1463 = arith.index_cast %add3A_1121 : i32 to index
          %get3A_1464 = arith.index_cast %add3A_1462 : i32 to index
          %get3A_1465 = arith.constant 0 : index
          %get3A_1466 = tpu.vector_load %arg14[%get3A_1463, %get3A_1464, %get3A_1465] {strides = array<i32>} : memref<8x128x32xf32, #tpu.memory_space<vmem>>, vector<1x1x16xf32>,
          %get3A_1467 = vector.shape_cast %get3A_1466 : vector<1x1x16xf32> to vector<16xf32>
          %mul3A_1468 = vector.broadcast %squeeze3A_1460 : f32 to vector<16xf32>
          %mul3A_1469 = arith.mulf %mul3A_1468, %get3A_1467 : vector<16xf32>
          %add3A_1470 = arith.addf %add3A_1448, %mul3A_1469 : vector<16xf32>
          %add3A_1471 = arith.constant 15 : i32
          %add3A_1472 = arith.addi %mul3A_400, %add3A_1471 : i32
          %get3A_1473 = arith.index_cast %add3A_1121 : i32 to index
          %get3A_1474 = arith.index_cast %add3A_1472 : i32 to index
          %get3A_1475 = arith.constant 16 : index
          %get3A_1476 = tpu.vector_load %arg14[%get3A_1473, %get3A_1474, %get3A_1475] {strides = array<i32>} : memref<8x128x32xf32, #tpu.memory_space<vmem>>, vector<1x1x16xf32>,
          %get3A_1477 = vector.shape_cast %get3A_1476 : vector<1x1x16xf32> to vector<16xf32>
          %mul3A_1478 = vector.broadcast %squeeze3A_1460 : f32 to vector<16xf32>
          %mul3A_1479 = arith.mulf %mul3A_1478, %get3A_1477 : vector<16xf32>
          %add3A_1480 = arith.addf %add3A_1458, %mul3A_1479 : vector<16xf32>
          %add3A_1481 = arith.constant 6 : i32
          %add3A_1482 = arith.addi %add3A_1481, %shift_right_arithmetic3A_394 : i32
          %add3A_1483 = arith.constant 48 : i32
          %add3A_1484 = arith.addi %add3A_1483, %mul3A_178 : i32
          %add3A_1485 = arith.addi %add3A_1484, %shift_right_arithmetic3A_394 : i32
          %get3A_1486 = arith.index_cast %add3A_1485 : i32 to index
          %get3A_1487 = arith.index_cast %mul3A_400 : i32 to index
          %get3A_1488 = tpu.vector_load %arg13[%get3A_1486, %get3A_1487] {strides = array<i32>} : memref<64x128xf32, #tpu.memory_space<vmem>>, vector<1x16xf32>,
          %get3A_1489 = vector.shape_cast %get3A_1488 : vector<1x16xf32> to vector<16xf32>
          %slice3A_1490 = vector.extract_strided_slice %get3A_1489 {offsets = [0], sizes = [1], strides = [1]} : vector<16xf32> to vector<1xf32>
          %squeeze3A_1491 = vector.extract %slice3A_1490[0] : f32 from vector<1xf32>
          %add3A_1492 = arith.constant 0 : i32
          %add3A_1493 = arith.addi %mul3A_400, %add3A_1492 : i32
          %get3A_1494 = arith.index_cast %add3A_1482 : i32 to index
          %get3A_1495 = arith.index_cast %add3A_1493 : i32 to index
          %get3A_1496 = arith.constant 0 : index
          %get3A_1497 = tpu.vector_load %arg14[%get3A_1494, %get3A_1495, %get3A_1496] {strides = array<i32>} : memref<8x128x32xf32, #tpu.memory_space<vmem>>, vector<1x1x16xf32>,
          %get3A_1498 = vector.shape_cast %get3A_1497 : vector<1x1x16xf32> to vector<16xf32>
          %mul3A_1499 = vector.broadcast %squeeze3A_1491 : f32 to vector<16xf32>
          %mul3A_1500 = arith.mulf %mul3A_1499, %get3A_1498 : vector<16xf32>
          %add3A_1501 = arith.addf %add3A_1470, %mul3A_1500 : vector<16xf32>
          %add3A_1502 = arith.constant 0 : i32
          %add3A_1503 = arith.addi %mul3A_400, %add3A_1502 : i32
          %get3A_1504 = arith.index_cast %add3A_1482 : i32 to index
          %get3A_1505 = arith.index_cast %add3A_1503 : i32 to index
          %get3A_1506 = arith.constant 16 : index
          %get3A_1507 = tpu.vector_load %arg14[%get3A_1504, %get3A_1505, %get3A_1506] {strides = array<i32>} : memref<8x128x32xf32, #tpu.memory_space<vmem>>, vector<1x1x16xf32>,
          %get3A_1508 = vector.shape_cast %get3A_1507 : vector<1x1x16xf32> to vector<16xf32>
          %mul3A_1509 = vector.broadcast %squeeze3A_1491 : f32 to vector<16xf32>
          %mul3A_1510 = arith.mulf %mul3A_1509, %get3A_1508 : vector<16xf32>
          %add3A_1511 = arith.addf %add3A_1480, %mul3A_1510 : vector<16xf32>
          %slice3A_1512 = vector.extract_strided_slice %get3A_1489 {offsets = [1], sizes = [1], strides = [1]} : vector<16xf32> to vector<1xf32>
          %squeeze3A_1513 = vector.extract %slice3A_1512[0] : f32 from vector<1xf32>
          %add3A_1514 = arith.constant 1 : i32
          %add3A_1515 = arith.addi %mul3A_400, %add3A_1514 : i32
          %get3A_1516 = arith.index_cast %add3A_1482 : i32 to index
          %get3A_1517 = arith.index_cast %add3A_1515 : i32 to index
          %get3A_1518 = arith.constant 0 : index
          %get3A_1519 = tpu.vector_load %arg14[%get3A_1516, %get3A_1517, %get3A_1518] {strides = array<i32>} : memref<8x128x32xf32, #tpu.memory_space<vmem>>, vector<1x1x16xf32>,
          %get3A_1520 = vector.shape_cast %get3A_1519 : vector<1x1x16xf32> to vector<16xf32>
          %mul3A_1521 = vector.broadcast %squeeze3A_1513 : f32 to vector<16xf32>
          %mul3A_1522 = arith.mulf %mul3A_1521, %get3A_1520 : vector<16xf32>
          %add3A_1523 = arith.addf %add3A_1501, %mul3A_1522 : vector<16xf32>
          %add3A_1524 = arith.constant 1 : i32
          %add3A_1525 = arith.addi %mul3A_400, %add3A_1524 : i32
          %get3A_1526 = arith.index_cast %add3A_1482 : i32 to index
          %get3A_1527 = arith.index_cast %add3A_1525 : i32 to index
          %get3A_1528 = arith.constant 16 : index
          %get3A_1529 = tpu.vector_load %arg14[%get3A_1526, %get3A_1527, %get3A_1528] {strides = array<i32>} : memref<8x128x32xf32, #tpu.memory_space<vmem>>, vector<1x1x16xf32>,
          %get3A_1530 = vector.shape_cast %get3A_1529 : vector<1x1x16xf32> to vector<16xf32>
          %mul3A_1531 = vector.broadcast %squeeze3A_1513 : f32 to vector<16xf32>
          %mul3A_1532 = arith.mulf %mul3A_1531, %get3A_1530 : vector<16xf32>
          %add3A_1533 = arith.addf %add3A_1511, %mul3A_1532 : vector<16xf32>
          %slice3A_1534 = vector.extract_strided_slice %get3A_1489 {offsets = [2], sizes = [1], strides = [1]} : vector<16xf32> to vector<1xf32>
          %squeeze3A_1535 = vector.extract %slice3A_1534[0] : f32 from vector<1xf32>
          %add3A_1536 = arith.constant 2 : i32
          %add3A_1537 = arith.addi %mul3A_400, %add3A_1536 : i32
          %get3A_1538 = arith.index_cast %add3A_1482 : i32 to index
          %get3A_1539 = arith.index_cast %add3A_1537 : i32 to index
          %get3A_1540 = arith.constant 0 : index
          %get3A_1541 = tpu.vector_load %arg14[%get3A_1538, %get3A_1539, %get3A_1540] {strides = array<i32>} : memref<8x128x32xf32, #tpu.memory_space<vmem>>, vector<1x1x16xf32>,
          %get3A_1542 = vector.shape_cast %get3A_1541 : vector<1x1x16xf32> to vector<16xf32>
          %mul3A_1543 = vector.broadcast %squeeze3A_1535 : f32 to vector<16xf32>
          %mul3A_1544 = arith.mulf %mul3A_1543, %get3A_1542 : vector<16xf32>
          %add3A_1545 = arith.addf %add3A_1523, %mul3A_1544 : vector<16xf32>
          %add3A_1546 = arith.constant 2 : i32
          %add3A_1547 = arith.addi %mul3A_400, %add3A_1546 : i32
          %get3A_1548 = arith.index_cast %add3A_1482 : i32 to index
          %get3A_1549 = arith.index_cast %add3A_1547 : i32 to index
          %get3A_1550 = arith.constant 16 : index
          %get3A_1551 = tpu.vector_load %arg14[%get3A_1548, %get3A_1549, %get3A_1550] {strides = array<i32>} : memref<8x128x32xf32, #tpu.memory_space<vmem>>, vector<1x1x16xf32>,
          %get3A_1552 = vector.shape_cast %get3A_1551 : vector<1x1x16xf32> to vector<16xf32>
          %mul3A_1553 = vector.broadcast %squeeze3A_1535 : f32 to vector<16xf32>
          %mul3A_1554 = arith.mulf %mul3A_1553, %get3A_1552 : vector<16xf32>
          %add3A_1555 = arith.addf %add3A_1533, %mul3A_1554 : vector<16xf32>
          %slice3A_1556 = vector.extract_strided_slice %get3A_1489 {offsets = [3], sizes = [1], strides = [1]} : vector<16xf32> to vector<1xf32>
          %squeeze3A_1557 = vector.extract %slice3A_1556[0] : f32 from vector<1xf32>
          %add3A_1558 = arith.constant 3 : i32
          %add3A_1559 = arith.addi %mul3A_400, %add3A_1558 : i32
          %get3A_1560 = arith.index_cast %add3A_1482 : i32 to index
          %get3A_1561 = arith.index_cast %add3A_1559 : i32 to index
          %get3A_1562 = arith.constant 0 : index
          %get3A_1563 = tpu.vector_load %arg14[%get3A_1560, %get3A_1561, %get3A_1562] {strides = array<i32>} : memref<8x128x32xf32, #tpu.memory_space<vmem>>, vector<1x1x16xf32>,
          %get3A_1564 = vector.shape_cast %get3A_1563 : vector<1x1x16xf32> to vector<16xf32>
          %mul3A_1565 = vector.broadcast %squeeze3A_1557 : f32 to vector<16xf32>
          %mul3A_1566 = arith.mulf %mul3A_1565, %get3A_1564 : vector<16xf32>
          %add3A_1567 = arith.addf %add3A_1545, %mul3A_1566 : vector<16xf32>
          %add3A_1568 = arith.constant 3 : i32
          %add3A_1569 = arith.addi %mul3A_400, %add3A_1568 : i32
          %get3A_1570 = arith.index_cast %add3A_1482 : i32 to index
          %get3A_1571 = arith.index_cast %add3A_1569 : i32 to index
          %get3A_1572 = arith.constant 16 : index
          %get3A_1573 = tpu.vector_load %arg14[%get3A_1570, %get3A_1571, %get3A_1572] {strides = array<i32>} : memref<8x128x32xf32, #tpu.memory_space<vmem>>, vector<1x1x16xf32>,
          %get3A_1574 = vector.shape_cast %get3A_1573 : vector<1x1x16xf32> to vector<16xf32>
          %mul3A_1575 = vector.broadcast %squeeze3A_1557 : f32 to vector<16xf32>
          %mul3A_1576 = arith.mulf %mul3A_1575, %get3A_1574 : vector<16xf32>
          %add3A_1577 = arith.addf %add3A_1555, %mul3A_1576 : vector<16xf32>
          %slice3A_1578 = vector.extract_strided_slice %get3A_1489 {offsets = [4], sizes = [1], strides = [1]} : vector<16xf32> to vector<1xf32>
          %squeeze3A_1579 = vector.extract %slice3A_1578[0] : f32 from vector<1xf32>
          %add3A_1580 = arith.constant 4 : i32
          %add3A_1581 = arith.addi %mul3A_400, %add3A_1580 : i32
          %get3A_1582 = arith.index_cast %add3A_1482 : i32 to index
          %get3A_1583 = arith.index_cast %add3A_1581 : i32 to index
          %get3A_1584 = arith.constant 0 : index
          %get3A_1585 = tpu.vector_load %arg14[%get3A_1582, %get3A_1583, %get3A_1584] {strides = array<i32>} : memref<8x128x32xf32, #tpu.memory_space<vmem>>, vector<1x1x16xf32>,
          %get3A_1586 = vector.shape_cast %get3A_1585 : vector<1x1x16xf32> to vector<16xf32>
          %mul3A_1587 = vector.broadcast %squeeze3A_1579 : f32 to vector<16xf32>
          %mul3A_1588 = arith.mulf %mul3A_1587, %get3A_1586 : vector<16xf32>
          %add3A_1589 = arith.addf %add3A_1567, %mul3A_1588 : vector<16xf32>
          %add3A_1590 = arith.constant 4 : i32
          %add3A_1591 = arith.addi %mul3A_400, %add3A_1590 : i32
          %get3A_1592 = arith.index_cast %add3A_1482 : i32 to index
          %get3A_1593 = arith.index_cast %add3A_1591 : i32 to index
          %get3A_1594 = arith.constant 16 : index
          %get3A_1595 = tpu.vector_load %arg14[%get3A_1592, %get3A_1593, %get3A_1594] {strides = array<i32>} : memref<8x128x32xf32, #tpu.memory_space<vmem>>, vector<1x1x16xf32>,
          %get3A_1596 = vector.shape_cast %get3A_1595 : vector<1x1x16xf32> to vector<16xf32>
          %mul3A_1597 = vector.broadcast %squeeze3A_1579 : f32 to vector<16xf32>
          %mul3A_1598 = arith.mulf %mul3A_1597, %get3A_1596 : vector<16xf32>
          %add3A_1599 = arith.addf %add3A_1577, %mul3A_1598 : vector<16xf32>
          %slice3A_1600 = vector.extract_strided_slice %get3A_1489 {offsets = [5], sizes = [1], strides = [1]} : vector<16xf32> to vector<1xf32>
          %squeeze3A_1601 = vector.extract %slice3A_1600[0] : f32 from vector<1xf32>
          %add3A_1602 = arith.constant 5 : i32
          %add3A_1603 = arith.addi %mul3A_400, %add3A_1602 : i32
          %get3A_1604 = arith.index_cast %add3A_1482 : i32 to index
          %get3A_1605 = arith.index_cast %add3A_1603 : i32 to index
          %get3A_1606 = arith.constant 0 : index
          %get3A_1607 = tpu.vector_load %arg14[%get3A_1604, %get3A_1605, %get3A_1606] {strides = array<i32>} : memref<8x128x32xf32, #tpu.memory_space<vmem>>, vector<1x1x16xf32>,
          %get3A_1608 = vector.shape_cast %get3A_1607 : vector<1x1x16xf32> to vector<16xf32>
          %mul3A_1609 = vector.broadcast %squeeze3A_1601 : f32 to vector<16xf32>
          %mul3A_1610 = arith.mulf %mul3A_1609, %get3A_1608 : vector<16xf32>
          %add3A_1611 = arith.addf %add3A_1589, %mul3A_1610 : vector<16xf32>
          %add3A_1612 = arith.constant 5 : i32
          %add3A_1613 = arith.addi %mul3A_400, %add3A_1612 : i32
          %get3A_1614 = arith.index_cast %add3A_1482 : i32 to index
          %get3A_1615 = arith.index_cast %add3A_1613 : i32 to index
          %get3A_1616 = arith.constant 16 : index
          %get3A_1617 = tpu.vector_load %arg14[%get3A_1614, %get3A_1615, %get3A_1616] {strides = array<i32>} : memref<8x128x32xf32, #tpu.memory_space<vmem>>, vector<1x1x16xf32>,
          %get3A_1618 = vector.shape_cast %get3A_1617 : vector<1x1x16xf32> to vector<16xf32>
          %mul3A_1619 = vector.broadcast %squeeze3A_1601 : f32 to vector<16xf32>
          %mul3A_1620 = arith.mulf %mul3A_1619, %get3A_1618 : vector<16xf32>
          %add3A_1621 = arith.addf %add3A_1599, %mul3A_1620 : vector<16xf32>
          %slice3A_1622 = vector.extract_strided_slice %get3A_1489 {offsets = [6], sizes = [1], strides = [1]} : vector<16xf32> to vector<1xf32>
          %squeeze3A_1623 = vector.extract %slice3A_1622[0] : f32 from vector<1xf32>
          %add3A_1624 = arith.constant 6 : i32
          %add3A_1625 = arith.addi %mul3A_400, %add3A_1624 : i32
          %get3A_1626 = arith.index_cast %add3A_1482 : i32 to index
          %get3A_1627 = arith.index_cast %add3A_1625 : i32 to index
          %get3A_1628 = arith.constant 0 : index
          %get3A_1629 = tpu.vector_load %arg14[%get3A_1626, %get3A_1627, %get3A_1628] {strides = array<i32>} : memref<8x128x32xf32, #tpu.memory_space<vmem>>, vector<1x1x16xf32>,
          %get3A_1630 = vector.shape_cast %get3A_1629 : vector<1x1x16xf32> to vector<16xf32>
          %mul3A_1631 = vector.broadcast %squeeze3A_1623 : f32 to vector<16xf32>
          %mul3A_1632 = arith.mulf %mul3A_1631, %get3A_1630 : vector<16xf32>
          %add3A_1633 = arith.addf %add3A_1611, %mul3A_1632 : vector<16xf32>
          %add3A_1634 = arith.constant 6 : i32
          %add3A_1635 = arith.addi %mul3A_400, %add3A_1634 : i32
          %get3A_1636 = arith.index_cast %add3A_1482 : i32 to index
          %get3A_1637 = arith.index_cast %add3A_1635 : i32 to index
          %get3A_1638 = arith.constant 16 : index
          %get3A_1639 = tpu.vector_load %arg14[%get3A_1636, %get3A_1637, %get3A_1638] {strides = array<i32>} : memref<8x128x32xf32, #tpu.memory_space<vmem>>, vector<1x1x16xf32>,
          %get3A_1640 = vector.shape_cast %get3A_1639 : vector<1x1x16xf32> to vector<16xf32>
          %mul3A_1641 = vector.broadcast %squeeze3A_1623 : f32 to vector<16xf32>
          %mul3A_1642 = arith.mulf %mul3A_1641, %get3A_1640 : vector<16xf32>
          %add3A_1643 = arith.addf %add3A_1621, %mul3A_1642 : vector<16xf32>
          %slice3A_1644 = vector.extract_strided_slice %get3A_1489 {offsets = [7], sizes = [1], strides = [1]} : vector<16xf32> to vector<1xf32>
          %squeeze3A_1645 = vector.extract %slice3A_1644[0] : f32 from vector<1xf32>
          %add3A_1646 = arith.constant 7 : i32
          %add3A_1647 = arith.addi %mul3A_400, %add3A_1646 : i32
          %get3A_1648 = arith.index_cast %add3A_1482 : i32 to index
          %get3A_1649 = arith.index_cast %add3A_1647 : i32 to index
          %get3A_1650 = arith.constant 0 : index
          %get3A_1651 = tpu.vector_load %arg14[%get3A_1648, %get3A_1649, %get3A_1650] {strides = array<i32>} : memref<8x128x32xf32, #tpu.memory_space<vmem>>, vector<1x1x16xf32>,
          %get3A_1652 = vector.shape_cast %get3A_1651 : vector<1x1x16xf32> to vector<16xf32>
          %mul3A_1653 = vector.broadcast %squeeze3A_1645 : f32 to vector<16xf32>
          %mul3A_1654 = arith.mulf %mul3A_1653, %get3A_1652 : vector<16xf32>
          %add3A_1655 = arith.addf %add3A_1633, %mul3A_1654 : vector<16xf32>
          %add3A_1656 = arith.constant 7 : i32
          %add3A_1657 = arith.addi %mul3A_400, %add3A_1656 : i32
          %get3A_1658 = arith.index_cast %add3A_1482 : i32 to index
          %get3A_1659 = arith.index_cast %add3A_1657 : i32 to index
          %get3A_1660 = arith.constant 16 : index
          %get3A_1661 = tpu.vector_load %arg14[%get3A_1658, %get3A_1659, %get3A_1660] {strides = array<i32>} : memref<8x128x32xf32, #tpu.memory_space<vmem>>, vector<1x1x16xf32>,
          %get3A_1662 = vector.shape_cast %get3A_1661 : vector<1x1x16xf32> to vector<16xf32>
          %mul3A_1663 = vector.broadcast %squeeze3A_1645 : f32 to vector<16xf32>
          %mul3A_1664 = arith.mulf %mul3A_1663, %get3A_1662 : vector<16xf32>
          %add3A_1665 = arith.addf %add3A_1643, %mul3A_1664 : vector<16xf32>
          %slice3A_1666 = vector.extract_strided_slice %get3A_1489 {offsets = [8], sizes = [1], strides = [1]} : vector<16xf32> to vector<1xf32>
          %squeeze3A_1667 = vector.extract %slice3A_1666[0] : f32 from vector<1xf32>
          %add3A_1668 = arith.constant 8 : i32
          %add3A_1669 = arith.addi %mul3A_400, %add3A_1668 : i32
          %get3A_1670 = arith.index_cast %add3A_1482 : i32 to index
          %get3A_1671 = arith.index_cast %add3A_1669 : i32 to index
          %get3A_1672 = arith.constant 0 : index
          %get3A_1673 = tpu.vector_load %arg14[%get3A_1670, %get3A_1671, %get3A_1672] {strides = array<i32>} : memref<8x128x32xf32, #tpu.memory_space<vmem>>, vector<1x1x16xf32>,
          %get3A_1674 = vector.shape_cast %get3A_1673 : vector<1x1x16xf32> to vector<16xf32>
          %mul3A_1675 = vector.broadcast %squeeze3A_1667 : f32 to vector<16xf32>
          %mul3A_1676 = arith.mulf %mul3A_1675, %get3A_1674 : vector<16xf32>
          %add3A_1677 = arith.addf %add3A_1655, %mul3A_1676 : vector<16xf32>
          %add3A_1678 = arith.constant 8 : i32
          %add3A_1679 = arith.addi %mul3A_400, %add3A_1678 : i32
          %get3A_1680 = arith.index_cast %add3A_1482 : i32 to index
          %get3A_1681 = arith.index_cast %add3A_1679 : i32 to index
          %get3A_1682 = arith.constant 16 : index
          %get3A_1683 = tpu.vector_load %arg14[%get3A_1680, %get3A_1681, %get3A_1682] {strides = array<i32>} : memref<8x128x32xf32, #tpu.memory_space<vmem>>, vector<1x1x16xf32>,
          %get3A_1684 = vector.shape_cast %get3A_1683 : vector<1x1x16xf32> to vector<16xf32>
          %mul3A_1685 = vector.broadcast %squeeze3A_1667 : f32 to vector<16xf32>
          %mul3A_1686 = arith.mulf %mul3A_1685, %get3A_1684 : vector<16xf32>
          %add3A_1687 = arith.addf %add3A_1665, %mul3A_1686 : vector<16xf32>
          %slice3A_1688 = vector.extract_strided_slice %get3A_1489 {offsets = [9], sizes = [1], strides = [1]} : vector<16xf32> to vector<1xf32>
          %squeeze3A_1689 = vector.extract %slice3A_1688[0] : f32 from vector<1xf32>
          %add3A_1690 = arith.constant 9 : i32
          %add3A_1691 = arith.addi %mul3A_400, %add3A_1690 : i32
          %get3A_1692 = arith.index_cast %add3A_1482 : i32 to index
          %get3A_1693 = arith.index_cast %add3A_1691 : i32 to index
          %get3A_1694 = arith.constant 0 : index
          %get3A_1695 = tpu.vector_load %arg14[%get3A_1692, %get3A_1693, %get3A_1694] {strides = array<i32>} : memref<8x128x32xf32, #tpu.memory_space<vmem>>, vector<1x1x16xf32>,
          %get3A_1696 = vector.shape_cast %get3A_1695 : vector<1x1x16xf32> to vector<16xf32>
          %mul3A_1697 = vector.broadcast %squeeze3A_1689 : f32 to vector<16xf32>
          %mul3A_1698 = arith.mulf %mul3A_1697, %get3A_1696 : vector<16xf32>
          %add3A_1699 = arith.addf %add3A_1677, %mul3A_1698 : vector<16xf32>
          %add3A_1700 = arith.constant 9 : i32
          %add3A_1701 = arith.addi %mul3A_400, %add3A_1700 : i32
          %get3A_1702 = arith.index_cast %add3A_1482 : i32 to index
          %get3A_1703 = arith.index_cast %add3A_1701 : i32 to index
          %get3A_1704 = arith.constant 16 : index
          %get3A_1705 = tpu.vector_load %arg14[%get3A_1702, %get3A_1703, %get3A_1704] {strides = array<i32>} : memref<8x128x32xf32, #tpu.memory_space<vmem>>, vector<1x1x16xf32>,
          %get3A_1706 = vector.shape_cast %get3A_1705 : vector<1x1x16xf32> to vector<16xf32>
          %mul3A_1707 = vector.broadcast %squeeze3A_1689 : f32 to vector<16xf32>
          %mul3A_1708 = arith.mulf %mul3A_1707, %get3A_1706 : vector<16xf32>
          %add3A_1709 = arith.addf %add3A_1687, %mul3A_1708 : vector<16xf32>
          %slice3A_1710 = vector.extract_strided_slice %get3A_1489 {offsets = [10], sizes = [1], strides = [1]} : vector<16xf32> to vector<1xf32>
          %squeeze3A_1711 = vector.extract %slice3A_1710[0] : f32 from vector<1xf32>
          %add3A_1712 = arith.constant 10 : i32
          %add3A_1713 = arith.addi %mul3A_400, %add3A_1712 : i32
          %get3A_1714 = arith.index_cast %add3A_1482 : i32 to index
          %get3A_1715 = arith.index_cast %add3A_1713 : i32 to index
          %get3A_1716 = arith.constant 0 : index
          %get3A_1717 = tpu.vector_load %arg14[%get3A_1714, %get3A_1715, %get3A_1716] {strides = array<i32>} : memref<8x128x32xf32, #tpu.memory_space<vmem>>, vector<1x1x16xf32>,
          %get3A_1718 = vector.shape_cast %get3A_1717 : vector<1x1x16xf32> to vector<16xf32>
          %mul3A_1719 = vector.broadcast %squeeze3A_1711 : f32 to vector<16xf32>
          %mul3A_1720 = arith.mulf %mul3A_1719, %get3A_1718 : vector<16xf32>
          %add3A_1721 = arith.addf %add3A_1699, %mul3A_1720 : vector<16xf32>
          %add3A_1722 = arith.constant 10 : i32
          %add3A_1723 = arith.addi %mul3A_400, %add3A_1722 : i32
          %get3A_1724 = arith.index_cast %add3A_1482 : i32 to index
          %get3A_1725 = arith.index_cast %add3A_1723 : i32 to index
          %get3A_1726 = arith.constant 16 : index
          %get3A_1727 = tpu.vector_load %arg14[%get3A_1724, %get3A_1725, %get3A_1726] {strides = array<i32>} : memref<8x128x32xf32, #tpu.memory_space<vmem>>, vector<1x1x16xf32>,
          %get3A_1728 = vector.shape_cast %get3A_1727 : vector<1x1x16xf32> to vector<16xf32>
          %mul3A_1729 = vector.broadcast %squeeze3A_1711 : f32 to vector<16xf32>
          %mul3A_1730 = arith.mulf %mul3A_1729, %get3A_1728 : vector<16xf32>
          %add3A_1731 = arith.addf %add3A_1709, %mul3A_1730 : vector<16xf32>
          %slice3A_1732 = vector.extract_strided_slice %get3A_1489 {offsets = [11], sizes = [1], strides = [1]} : vector<16xf32> to vector<1xf32>
          %squeeze3A_1733 = vector.extract %slice3A_1732[0] : f32 from vector<1xf32>
          %add3A_1734 = arith.constant 11 : i32
          %add3A_1735 = arith.addi %mul3A_400, %add3A_1734 : i32
          %get3A_1736 = arith.index_cast %add3A_1482 : i32 to index
          %get3A_1737 = arith.index_cast %add3A_1735 : i32 to index
          %get3A_1738 = arith.constant 0 : index
          %get3A_1739 = tpu.vector_load %arg14[%get3A_1736, %get3A_1737, %get3A_1738] {strides = array<i32>} : memref<8x128x32xf32, #tpu.memory_space<vmem>>, vector<1x1x16xf32>,
          %get3A_1740 = vector.shape_cast %get3A_1739 : vector<1x1x16xf32> to vector<16xf32>
          %mul3A_1741 = vector.broadcast %squeeze3A_1733 : f32 to vector<16xf32>
          %mul3A_1742 = arith.mulf %mul3A_1741, %get3A_1740 : vector<16xf32>
          %add3A_1743 = arith.addf %add3A_1721, %mul3A_1742 : vector<16xf32>
          %add3A_1744 = arith.constant 11 : i32
          %add3A_1745 = arith.addi %mul3A_400, %add3A_1744 : i32
          %get3A_1746 = arith.index_cast %add3A_1482 : i32 to index
          %get3A_1747 = arith.index_cast %add3A_1745 : i32 to index
          %get3A_1748 = arith.constant 16 : index
          %get3A_1749 = tpu.vector_load %arg14[%get3A_1746, %get3A_1747, %get3A_1748] {strides = array<i32>} : memref<8x128x32xf32, #tpu.memory_space<vmem>>, vector<1x1x16xf32>,
          %get3A_1750 = vector.shape_cast %get3A_1749 : vector<1x1x16xf32> to vector<16xf32>
          %mul3A_1751 = vector.broadcast %squeeze3A_1733 : f32 to vector<16xf32>
          %mul3A_1752 = arith.mulf %mul3A_1751, %get3A_1750 : vector<16xf32>
          %add3A_1753 = arith.addf %add3A_1731, %mul3A_1752 : vector<16xf32>
          %slice3A_1754 = vector.extract_strided_slice %get3A_1489 {offsets = [12], sizes = [1], strides = [1]} : vector<16xf32> to vector<1xf32>
          %squeeze3A_1755 = vector.extract %slice3A_1754[0] : f32 from vector<1xf32>
          %add3A_1756 = arith.constant 12 : i32
          %add3A_1757 = arith.addi %mul3A_400, %add3A_1756 : i32
          %get3A_1758 = arith.index_cast %add3A_1482 : i32 to index
          %get3A_1759 = arith.index_cast %add3A_1757 : i32 to index
          %get3A_1760 = arith.constant 0 : index
          %get3A_1761 = tpu.vector_load %arg14[%get3A_1758, %get3A_1759, %get3A_1760] {strides = array<i32>} : memref<8x128x32xf32, #tpu.memory_space<vmem>>, vector<1x1x16xf32>,
          %get3A_1762 = vector.shape_cast %get3A_1761 : vector<1x1x16xf32> to vector<16xf32>
          %mul3A_1763 = vector.broadcast %squeeze3A_1755 : f32 to vector<16xf32>
          %mul3A_1764 = arith.mulf %mul3A_1763, %get3A_1762 : vector<16xf32>
          %add3A_1765 = arith.addf %add3A_1743, %mul3A_1764 : vector<16xf32>
          %add3A_1766 = arith.constant 12 : i32
          %add3A_1767 = arith.addi %mul3A_400, %add3A_1766 : i32
          %get3A_1768 = arith.index_cast %add3A_1482 : i32 to index
          %get3A_1769 = arith.index_cast %add3A_1767 : i32 to index
          %get3A_1770 = arith.constant 16 : index
          %get3A_1771 = tpu.vector_load %arg14[%get3A_1768, %get3A_1769, %get3A_1770] {strides = array<i32>} : memref<8x128x32xf32, #tpu.memory_space<vmem>>, vector<1x1x16xf32>,
          %get3A_1772 = vector.shape_cast %get3A_1771 : vector<1x1x16xf32> to vector<16xf32>
          %mul3A_1773 = vector.broadcast %squeeze3A_1755 : f32 to vector<16xf32>
          %mul3A_1774 = arith.mulf %mul3A_1773, %get3A_1772 : vector<16xf32>
          %add3A_1775 = arith.addf %add3A_1753, %mul3A_1774 : vector<16xf32>
          %slice3A_1776 = vector.extract_strided_slice %get3A_1489 {offsets = [13], sizes = [1], strides = [1]} : vector<16xf32> to vector<1xf32>
          %squeeze3A_1777 = vector.extract %slice3A_1776[0] : f32 from vector<1xf32>
          %add3A_1778 = arith.constant 13 : i32
          %add3A_1779 = arith.addi %mul3A_400, %add3A_1778 : i32
          %get3A_1780 = arith.index_cast %add3A_1482 : i32 to index
          %get3A_1781 = arith.index_cast %add3A_1779 : i32 to index
          %get3A_1782 = arith.constant 0 : index
          %get3A_1783 = tpu.vector_load %arg14[%get3A_1780, %get3A_1781, %get3A_1782] {strides = array<i32>} : memref<8x128x32xf32, #tpu.memory_space<vmem>>, vector<1x1x16xf32>,
          %get3A_1784 = vector.shape_cast %get3A_1783 : vector<1x1x16xf32> to vector<16xf32>
          %mul3A_1785 = vector.broadcast %squeeze3A_1777 : f32 to vector<16xf32>
          %mul3A_1786 = arith.mulf %mul3A_1785, %get3A_1784 : vector<16xf32>
          %add3A_1787 = arith.addf %add3A_1765, %mul3A_1786 : vector<16xf32>
          %add3A_1788 = arith.constant 13 : i32
          %add3A_1789 = arith.addi %mul3A_400, %add3A_1788 : i32
          %get3A_1790 = arith.index_cast %add3A_1482 : i32 to index
          %get3A_1791 = arith.index_cast %add3A_1789 : i32 to index
          %get3A_1792 = arith.constant 16 : index
          %get3A_1793 = tpu.vector_load %arg14[%get3A_1790, %get3A_1791, %get3A_1792] {strides = array<i32>} : memref<8x128x32xf32, #tpu.memory_space<vmem>>, vector<1x1x16xf32>,
          %get3A_1794 = vector.shape_cast %get3A_1793 : vector<1x1x16xf32> to vector<16xf32>
          %mul3A_1795 = vector.broadcast %squeeze3A_1777 : f32 to vector<16xf32>
          %mul3A_1796 = arith.mulf %mul3A_1795, %get3A_1794 : vector<16xf32>
          %add3A_1797 = arith.addf %add3A_1775, %mul3A_1796 : vector<16xf32>
          %slice3A_1798 = vector.extract_strided_slice %get3A_1489 {offsets = [14], sizes = [1], strides = [1]} : vector<16xf32> to vector<1xf32>
          %squeeze3A_1799 = vector.extract %slice3A_1798[0] : f32 from vector<1xf32>
          %add3A_1800 = arith.constant 14 : i32
          %add3A_1801 = arith.addi %mul3A_400, %add3A_1800 : i32
          %get3A_1802 = arith.index_cast %add3A_1482 : i32 to index
          %get3A_1803 = arith.index_cast %add3A_1801 : i32 to index
          %get3A_1804 = arith.constant 0 : index
          %get3A_1805 = tpu.vector_load %arg14[%get3A_1802, %get3A_1803, %get3A_1804] {strides = array<i32>} : memref<8x128x32xf32, #tpu.memory_space<vmem>>, vector<1x1x16xf32>,
          %get3A_1806 = vector.shape_cast %get3A_1805 : vector<1x1x16xf32> to vector<16xf32>
          %mul3A_1807 = vector.broadcast %squeeze3A_1799 : f32 to vector<16xf32>
          %mul3A_1808 = arith.mulf %mul3A_1807, %get3A_1806 : vector<16xf32>
          %add3A_1809 = arith.addf %add3A_1787, %mul3A_1808 : vector<16xf32>
          %add3A_1810 = arith.constant 14 : i32
          %add3A_1811 = arith.addi %mul3A_400, %add3A_1810 : i32
          %get3A_1812 = arith.index_cast %add3A_1482 : i32 to index
          %get3A_1813 = arith.index_cast %add3A_1811 : i32 to index
          %get3A_1814 = arith.constant 16 : index
          %get3A_1815 = tpu.vector_load %arg14[%get3A_1812, %get3A_1813, %get3A_1814] {strides = array<i32>} : memref<8x128x32xf32, #tpu.memory_space<vmem>>, vector<1x1x16xf32>,
          %get3A_1816 = vector.shape_cast %get3A_1815 : vector<1x1x16xf32> to vector<16xf32>
          %mul3A_1817 = vector.broadcast %squeeze3A_1799 : f32 to vector<16xf32>
          %mul3A_1818 = arith.mulf %mul3A_1817, %get3A_1816 : vector<16xf32>
          %add3A_1819 = arith.addf %add3A_1797, %mul3A_1818 : vector<16xf32>
          %slice3A_1820 = vector.extract_strided_slice %get3A_1489 {offsets = [15], sizes = [1], strides = [1]} : vector<16xf32> to vector<1xf32>
          %squeeze3A_1821 = vector.extract %slice3A_1820[0] : f32 from vector<1xf32>
          %add3A_1822 = arith.constant 15 : i32
          %add3A_1823 = arith.addi %mul3A_400, %add3A_1822 : i32
          %get3A_1824 = arith.index_cast %add3A_1482 : i32 to index
          %get3A_1825 = arith.index_cast %add3A_1823 : i32 to index
          %get3A_1826 = arith.constant 0 : index
          %get3A_1827 = tpu.vector_load %arg14[%get3A_1824, %get3A_1825, %get3A_1826] {strides = array<i32>} : memref<8x128x32xf32, #tpu.memory_space<vmem>>, vector<1x1x16xf32>,
          %get3A_1828 = vector.shape_cast %get3A_1827 : vector<1x1x16xf32> to vector<16xf32>
          %mul3A_1829 = vector.broadcast %squeeze3A_1821 : f32 to vector<16xf32>
          %mul3A_1830 = arith.mulf %mul3A_1829, %get3A_1828 : vector<16xf32>
          %add3A_1831 = arith.addf %add3A_1809, %mul3A_1830 : vector<16xf32>
          %add3A_1832 = arith.constant 15 : i32
          %add3A_1833 = arith.addi %mul3A_400, %add3A_1832 : i32
          %get3A_1834 = arith.index_cast %add3A_1482 : i32 to index
          %get3A_1835 = arith.index_cast %add3A_1833 : i32 to index
          %get3A_1836 = arith.constant 16 : index
          %get3A_1837 = tpu.vector_load %arg14[%get3A_1834, %get3A_1835, %get3A_1836] {strides = array<i32>} : memref<8x128x32xf32, #tpu.memory_space<vmem>>, vector<1x1x16xf32>,
          %get3A_1838 = vector.shape_cast %get3A_1837 : vector<1x1x16xf32> to vector<16xf32>
          %mul3A_1839 = vector.broadcast %squeeze3A_1821 : f32 to vector<16xf32>
          %mul3A_1840 = arith.mulf %mul3A_1839, %get3A_1838 : vector<16xf32>
          %add3A_1841 = arith.addf %add3A_1819, %mul3A_1840 : vector<16xf32>
          %add3A_1842 = arith.addi %mul3A_178, %shift_right_arithmetic3A_394 : i32
          %mul3A_1843 = arith.constant 32 : i32
          %mul3A_1844 = arith.muli %and3A_395, %mul3A_1843 : i32
          %swap3A = arith.index_cast %add3A_1842 : i32 to index
          %swap3A_1845 = arith.index_cast %mul3A_1844 : i32 to index
          %swap3A_1846 = tpu.vector_load %arg15[%swap3A, %swap3A_1845] {strides = array<i32>} : memref<16x256xf32, #tpu.memory_space<vmem>>, vector<1x16xf32>,
          %swap3A_1847 = vector.shape_cast %swap3A_1846 : vector<1x16xf32> to vector<16xf32>
          %swap3A_1848 = vector.shape_cast %add3A_1831 : vector<16xf32> to vector<1x16xf32>
          tpu.vector_store %arg15[%swap3A, %swap3A_1845], %swap3A_1848 {strides = array<i32>} : memref<16x256xf32, #tpu.memory_space<vmem>>, vector<1x16xf32>,
          %add3A_1849 = arith.addi %mul3A_178, %shift_right_arithmetic3A_394 : i32
          %mul3A_1850 = arith.constant 32 : i32
          %mul3A_1851 = arith.muli %and3A_395, %mul3A_1850 : i32
          %add3A_1852 = arith.constant 16 : i32
          %add3A_1853 = arith.addi %mul3A_1851, %add3A_1852 : i32
          %swap3A_1854 = arith.index_cast %add3A_1849 : i32 to index
          %swap3A_1855 = arith.index_cast %add3A_1853 : i32 to index
          %swap3A_1856 = tpu.vector_load %arg15[%swap3A_1854, %swap3A_1855] {strides = array<i32>} : memref<16x256xf32, #tpu.memory_space<vmem>>, vector<1x16xf32>,
          %swap3A_1857 = vector.shape_cast %swap3A_1856 : vector<1x16xf32> to vector<16xf32>
          %swap3A_1858 = vector.shape_cast %add3A_1841 : vector<16xf32> to vector<1x16xf32>
          tpu.vector_store %arg15[%swap3A_1854, %swap3A_1855], %swap3A_1858 {strides = array<i32>} : memref<16x256xf32, #tpu.memory_space<vmem>>, vector<1x16xf32>,
        }
        %scan3A_392 = arith.constant 16 : i32
      }
      %scan3A_175 = arith.constant 8 : i32
      "tpu.region"() ({
        %run_scoped3A = tpu.sem_alloc : memref<!tpu.dma_semaphore, #tpu.memory_space<semaphore_mem>>
        %dma_start3A_176 = arith.constant 0 : i32
        %dma_start3A_177 = tpu.memref_slice %arg11[%add3A_11, %dma_start3A_176] : memref<22528x256xf32, #tpu.memory_space<hbm>> -> memref<16x256xf32, #tpu.memory_space<hbm>>
        %dma_start3A_178 = arith.constant 0 : i32
        %dma_start3A_179 = tpu.memref_slice %arg11[%add3A_11, %dma_start3A_178] : memref<22528x256xf32, #tpu.memory_space<hbm>> -> memref<16x256xf32, #tpu.memory_space<hbm>>
        tpu.enqueue_dma source(%arg15 : memref<16x256xf32, #tpu.memory_space<vmem>>) target(%dma_start3A_179 : memref<16x256xf32, #tpu.memory_space<hbm>>) target_semaphore(%run_scoped3A : memref<!tpu.dma_semaphore, #tpu.memory_space<semaphore_mem>>)
        %dma_wait3A_180 = arith.constant 0 : i32
        %dma_wait3A_181 = tpu.memref_slice %arg11[%add3A_11, %dma_wait3A_180] : memref<22528x256xf32, #tpu.memory_space<hbm>> -> memref<16x256xf32, #tpu.memory_space<hbm>>
        %dma_wait3A_182 = arith.constant 0 : i32
        %dma_wait3A_183 = tpu.memref_slice %arg11[%add3A_11, %dma_wait3A_182] : memref<22528x256xf32, #tpu.memory_space<hbm>> -> memref<16x256xf32, #tpu.memory_space<hbm>>
        tpu.wait_dma2 semaphore(%run_scoped3A : memref<!tpu.dma_semaphore, #tpu.memory_space<semaphore_mem>>) src(%arg15 : memref<16x256xf32, #tpu.memory_space<vmem>>) dst(%dma_wait3A_183 : memref<16x256xf32, #tpu.memory_space<hbm>>)
        tpu.yield
      }) : () -> ()
    }
    %scan3A_7 = arith.constant 44 : i32
    return
  }
}

module attributes {stable_mosaic.version = 14 : i64} {
  func.func @_value_body(%arg0: i32, %arg1: i32, %arg2: memref<1x512x256xf32, #tpu.memory_space<vmem>>, %arg3: memref<256x256xf32, #tpu.memory_space<vmem>>, %arg4: memref<1x512x256xf32, #tpu.memory_space<vmem>>) attributes {dimension_semantics = [#tpu.dimension_semantics<arbitrary>, #tpu.dimension_semantics<arbitrary>], iteration_bounds = array<i64: 2, 22>, scalar_prefetch = 0 : i64, scratch_operands = 0 : i64, tpu.core_type = #tpu.core_type<tc>, window_params = [{transform_indices = @transform_0, window_bounds = array<i64: 1, 512, 256>}, {pipeline_mode = #tpu.pipeline_mode<synchronous>, transform_indices = @transform_1, window_bounds = array<i64: 256, 256>}, {transform_indices = @transform_2, window_bounds = array<i64: 1, 512, 256>}]} {
    %get3A = arith.constant 0 : index
    %get3A_0 = arith.constant 0 : index
    %get3A_1 = arith.constant 0 : index
    %get3A_2 = vector.load %arg2[%get3A, %get3A_0, %get3A_1] : memref<1x512x256xf32, #tpu.memory_space<vmem>>, vector<1x512x256xf32>
    %get3A_3 = vector.shape_cast %get3A_2 : vector<1x512x256xf32> to vector<512x256xf32>
    %get3A_4 = arith.constant 0 : index
    %get3A_5 = arith.constant 0 : index
    %get3A_6 = vector.load %arg3[%get3A_4, %get3A_5] : memref<256x256xf32, #tpu.memory_space<vmem>>, vector<256x256xf32>
    %dot_general3A = arith.constant dense<0.000000e+00> : vector<512x256xf32>
    %dot_general3A_7 = tpu.matmul %get3A_3, %get3A_6, %dot_general3A {dimension_numbers = #tpu.dot_dimension_numbers<[1], [0], [0], [1], [0, 0, 1, 1], [], []>, transpose_lhs_hint = false} : vector<512x256xf32>, vector<256x256xf32>, vector<512x256xf32> -> vector<512x256xf32>
    %broadcast_in_dim3A = vector.shape_cast %dot_general3A_7 : vector<512x256xf32> to vector<1x512x256xf32>
    %swap3A = arith.constant 0 : index
    %swap3A_8 = arith.constant 0 : index
    %swap3A_9 = arith.constant 0 : index
    %swap3A_10 = vector.load %arg4[%swap3A, %swap3A_8, %swap3A_9] : memref<1x512x256xf32, #tpu.memory_space<vmem>>, vector<1x512x256xf32>
    tpu.vector_store %arg4[%swap3A, %swap3A_8, %swap3A_9], %broadcast_in_dim3A {strides = array<i32>} : memref<1x512x256xf32, #tpu.memory_space<vmem>>, vector<1x512x256xf32>,
    return
  }
  func.func @transform_0(%arg0: i32, %arg1: i32) -> (i32, i32, i32) {
    %c0_i32 = arith.constant 0 : i32
    %c0_i32_0 = arith.constant 0 : i32
    return %arg0, %arg1, %c0_i32 : i32, i32, i32
  }
  func.func @transform_1(%arg0: i32, %arg1: i32) -> (i32, i32) {
    %c0_i32 = arith.constant 0 : i32
    %c0_i32_0 = arith.constant 0 : i32
    %c0_i32_1 = arith.constant 0 : i32
    return %c0_i32, %c0_i32_0 : i32, i32
  }
  func.func @transform_2(%arg0: i32, %arg1: i32) -> (i32, i32, i32) {
    %c0_i32 = arith.constant 0 : i32
    %c0_i32_0 = arith.constant 0 : i32
    return %arg0, %arg1, %c0_i32 : i32, i32, i32
  }
}

module attributes {stable_mosaic.version = 14 : i64} {
  func.func @_prep_body(%arg0: i32, %arg1: i32, %arg2: memref<1x512x256xf32, #tpu.memory_space<vmem>>, %arg3: memref<1x512x128xf32, #tpu.memory_space<vmem>>, %arg4: memref<1x512x128xf32, #tpu.memory_space<vmem>>, %arg5: memref<256x128xf32, #tpu.memory_space<vmem>>, %arg6: memref<256x128xf32, #tpu.memory_space<vmem>>, %arg7: memref<256x128xf32, #tpu.memory_space<vmem>>, %arg8: memref<128x128xf32, #tpu.memory_space<vmem>>, %arg9: memref<1x128xf32, #tpu.memory_space<vmem>>, %arg10: memref<1x128xf32, #tpu.memory_space<vmem>>, %arg11: memref<1x128xi32, #tpu.memory_space<vmem>>, %arg12: memref<1x128xi32, #tpu.memory_space<vmem>>, %arg13: memref<1x512x128xi32, #tpu.memory_space<vmem>>, %arg14: memref<1x512x128xi32, #tpu.memory_space<vmem>>, %arg15: memref<1x512x128xi32, #tpu.memory_space<vmem>>, %arg16: memref<1x512x128xi32, #tpu.memory_space<vmem>>, %arg17: memref<1x512x128xf32, #tpu.memory_space<vmem>>, %arg18: memref<1x512x128xf32, #tpu.memory_space<vmem>>, %arg19: memref<1x512x128xf32, #tpu.memory_space<vmem>>, %arg20: memref<1x512x128xf32, #tpu.memory_space<vmem>>) attributes {dimension_semantics = [#tpu.dimension_semantics<arbitrary>, #tpu.dimension_semantics<arbitrary>], iteration_bounds = array<i64: 2, 22>, scalar_prefetch = 0 : i64, scratch_operands = 0 : i64, tpu.core_type = #tpu.core_type<tc>, window_params = [{transform_indices = @transform_0, window_bounds = array<i64: 1, 512, 256>}, {transform_indices = @transform_1, window_bounds = array<i64: 1, 512, 128>}, {transform_indices = @transform_2, window_bounds = array<i64: 1, 512, 128>}, {pipeline_mode = #tpu.pipeline_mode<synchronous>, transform_indices = @transform_3, window_bounds = array<i64: 256, 128>}, {pipeline_mode = #tpu.pipeline_mode<synchronous>, transform_indices = @transform_4, window_bounds = array<i64: 256, 128>}, {pipeline_mode = #tpu.pipeline_mode<synchronous>, transform_indices = @transform_5, window_bounds = array<i64: 256, 128>}, {pipeline_mode = #tpu.pipeline_mode<synchronous>, transform_indices = @transform_6, window_bounds = array<i64: 128, 128>}, {pipeline_mode = #tpu.pipeline_mode<synchronous>, transform_indices = @transform_7, window_bounds = array<i64: 1, 128>}, {pipeline_mode = #tpu.pipeline_mode<synchronous>, transform_indices = @transform_8, window_bounds = array<i64: 1, 128>}, {pipeline_mode = #tpu.pipeline_mode<synchronous>, transform_indices = @transform_9, window_bounds = array<i64: 1, 128>}, {pipeline_mode = #tpu.pipeline_mode<synchronous>, transform_indices = @transform_10, window_bounds = array<i64: 1, 128>}, {transform_indices = @transform_11, window_bounds = array<i64: 1, 512, 128>}, {transform_indices = @transform_12, window_bounds = array<i64: 1, 512, 128>}, {transform_indices = @transform_13, window_bounds = array<i64: 1, 512, 128>}, {transform_indices = @transform_14, window_bounds = array<i64: 1, 512, 128>}, {transform_indices = @transform_15, window_bounds = array<i64: 1, 512, 128>}, {transform_indices = @transform_16, window_bounds = array<i64: 1, 512, 128>}, {transform_indices = @transform_17, window_bounds = array<i64: 1, 512, 128>}, {transform_indices = @transform_18, window_bounds = array<i64: 1, 512, 128>}]} {
    %get3A = arith.constant 0 : index
    %get3A_0 = arith.constant 0 : index
    %get3A_1 = arith.constant 0 : index
    %get3A_2 = vector.load %arg2[%get3A, %get3A_0, %get3A_1] : memref<1x512x256xf32, #tpu.memory_space<vmem>>, vector<1x512x256xf32>
    %get3A_3 = vector.shape_cast %get3A_2 : vector<1x512x256xf32> to vector<512x256xf32>
    %get3A_4 = arith.constant 0 : index
    %get3A_5 = arith.constant 0 : index
    %get3A_6 = vector.load %arg5[%get3A_4, %get3A_5] : memref<256x128xf32, #tpu.memory_space<vmem>>, vector<256x128xf32>
    %dot_general3A = arith.constant dense<0.000000e+00> : vector<512x128xf32>
    %dot_general3A_7 = tpu.matmul %get3A_3, %get3A_6, %dot_general3A {dimension_numbers = #tpu.dot_dimension_numbers<[1], [0], [0], [1], [0, 0, 1, 1], [], []>, transpose_lhs_hint = false} : vector<512x256xf32>, vector<256x128xf32>, vector<512x128xf32> -> vector<512x128xf32>
    %get3A_8 = arith.constant 0 : index
    %get3A_9 = arith.constant 0 : index
    %get3A_10 = vector.load %arg6[%get3A_8, %get3A_9] : memref<256x128xf32, #tpu.memory_space<vmem>>, vector<256x128xf32>
    %dot_general3A_11 = arith.constant dense<0.000000e+00> : vector<512x128xf32>
    %dot_general3A_12 = tpu.matmul %get3A_3, %get3A_10, %dot_general3A_11 {dimension_numbers = #tpu.dot_dimension_numbers<[1], [0], [0], [1], [0, 0, 1, 1], [], []>, transpose_lhs_hint = false} : vector<512x256xf32>, vector<256x128xf32>, vector<512x128xf32> -> vector<512x128xf32>
    %get3A_13 = arith.constant 0 : index
    %get3A_14 = arith.constant 0 : index
    %get3A_15 = vector.load %arg7[%get3A_13, %get3A_14] : memref<256x128xf32, #tpu.memory_space<vmem>>, vector<256x128xf32>
    %dot_general3A_16 = arith.constant dense<0.000000e+00> : vector<512x128xf32>
    %dot_general3A_17 = tpu.matmul %get3A_3, %get3A_15, %dot_general3A_16 {dimension_numbers = #tpu.dot_dimension_numbers<[1], [0], [0], [1], [0, 0, 1, 1], [], []>, transpose_lhs_hint = false} : vector<512x256xf32>, vector<256x128xf32>, vector<512x128xf32> -> vector<512x128xf32>
    %exp3A = math.exp %dot_general3A_17 : vector<512x128xf32>
    %get3A_18 = arith.constant 0 : index
    %get3A_19 = arith.constant 0 : index
    %get3A_20 = vector.load %arg8[%get3A_18, %get3A_19] : memref<128x128xf32, #tpu.memory_space<vmem>>, vector<128x128xf32>
    %dot_general3A_21 = arith.constant dense<0.000000e+00> : vector<512x128xf32>
    %dot_general3A_22 = tpu.matmul %exp3A, %get3A_20, %dot_general3A_21 {dimension_numbers = #tpu.dot_dimension_numbers<[1], [0], [0], [1], [0, 0, 1, 1], [], []>, transpose_lhs_hint = false} : vector<512x128xf32>, vector<128x128xf32>, vector<512x128xf32> -> vector<512x128xf32>
    %div3A = arith.divf %exp3A, %dot_general3A_22 : vector<512x128xf32>
    %get3A_23 = arith.constant 0 : index
    %get3A_24 = arith.constant 0 : index
    %get3A_25 = vector.load %arg9[%get3A_23, %get3A_24] : memref<1x128xf32, #tpu.memory_space<vmem>>, vector<1x128xf32>
    %get3A_26 = vector.shape_cast %get3A_25 : vector<1x128xf32> to vector<128xf32>
    %get3A_27 = arith.constant 0 : index
    %get3A_28 = arith.constant 0 : index
    %get3A_29 = vector.load %arg10[%get3A_27, %get3A_28] : memref<1x128xf32, #tpu.memory_space<vmem>>, vector<1x128xf32>
    %get3A_30 = vector.shape_cast %get3A_29 : vector<1x128xf32> to vector<128xf32>
    %get3A_31 = arith.constant 0 : index
    %get3A_32 = arith.constant 0 : index
    %get3A_33 = arith.constant 0 : index
    %get3A_34 = vector.load %arg3[%get3A_31, %get3A_32, %get3A_33] : memref<1x512x128xf32, #tpu.memory_space<vmem>>, vector<1x512x128xf32>
    %get3A_35 = vector.shape_cast %get3A_34 : vector<1x512x128xf32> to vector<512x128xf32>
    %broadcast_in_dim3A = vector.shape_cast %get3A_26 : vector<128xf32> to vector<1x128xf32>
    %mul3A = vector.broadcast %broadcast_in_dim3A : vector<1x128xf32> to vector<512x128xf32>
    %mul3A_36 = arith.mulf %get3A_35, %mul3A : vector<512x128xf32>
    %add3A = arith.addf %mul3A_36, %dot_general3A_7 : vector<512x128xf32>
    %sub3A = arith.constant 5.000000e-01 : f32
    %sub3A_37 = vector.broadcast %sub3A : f32 to vector<512x128xf32>
    %sub3A_38 = arith.subf %add3A, %sub3A_37 : vector<512x128xf32>
    %get3A_39 = arith.constant 0 : index
    %get3A_40 = arith.constant 0 : index
    %get3A_41 = arith.constant 0 : index
    %get3A_42 = vector.load %arg4[%get3A_39, %get3A_40, %get3A_41] : memref<1x512x128xf32, #tpu.memory_space<vmem>>, vector<1x512x128xf32>
    %get3A_43 = vector.shape_cast %get3A_42 : vector<1x512x128xf32> to vector<512x128xf32>
    %broadcast_in_dim3A_44 = vector.shape_cast %get3A_30 : vector<128xf32> to vector<1x128xf32>
    %mul3A_45 = vector.broadcast %broadcast_in_dim3A_44 : vector<1x128xf32> to vector<512x128xf32>
    %mul3A_46 = arith.mulf %get3A_43, %mul3A_45 : vector<512x128xf32>
    %add3A_47 = arith.addf %mul3A_46, %dot_general3A_12 : vector<512x128xf32>
    %sub3A_48 = arith.constant 5.000000e-01 : f32
    %sub3A_49 = vector.broadcast %sub3A_48 : f32 to vector<512x128xf32>
    %sub3A_50 = arith.subf %add3A_47, %sub3A_49 : vector<512x128xf32>
    %floor3A = math.floor %sub3A_38 : vector<512x128xf32>
    %floor3A_51 = math.floor %sub3A_50 : vector<512x128xf32>
    %sub3A_52 = arith.subf %sub3A_38, %floor3A : vector<512x128xf32>
    %sub3A_53 = arith.constant 1.000000e+00 : f32
    %sub3A_54 = vector.broadcast %sub3A_53 : f32 to vector<512x128xf32>
    %sub3A_55 = arith.subf %sub3A_54, %sub3A_52 : vector<512x128xf32>
    %sub3A_56 = arith.subf %sub3A_50, %floor3A_51 : vector<512x128xf32>
    %sub3A_57 = arith.constant 1.000000e+00 : f32
    %sub3A_58 = vector.broadcast %sub3A_57 : f32 to vector<512x128xf32>
    %sub3A_59 = arith.subf %sub3A_58, %sub3A_56 : vector<512x128xf32>
    %add3A_60 = arith.constant 1.000000e+00 : f32
    %add3A_61 = vector.broadcast %add3A_60 : f32 to vector<512x128xf32>
    %add3A_62 = arith.addf %floor3A, %add3A_61 : vector<512x128xf32>
    %add3A_63 = arith.constant 1.000000e+00 : f32
    %add3A_64 = vector.broadcast %add3A_63 : f32 to vector<512x128xf32>
    %add3A_65 = arith.addf %floor3A_51, %add3A_64 : vector<512x128xf32>
    %ge3A = arith.constant 0.000000e+00 : f32
    %ge3A_66 = vector.broadcast %ge3A : f32 to vector<512x128xf32>
    %ge3A_67 = arith.cmpf oge, %floor3A, %ge3A_66 : vector<512x128xf32>
    %sub3A_68 = arith.constant 1.000000e+00 : f32
    %sub3A_69 = vector.broadcast %sub3A_68 : f32 to vector<128xf32>
    %sub3A_70 = arith.subf %get3A_26, %sub3A_69 : vector<128xf32>
    %broadcast_in_dim3A_71 = vector.shape_cast %sub3A_70 : vector<128xf32> to vector<1x128xf32>
    %le3A = vector.broadcast %broadcast_in_dim3A_71 : vector<1x128xf32> to vector<512x128xf32>
    %le3A_72 = arith.cmpf ole, %floor3A, %le3A : vector<512x128xf32>
    %and3A = arith.andi %ge3A_67, %le3A_72 : vector<512x128xi1>
    %ge3A_73 = arith.constant 0.000000e+00 : f32
    %ge3A_74 = vector.broadcast %ge3A_73 : f32 to vector<512x128xf32>
    %ge3A_75 = arith.cmpf oge, %add3A_62, %ge3A_74 : vector<512x128xf32>
    %sub3A_76 = arith.constant 1.000000e+00 : f32
    %sub3A_77 = vector.broadcast %sub3A_76 : f32 to vector<128xf32>
    %sub3A_78 = arith.subf %get3A_26, %sub3A_77 : vector<128xf32>
    %broadcast_in_dim3A_79 = vector.shape_cast %sub3A_78 : vector<128xf32> to vector<1x128xf32>
    %le3A_80 = vector.broadcast %broadcast_in_dim3A_79 : vector<1x128xf32> to vector<512x128xf32>
    %le3A_81 = arith.cmpf ole, %add3A_62, %le3A_80 : vector<512x128xf32>
    %and3A_82 = arith.andi %ge3A_75, %le3A_81 : vector<512x128xi1>
    %ge3A_83 = arith.constant 0.000000e+00 : f32
    %ge3A_84 = vector.broadcast %ge3A_83 : f32 to vector<512x128xf32>
    %ge3A_85 = arith.cmpf oge, %floor3A_51, %ge3A_84 : vector<512x128xf32>
    %sub3A_86 = arith.constant 1.000000e+00 : f32
    %sub3A_87 = vector.broadcast %sub3A_86 : f32 to vector<128xf32>
    %sub3A_88 = arith.subf %get3A_30, %sub3A_87 : vector<128xf32>
    %broadcast_in_dim3A_89 = vector.shape_cast %sub3A_88 : vector<128xf32> to vector<1x128xf32>
    %le3A_90 = vector.broadcast %broadcast_in_dim3A_89 : vector<1x128xf32> to vector<512x128xf32>
    %le3A_91 = arith.cmpf ole, %floor3A_51, %le3A_90 : vector<512x128xf32>
    %and3A_92 = arith.andi %ge3A_85, %le3A_91 : vector<512x128xi1>
    %ge3A_93 = arith.constant 0.000000e+00 : f32
    %ge3A_94 = vector.broadcast %ge3A_93 : f32 to vector<512x128xf32>
    %ge3A_95 = arith.cmpf oge, %add3A_65, %ge3A_94 : vector<512x128xf32>
    %sub3A_96 = arith.constant 1.000000e+00 : f32
    %sub3A_97 = vector.broadcast %sub3A_96 : f32 to vector<128xf32>
    %sub3A_98 = arith.subf %get3A_30, %sub3A_97 : vector<128xf32>
    %broadcast_in_dim3A_99 = vector.shape_cast %sub3A_98 : vector<128xf32> to vector<1x128xf32>
    %le3A_100 = vector.broadcast %broadcast_in_dim3A_99 : vector<1x128xf32> to vector<512x128xf32>
    %le3A_101 = arith.cmpf ole, %add3A_65, %le3A_100 : vector<512x128xf32>
    %and3A_102 = arith.andi %ge3A_95, %le3A_101 : vector<512x128xi1>
    %sub3A_103 = arith.constant 1.000000e+00 : f32
    %sub3A_104 = vector.broadcast %sub3A_103 : f32 to vector<128xf32>
    %sub3A_105 = arith.subf %get3A_26, %sub3A_104 : vector<128xf32>
    %jit3A = arith.constant 0.000000e+00 : f32
    %max3A = vector.broadcast %jit3A : f32 to vector<512x128xf32>
    %max3A_106 = arith.maximumf %max3A, %floor3A : vector<512x128xf32>
    %broadcast_in_dim3A_107 = vector.shape_cast %sub3A_105 : vector<128xf32> to vector<1x128xf32>
    %min3A = vector.broadcast %broadcast_in_dim3A_107 : vector<1x128xf32> to vector<512x128xf32>
    %min3A_108 = arith.minimumf %min3A, %max3A_106 : vector<512x128xf32>
    %convert_element_type3A = arith.fptosi %min3A_108 : vector<512x128xf32> to vector<512x128xi32>
    %sub3A_109 = arith.constant 1.000000e+00 : f32
    %sub3A_110 = vector.broadcast %sub3A_109 : f32 to vector<128xf32>
    %sub3A_111 = arith.subf %get3A_26, %sub3A_110 : vector<128xf32>
    %jit3A_112 = arith.constant 0.000000e+00 : f32
    %max3A_113 = vector.broadcast %jit3A_112 : f32 to vector<512x128xf32>
    %max3A_114 = arith.maximumf %max3A_113, %add3A_62 : vector<512x128xf32>
    %broadcast_in_dim3A_115 = vector.shape_cast %sub3A_111 : vector<128xf32> to vector<1x128xf32>
    %min3A_116 = vector.broadcast %broadcast_in_dim3A_115 : vector<1x128xf32> to vector<512x128xf32>
    %min3A_117 = arith.minimumf %min3A_116, %max3A_114 : vector<512x128xf32>
    %convert_element_type3A_118 = arith.fptosi %min3A_117 : vector<512x128xf32> to vector<512x128xi32>
    %sub3A_119 = arith.constant 1.000000e+00 : f32
    %sub3A_120 = vector.broadcast %sub3A_119 : f32 to vector<128xf32>
    %sub3A_121 = arith.subf %get3A_30, %sub3A_120 : vector<128xf32>
    %jit3A_122 = arith.constant 0.000000e+00 : f32
    %max3A_123 = vector.broadcast %jit3A_122 : f32 to vector<512x128xf32>
    %max3A_124 = arith.maximumf %max3A_123, %floor3A_51 : vector<512x128xf32>
    %broadcast_in_dim3A_125 = vector.shape_cast %sub3A_121 : vector<128xf32> to vector<1x128xf32>
    %min3A_126 = vector.broadcast %broadcast_in_dim3A_125 : vector<1x128xf32> to vector<512x128xf32>
    %min3A_127 = arith.minimumf %min3A_126, %max3A_124 : vector<512x128xf32>
    %convert_element_type3A_128 = arith.fptosi %min3A_127 : vector<512x128xf32> to vector<512x128xi32>
    %sub3A_129 = arith.constant 1.000000e+00 : f32
    %sub3A_130 = vector.broadcast %sub3A_129 : f32 to vector<128xf32>
    %sub3A_131 = arith.subf %get3A_30, %sub3A_130 : vector<128xf32>
    %jit3A_132 = arith.constant 0.000000e+00 : f32
    %max3A_133 = vector.broadcast %jit3A_132 : f32 to vector<512x128xf32>
    %max3A_134 = arith.maximumf %max3A_133, %add3A_65 : vector<512x128xf32>
    %broadcast_in_dim3A_135 = vector.shape_cast %sub3A_131 : vector<128xf32> to vector<1x128xf32>
    %min3A_136 = vector.broadcast %broadcast_in_dim3A_135 : vector<1x128xf32> to vector<512x128xf32>
    %min3A_137 = arith.minimumf %min3A_136, %max3A_134 : vector<512x128xf32>
    %convert_element_type3A_138 = arith.fptosi %min3A_137 : vector<512x128xf32> to vector<512x128xi32>
    %get3A_139 = arith.constant 0 : index
    %get3A_140 = arith.constant 0 : index
    %get3A_141 = vector.load %arg11[%get3A_139, %get3A_140] : memref<1x128xi32, #tpu.memory_space<vmem>>, vector<1x128xi32>
    %get3A_142 = vector.shape_cast %get3A_141 : vector<1x128xi32> to vector<128xi32>
    %get3A_143 = arith.constant 0 : index
    %get3A_144 = arith.constant 0 : index
    %get3A_145 = vector.load %arg12[%get3A_143, %get3A_144] : memref<1x128xi32, #tpu.memory_space<vmem>>, vector<1x128xi32>
    %get3A_146 = vector.shape_cast %get3A_145 : vector<1x128xi32> to vector<128xi32>
    %mul3A_147 = arith.constant 90112 : i32
    %mul3A_148 = arith.muli %arg0, %mul3A_147 : i32
    %add3A_149 = vector.broadcast %mul3A_148 : i32 to vector<128xi32>
    %add3A_150 = arith.addi %get3A_146, %add3A_149 : vector<128xi32>
    %broadcast_in_dim3A_151 = vector.shape_cast %get3A_142 : vector<128xi32> to vector<1x128xi32>
    %mul3A_152 = vector.broadcast %broadcast_in_dim3A_151 : vector<1x128xi32> to vector<512x128xi32>
    %mul3A_153 = arith.muli %convert_element_type3A_128, %mul3A_152 : vector<512x128xi32>
    %add3A_154 = arith.addi %mul3A_153, %convert_element_type3A : vector<512x128xi32>
    %mul3A_155 = arith.constant 8 : i32
    %mul3A_156 = vector.broadcast %mul3A_155 : i32 to vector<512x128xi32>
    %mul3A_157 = arith.muli %add3A_154, %mul3A_156 : vector<512x128xi32>
    %broadcast_in_dim3A_158 = vector.shape_cast %add3A_150 : vector<128xi32> to vector<1x128xi32>
    %add3A_159 = vector.broadcast %broadcast_in_dim3A_158 : vector<1x128xi32> to vector<512x128xi32>
    %add3A_160 = arith.addi %mul3A_157, %add3A_159 : vector<512x128xi32>
    %swap3A = arith.constant 0 : index
    %swap3A_161 = arith.constant 0 : index
    %swap3A_162 = arith.constant 0 : index
    %swap3A_163 = vector.load %arg13[%swap3A, %swap3A_161, %swap3A_162] : memref<1x512x128xi32, #tpu.memory_space<vmem>>, vector<1x512x128xi32>
    %swap3A_164 = vector.shape_cast %swap3A_163 : vector<1x512x128xi32> to vector<512x128xi32>
    %swap3A_165 = vector.shape_cast %add3A_160 : vector<512x128xi32> to vector<1x512x128xi32>
    tpu.vector_store %arg13[%swap3A, %swap3A_161, %swap3A_162], %swap3A_165 {strides = array<i32>} : memref<1x512x128xi32, #tpu.memory_space<vmem>>, vector<1x512x128xi32>,
    %broadcast_in_dim3A_166 = vector.shape_cast %get3A_142 : vector<128xi32> to vector<1x128xi32>
    %mul3A_167 = vector.broadcast %broadcast_in_dim3A_166 : vector<1x128xi32> to vector<512x128xi32>
    %mul3A_168 = arith.muli %convert_element_type3A_128, %mul3A_167 : vector<512x128xi32>
    %add3A_169 = arith.addi %mul3A_168, %convert_element_type3A_118 : vector<512x128xi32>
    %mul3A_170 = arith.constant 8 : i32
    %mul3A_171 = vector.broadcast %mul3A_170 : i32 to vector<512x128xi32>
    %mul3A_172 = arith.muli %add3A_169, %mul3A_171 : vector<512x128xi32>
    %broadcast_in_dim3A_173 = vector.shape_cast %add3A_150 : vector<128xi32> to vector<1x128xi32>
    %add3A_174 = vector.broadcast %broadcast_in_dim3A_173 : vector<1x128xi32> to vector<512x128xi32>
    %add3A_175 = arith.addi %mul3A_172, %add3A_174 : vector<512x128xi32>
    %swap3A_176 = arith.constant 0 : index
    %swap3A_177 = arith.constant 0 : index
    %swap3A_178 = arith.constant 0 : index
    %swap3A_179 = vector.load %arg14[%swap3A_176, %swap3A_177, %swap3A_178] : memref<1x512x128xi32, #tpu.memory_space<vmem>>, vector<1x512x128xi32>
    %swap3A_180 = vector.shape_cast %swap3A_179 : vector<1x512x128xi32> to vector<512x128xi32>
    %swap3A_181 = vector.shape_cast %add3A_175 : vector<512x128xi32> to vector<1x512x128xi32>
    tpu.vector_store %arg14[%swap3A_176, %swap3A_177, %swap3A_178], %swap3A_181 {strides = array<i32>} : memref<1x512x128xi32, #tpu.memory_space<vmem>>, vector<1x512x128xi32>,
    %broadcast_in_dim3A_182 = vector.shape_cast %get3A_142 : vector<128xi32> to vector<1x128xi32>
    %mul3A_183 = vector.broadcast %broadcast_in_dim3A_182 : vector<1x128xi32> to vector<512x128xi32>
    %mul3A_184 = arith.muli %convert_element_type3A_138, %mul3A_183 : vector<512x128xi32>
    %add3A_185 = arith.addi %mul3A_184, %convert_element_type3A : vector<512x128xi32>
    %mul3A_186 = arith.constant 8 : i32
    %mul3A_187 = vector.broadcast %mul3A_186 : i32 to vector<512x128xi32>
    %mul3A_188 = arith.muli %add3A_185, %mul3A_187 : vector<512x128xi32>
    %broadcast_in_dim3A_189 = vector.shape_cast %add3A_150 : vector<128xi32> to vector<1x128xi32>
    %add3A_190 = vector.broadcast %broadcast_in_dim3A_189 : vector<1x128xi32> to vector<512x128xi32>
    %add3A_191 = arith.addi %mul3A_188, %add3A_190 : vector<512x128xi32>
    %swap3A_192 = arith.constant 0 : index
    %swap3A_193 = arith.constant 0 : index
    %swap3A_194 = arith.constant 0 : index
    %swap3A_195 = vector.load %arg15[%swap3A_192, %swap3A_193, %swap3A_194] : memref<1x512x128xi32, #tpu.memory_space<vmem>>, vector<1x512x128xi32>
    %swap3A_196 = vector.shape_cast %swap3A_195 : vector<1x512x128xi32> to vector<512x128xi32>
    %swap3A_197 = vector.shape_cast %add3A_191 : vector<512x128xi32> to vector<1x512x128xi32>
    tpu.vector_store %arg15[%swap3A_192, %swap3A_193, %swap3A_194], %swap3A_197 {strides = array<i32>} : memref<1x512x128xi32, #tpu.memory_space<vmem>>, vector<1x512x128xi32>,
    %broadcast_in_dim3A_198 = vector.shape_cast %get3A_142 : vector<128xi32> to vector<1x128xi32>
    %mul3A_199 = vector.broadcast %broadcast_in_dim3A_198 : vector<1x128xi32> to vector<512x128xi32>
    %mul3A_200 = arith.muli %convert_element_type3A_138, %mul3A_199 : vector<512x128xi32>
    %add3A_201 = arith.addi %mul3A_200, %convert_element_type3A_118 : vector<512x128xi32>
    %mul3A_202 = arith.constant 8 : i32
    %mul3A_203 = vector.broadcast %mul3A_202 : i32 to vector<512x128xi32>
    %mul3A_204 = arith.muli %add3A_201, %mul3A_203 : vector<512x128xi32>
    %broadcast_in_dim3A_205 = vector.shape_cast %add3A_150 : vector<128xi32> to vector<1x128xi32>
    %add3A_206 = vector.broadcast %broadcast_in_dim3A_205 : vector<1x128xi32> to vector<512x128xi32>
    %add3A_207 = arith.addi %mul3A_204, %add3A_206 : vector<512x128xi32>
    %swap3A_208 = arith.constant 0 : index
    %swap3A_209 = arith.constant 0 : index
    %swap3A_210 = arith.constant 0 : index
    %swap3A_211 = vector.load %arg16[%swap3A_208, %swap3A_209, %swap3A_210] : memref<1x512x128xi32, #tpu.memory_space<vmem>>, vector<1x512x128xi32>
    %swap3A_212 = vector.shape_cast %swap3A_211 : vector<1x512x128xi32> to vector<512x128xi32>
    %swap3A_213 = vector.shape_cast %add3A_207 : vector<512x128xi32> to vector<1x512x128xi32>
    tpu.vector_store %arg16[%swap3A_208, %swap3A_209, %swap3A_210], %swap3A_213 {strides = array<i32>} : memref<1x512x128xi32, #tpu.memory_space<vmem>>, vector<1x512x128xi32>,
    %broadcast_in_dim3A_214 = arith.constant 0.000000e+00 : f32
    %broadcast_in_dim3A_215 = vector.broadcast %broadcast_in_dim3A_214 : f32 to vector<512x128xf32>
    %and3A_216 = arith.andi %and3A, %and3A_92 : vector<512x128xi1>
    %mul3A_217 = arith.mulf %sub3A_55, %sub3A_59 : vector<512x128xf32>
    %mul3A_218 = arith.mulf %mul3A_217, %div3A : vector<512x128xf32>
    %select_n3A = arith.select %and3A_216, %mul3A_218, %broadcast_in_dim3A_215 : vector<512x128xi1>, vector<512x128xf32>
    %swap3A_219 = arith.constant 0 : index
    %swap3A_220 = arith.constant 0 : index
    %swap3A_221 = arith.constant 0 : index
    %swap3A_222 = vector.load %arg17[%swap3A_219, %swap3A_220, %swap3A_221] : memref<1x512x128xf32, #tpu.memory_space<vmem>>, vector<1x512x128xf32>
    %swap3A_223 = vector.shape_cast %swap3A_222 : vector<1x512x128xf32> to vector<512x128xf32>
    %swap3A_224 = vector.shape_cast %select_n3A : vector<512x128xf32> to vector<1x512x128xf32>
    tpu.vector_store %arg17[%swap3A_219, %swap3A_220, %swap3A_221], %swap3A_224 {strides = array<i32>} : memref<1x512x128xf32, #tpu.memory_space<vmem>>, vector<1x512x128xf32>,
    %and3A_225 = arith.andi %and3A_82, %and3A_92 : vector<512x128xi1>
    %mul3A_226 = arith.mulf %sub3A_52, %sub3A_59 : vector<512x128xf32>
    %mul3A_227 = arith.mulf %mul3A_226, %div3A : vector<512x128xf32>
    %select_n3A_228 = arith.select %and3A_225, %mul3A_227, %broadcast_in_dim3A_215 : vector<512x128xi1>, vector<512x128xf32>
    %swap3A_229 = arith.constant 0 : index
    %swap3A_230 = arith.constant 0 : index
    %swap3A_231 = arith.constant 0 : index
    %swap3A_232 = vector.load %arg18[%swap3A_229, %swap3A_230, %swap3A_231] : memref<1x512x128xf32, #tpu.memory_space<vmem>>, vector<1x512x128xf32>
    %swap3A_233 = vector.shape_cast %swap3A_232 : vector<1x512x128xf32> to vector<512x128xf32>
    %swap3A_234 = vector.shape_cast %select_n3A_228 : vector<512x128xf32> to vector<1x512x128xf32>
    tpu.vector_store %arg18[%swap3A_229, %swap3A_230, %swap3A_231], %swap3A_234 {strides = array<i32>} : memref<1x512x128xf32, #tpu.memory_space<vmem>>, vector<1x512x128xf32>,
    %and3A_235 = arith.andi %and3A, %and3A_102 : vector<512x128xi1>
    %mul3A_236 = arith.mulf %sub3A_55, %sub3A_56 : vector<512x128xf32>
    %mul3A_237 = arith.mulf %mul3A_236, %div3A : vector<512x128xf32>
    %select_n3A_238 = arith.select %and3A_235, %mul3A_237, %broadcast_in_dim3A_215 : vector<512x128xi1>, vector<512x128xf32>
    %swap3A_239 = arith.constant 0 : index
    %swap3A_240 = arith.constant 0 : index
    %swap3A_241 = arith.constant 0 : index
    %swap3A_242 = vector.load %arg19[%swap3A_239, %swap3A_240, %swap3A_241] : memref<1x512x128xf32, #tpu.memory_space<vmem>>, vector<1x512x128xf32>
    %swap3A_243 = vector.shape_cast %swap3A_242 : vector<1x512x128xf32> to vector<512x128xf32>
    %swap3A_244 = vector.shape_cast %select_n3A_238 : vector<512x128xf32> to vector<1x512x128xf32>
    tpu.vector_store %arg19[%swap3A_239, %swap3A_240, %swap3A_241], %swap3A_244 {strides = array<i32>} : memref<1x512x128xf32, #tpu.memory_space<vmem>>, vector<1x512x128xf32>,
    %and3A_245 = arith.andi %and3A_82, %and3A_102 : vector<512x128xi1>
    %mul3A_246 = arith.mulf %sub3A_52, %sub3A_56 : vector<512x128xf32>
    %mul3A_247 = arith.mulf %mul3A_246, %div3A : vector<512x128xf32>
    %select_n3A_248 = arith.select %and3A_245, %mul3A_247, %broadcast_in_dim3A_215 : vector<512x128xi1>, vector<512x128xf32>
    %swap3A_249 = arith.constant 0 : index
    %swap3A_250 = arith.constant 0 : index
    %swap3A_251 = arith.constant 0 : index
    %swap3A_252 = vector.load %arg20[%swap3A_249, %swap3A_250, %swap3A_251] : memref<1x512x128xf32, #tpu.memory_space<vmem>>, vector<1x512x128xf32>
    %swap3A_253 = vector.shape_cast %swap3A_252 : vector<1x512x128xf32> to vector<512x128xf32>
    %swap3A_254 = vector.shape_cast %select_n3A_248 : vector<512x128xf32> to vector<1x512x128xf32>
    tpu.vector_store %arg20[%swap3A_249, %swap3A_250, %swap3A_251], %swap3A_254 {strides = array<i32>} : memref<1x512x128xf32, #tpu.memory_space<vmem>>, vector<1x512x128xf32>,
    return
  }
  func.func @transform_0(%arg0: i32, %arg1: i32) -> (i32, i32, i32) {
    %c0_i32 = arith.constant 0 : i32
    %c0_i32_0 = arith.constant 0 : i32
    return %arg0, %arg1, %c0_i32 : i32, i32, i32
  }
  func.func @transform_1(%arg0: i32, %arg1: i32) -> (i32, i32, i32) {
    %c0_i32 = arith.constant 0 : i32
    %c0_i32_0 = arith.constant 0 : i32
    return %arg0, %arg1, %c0_i32 : i32, i32, i32
  }
  func.func @transform_2(%arg0: i32, %arg1: i32) -> (i32, i32, i32) {
    %c0_i32 = arith.constant 0 : i32
    %c0_i32_0 = arith.constant 0 : i32
    return %arg0, %arg1, %c0_i32 : i32, i32, i32
  }
  func.func @transform_3(%arg0: i32, %arg1: i32) -> (i32, i32) {
    %c0_i32 = arith.constant 0 : i32
    %c0_i32_0 = arith.constant 0 : i32
    %c0_i32_1 = arith.constant 0 : i32
    return %c0_i32, %c0_i32_0 : i32, i32
  }
  func.func @transform_4(%arg0: i32, %arg1: i32) -> (i32, i32) {
    %c0_i32 = arith.constant 0 : i32
    %c0_i32_0 = arith.constant 0 : i32
    %c0_i32_1 = arith.constant 0 : i32
    return %c0_i32, %c0_i32_0 : i32, i32
  }
  func.func @transform_5(%arg0: i32, %arg1: i32) -> (i32, i32) {
    %c0_i32 = arith.constant 0 : i32
    %c0_i32_0 = arith.constant 0 : i32
    %c0_i32_1 = arith.constant 0 : i32
    return %c0_i32, %c0_i32_0 : i32, i32
  }
  func.func @transform_6(%arg0: i32, %arg1: i32) -> (i32, i32) {
    %c0_i32 = arith.constant 0 : i32
    %c0_i32_0 = arith.constant 0 : i32
    %c0_i32_1 = arith.constant 0 : i32
    return %c0_i32, %c0_i32_0 : i32, i32
  }
  func.func @transform_7(%arg0: i32, %arg1: i32) -> (i32, i32) {
    %c0_i32 = arith.constant 0 : i32
    %c0_i32_0 = arith.constant 0 : i32
    %c0_i32_1 = arith.constant 0 : i32
    return %c0_i32, %c0_i32_0 : i32, i32
  }
  func.func @transform_8(%arg0: i32, %arg1: i32) -> (i32, i32) {
    %c0_i32 = arith.constant 0 : i32
    %c0_i32_0 = arith.constant 0 : i32
    %c0_i32_1 = arith.constant 0 : i32
    return %c0_i32, %c0_i32_0 : i32, i32
  }
  func.func @transform_9(%arg0: i32, %arg1: i32) -> (i32, i32) {
    %c0_i32 = arith.constant 0 : i32
    %c0_i32_0 = arith.constant 0 : i32
    %c0_i32_1 = arith.constant 0 : i32
    return %c0_i32, %c0_i32_0 : i32, i32
  }
  func.func @transform_10(%arg0: i32, %arg1: i32) -> (i32, i32) {
    %c0_i32 = arith.constant 0 : i32
    %c0_i32_0 = arith.constant 0 : i32
    %c0_i32_1 = arith.constant 0 : i32
    return %c0_i32, %c0_i32_0 : i32, i32
  }
  func.func @transform_11(%arg0: i32, %arg1: i32) -> (i32, i32, i32) {
    %c0_i32 = arith.constant 0 : i32
    %c0_i32_0 = arith.constant 0 : i32
    return %arg0, %arg1, %c0_i32 : i32, i32, i32
  }
  func.func @transform_12(%arg0: i32, %arg1: i32) -> (i32, i32, i32) {
    %c0_i32 = arith.constant 0 : i32
    %c0_i32_0 = arith.constant 0 : i32
    return %arg0, %arg1, %c0_i32 : i32, i32, i32
  }
  func.func @transform_13(%arg0: i32, %arg1: i32) -> (i32, i32, i32) {
    %c0_i32 = arith.constant 0 : i32
    %c0_i32_0 = arith.constant 0 : i32
    return %arg0, %arg1, %c0_i32 : i32, i32, i32
  }
  func.func @transform_14(%arg0: i32, %arg1: i32) -> (i32, i32, i32) {
    %c0_i32 = arith.constant 0 : i32
    %c0_i32_0 = arith.constant 0 : i32
    return %arg0, %arg1, %c0_i32 : i32, i32, i32
  }
  func.func @transform_15(%arg0: i32, %arg1: i32) -> (i32, i32, i32) {
    %c0_i32 = arith.constant 0 : i32
    %c0_i32_0 = arith.constant 0 : i32
    return %arg0, %arg1, %c0_i32 : i32, i32, i32
  }
  func.func @transform_16(%arg0: i32, %arg1: i32) -> (i32, i32, i32) {
    %c0_i32 = arith.constant 0 : i32
    %c0_i32_0 = arith.constant 0 : i32
    return %arg0, %arg1, %c0_i32 : i32, i32, i32
  }
  func.func @transform_17(%arg0: i32, %arg1: i32) -> (i32, i32, i32) {
    %c0_i32 = arith.constant 0 : i32
    %c0_i32_0 = arith.constant 0 : i32
    return %arg0, %arg1, %c0_i32 : i32, i32, i32
  }
  func.func @transform_18(%arg0: i32, %arg1: i32) -> (i32, i32, i32) {
    %c0_i32 = arith.constant 0 : i32
    %c0_i32_0 = arith.constant 0 : i32
    return %arg0, %arg1, %c0_i32 : i32, i32, i32
  }
}

module attributes {stable_mosaic.version = 14 : i64} {
  func.func @_outproj_body(%arg0: i32, %arg1: i32, %arg2: memref<1x512x256xf32, #tpu.memory_space<vmem>>, %arg3: memref<256x256xf32, #tpu.memory_space<vmem>>, %arg4: memref<1x512x256xf32, #tpu.memory_space<vmem>>) attributes {dimension_semantics = [#tpu.dimension_semantics<arbitrary>, #tpu.dimension_semantics<arbitrary>], iteration_bounds = array<i64: 2, 22>, scalar_prefetch = 0 : i64, scratch_operands = 0 : i64, tpu.core_type = #tpu.core_type<tc>, window_params = [{transform_indices = @transform_0, window_bounds = array<i64: 1, 512, 256>}, {pipeline_mode = #tpu.pipeline_mode<synchronous>, transform_indices = @transform_1, window_bounds = array<i64: 256, 256>}, {transform_indices = @transform_2, window_bounds = array<i64: 1, 512, 256>}]} {
    %get3A = arith.constant 0 : index
    %get3A_0 = arith.constant 0 : index
    %get3A_1 = arith.constant 0 : index
    %get3A_2 = vector.load %arg2[%get3A, %get3A_0, %get3A_1] : memref<1x512x256xf32, #tpu.memory_space<vmem>>, vector<1x512x256xf32>
    %get3A_3 = vector.shape_cast %get3A_2 : vector<1x512x256xf32> to vector<512x256xf32>
    %get3A_4 = arith.constant 0 : index
    %get3A_5 = arith.constant 0 : index
    %get3A_6 = vector.load %arg3[%get3A_4, %get3A_5] : memref<256x256xf32, #tpu.memory_space<vmem>>, vector<256x256xf32>
    %dot_general3A = arith.constant dense<0.000000e+00> : vector<512x256xf32>
    %dot_general3A_7 = tpu.matmul %get3A_3, %get3A_6, %dot_general3A {dimension_numbers = #tpu.dot_dimension_numbers<[1], [0], [0], [1], [0, 0, 1, 1], [], []>, transpose_lhs_hint = false} : vector<512x256xf32>, vector<256x256xf32>, vector<512x256xf32> -> vector<512x256xf32>
    %broadcast_in_dim3A = vector.shape_cast %dot_general3A_7 : vector<512x256xf32> to vector<1x512x256xf32>
    %swap3A = arith.constant 0 : index
    %swap3A_8 = arith.constant 0 : index
    %swap3A_9 = arith.constant 0 : index
    %swap3A_10 = vector.load %arg4[%swap3A, %swap3A_8, %swap3A_9] : memref<1x512x256xf32, #tpu.memory_space<vmem>>, vector<1x512x256xf32>
    tpu.vector_store %arg4[%swap3A, %swap3A_8, %swap3A_9], %broadcast_in_dim3A {strides = array<i32>} : memref<1x512x256xf32, #tpu.memory_space<vmem>>, vector<1x512x256xf32>,
    return
  }
  func.func @transform_0(%arg0: i32, %arg1: i32) -> (i32, i32, i32) {
    %c0_i32 = arith.constant 0 : i32
    %c0_i32_0 = arith.constant 0 : i32
    return %arg0, %arg1, %c0_i32 : i32, i32, i32
  }
  func.func @transform_1(%arg0: i32, %arg1: i32) -> (i32, i32) {
    %c0_i32 = arith.constant 0 : i32
    %c0_i32_0 = arith.constant 0 : i32
    %c0_i32_1 = arith.constant 0 : i32
    return %c0_i32, %c0_i32_0 : i32, i32
  }
  func.func @transform_2(%arg0: i32, %arg1: i32) -> (i32, i32, i32) {
    %c0_i32 = arith.constant 0 : i32
    %c0_i32_0 = arith.constant 0 : i32
    return %arg0, %arg1, %c0_i32 : i32, i32, i32
  }
}

</mosaic_0001>

<sc_bundles>
// kernel: kernel.6.cloned.1.call-start
scs
__scs_entry_jumppad:
0x0: {  	(pc) =	sbr.rel $0x88, $3  }
0x1: {  	(tag) =	ssettag $0x0;
	lr =	simm.s32 $0x1  }
0x2: {  	[smem:$0x3F9A] =	sst lr;
	_ =	strace $0xD0000000  }
0x3: {  	_ = 	snop  }
0x4: {  	_ = 	snop  }
0x5: {  	_ = 	snop  }
0x6: {  	_ = 	snop  }
0x7: {  	_ = 	snop  }
__scs_overlays_trampoline_lowered:
0x8: {  	[smem:$0x3FA9] =	sst s0  }
0x9: {  	[smem:$0x3FAA] =	sst s1  }
0xa: {  	[smem:$0x3FAB] =	sst s2  }
0xb: {  	[smem:$0x3FAC] =	sst s3  }
0xc: {  	[smem:$0x3FAD] =	sst s4  }
0xd: {  	[smem:$0x3FAE] =	sst s5  }
0xe: {  	[smem:$0x3FAF] =	sst s6  }
0xf: {  	[smem:$0x3FB0] =	sst s7  }
0x10: {  	[smem:$0x3FB1] =	sst s8  }
0x11: {  	[smem:$0x3FB2] =	sst s9;
	s0 =	simm.s32 @!p0 $0x0  }
0x12: {  	s1 =	sld [smem:$0x3F98];
	s0 =	simm.s32 @p0 $0x1  }
0x13: {  	[smem:$0x3FB3] =	sst s0;
	s0 =	simm.s32 @!p1 $0x0  }
0x14: {  	s2 =	sld [smem:$0x3F97];
	s0 =	simm.s32 @p1 $0x1  }
0x15: {  	[smem:$0x3FB4] =	sst s0;
	s0 =	simm.s32 @!p2 $0x0  }
0x16: {  	s3 =	sld [smem:$0x3FDB];
	s0 =	simm.s32 @p2 $0x1  }
0x17: {  	s4 =	simm.s32 $0x1BF5;
	[smem:$0x3FB6] =	sst s0  }
0x18: {  	s0 =	sld [smem:$0x3F99];
	_ =	swait.ge [sflag:s4], $0x0  }
0x19: {  	s7 =	sld [smem:$0x3F9A]  }
0x1a: {  	s8 =	sadd.s32 $0xFFFFE003, lr  }
0x1b: {  	s9 =	sadd.s32 $0xFFFFFEF7, lr;
	s5 =	simm.s32 $0xFFFFFFFF;
	p2 =	slt.u32 s8, $0xFFFFF086  }
0x1c: {  	p1 =	slt.u32 s9, $0xF7A;
	s5 =	simm.s32 @!p2 $0x0  }
0x1d: {  	s5 =	simm.s32 @p1 $0x1;
	p0 =	seq.s32 s7, s2  }
0x1e: {  	s7 =	smul.u32 @!p0 $0xF7A, s2;
	p2 =	seq.s32 @!p0 s5, $0x0  }
0x1f: {  	s9 =	smul.u32 $0xF7A, s1;
	s8 =	simm.s32 @!p0 $0x1BF5;
	p2 =	por !p2, p0  }
0x20: {  	[sflag:s8] =	ssyncset.s32 @!p0 $0xFFFFF086;
	s6 =	sadd.s32 @!p0 s3, s7;
	s7 =	simm.s32 @!p0 $0x108  }
0x21: {  	s3 =	sadd.s32 s3, s9;
	s6 =	sadd.s32 @!p0 $0x88, s6;
	s7 =	simm.s32 @p2 $0x1082  }
0x22: {  	[simem:s7], [sflag:s8] =	dma.local @!p0 [hbm:s6], $0xF7A  }
0x23: {  	s9 =	sor.u32 $0xD0000000, s2;
	s6 =	simm.s32 $0x108;
	_ =	swait.ge @!p0 [sflag:s8], $0x0  }
0x24: {  	s3 =	sadd.s32 $0x88, s3;
	s6 =	simm.s32 @!p1 $0x1082;
	[sflag:s4] =	ssyncset.s32 $0xFFFFF086  }
0x25: {  	[simem:s6], [sflag:s4] =	dma.local [hbm:s3], $0xF7A  }
0x26: {  	[smem:$0x3F9A] =	sst s1;
	(tag) =	ssettag s2;
	_ =	strace s9  }
0x27: {  	s1 =	sld [smem:$0x3FAA]  }
0x28: {  	s2 =	sld [smem:$0x3FAB]  }
0x29: {  	s4 =	sld [smem:$0x3FAD]  }
0x2a: {  	p0 =	seq.s32 s5, $0x0;
	s5 =	sld [smem:$0x3FAE]  }
0x2b: {  	s6 =	sld [smem:$0x3FAF]  }
0x2c: {  	s7 =	sld [smem:$0x3FB0]  }
0x2d: {  	s3 =	simm.s32 $0x108;
	s8 =	sld [smem:$0x3FB1]  }
0x2e: {  	s3 =	simm.s32 @!p0 $0x1082;
	s9 =	sld [smem:$0x3FB2]  }
0x2f: {  	lr =	sadd.s32 s0, s3;
	s0 =	sld [smem:$0x3FA9]  }
0x30: {  	s3 =	sld [smem:$0x3FAC]  }
0x31: {  	[smem:$0x3FB5] =	sst s10  }
0x32: {  	s10 =	sld [smem:$0x3FB3];
	_ =	sdelay $0x3  }
0x33: {  	p0 =	seq.s32 s10, $0x1;
	s10 =	sld [smem:$0x3FB5];
	_ =	sdelay $0x3  }
0x34: {  	[smem:$0x3FB5] =	sst s10  }
0x35: {  	s10 =	sld [smem:$0x3FB4];
	_ =	sdelay $0x3  }
0x36: {  	p1 =	seq.s32 s10, $0x1;
	s10 =	sld [smem:$0x3FB5];
	_ =	sdelay $0x3  }
0x37: {  	[smem:$0x3FB5] =	sst s10  }
0x38: {  	s10 =	sld [smem:$0x3FB6]  }
0x39: {  	_ = 	snop;
	(pc) =	sbr.ind lr, $3  }
0x3a: {  	_ = 	snop  }
0x3b: {  	_ = 	snop  }
0x3c: {  	p2 =	seq.s32 s10, $0x1;
	s10 =	sld [smem:$0x3FB5]  }
0x3d: {  	_ =	shalt  }
0x3e: {  	_ =	shalt  }
0x3f: {  	_ =	shalt  }
0x40: {  	_ =	shalt  }
0x41: {  	_ =	shalt  }
0x42: {  	_ =	shalt  }
0x43: {  	_ =	shalt  }
0x44: {  	_ =	shalt  }
0x45: {  	_ =	shalt  }
0x46: {  	_ =	shalt  }
0x47: {  	_ =	shalt  }
0x48: {  	_ =	shalt  }
0x49: {  	_ =	shalt  }
0x4a: {  	_ =	shalt  }
0x4b: {  	_ =	shalt  }
0x4c: {  	_ =	shalt  }
0x4d: {  	_ =	shalt  }
0x4e: {  	_ =	shalt  }
0x4f: {  	_ =	shalt  }
0x50: {  	_ =	shalt  }
0x51: {  	_ =	shalt  }
0x52: {  	_ =	shalt  }
0x53: {  	_ =	shalt  }
0x54: {  	_ =	shalt  }
0x55: {  	_ =	shalt  }
0x56: {  	_ =	shalt  }
0x57: {  	_ =	shalt  }
0x58: {  	_ =	shalt  }
0x59: {  	_ =	shalt  }
0x5a: {  	_ =	shalt  }
0x5b: {  	_ =	shalt  }
0x5c: {  	_ =	shalt  }
0x5d: {  	_ =	shalt  }
0x5e: {  	_ =	shalt  }
0x5f: {  	_ =	shalt  }
0x60: {  	_ =	shalt  }
0x61: {  	_ =	shalt  }
0x62: {  	_ =	shalt  }
0x63: {  	_ =	shalt  }
0x64: {  	_ =	shalt  }
0x65: {  	_ =	shalt  }
0x66: {  	_ =	shalt  }
0x67: {  	_ =	shalt  }
0x68: {  	_ =	shalt  }
0x69: {  	_ =	shalt  }
0x6a: {  	_ =	shalt  }
0x6b: {  	_ =	shalt  }
0x6c: {  	_ =	shalt  }
0x6d: {  	_ =	shalt  }
0x6e: {  	_ =	shalt  }
0x6f: {  	_ =	shalt  }
0x70: {  	_ =	shalt  }
0x71: {  	_ =	shalt  }
0x72: {  	_ =	shalt  }
0x73: {  	_ =	shalt  }
0x74: {  	_ =	shalt  }
0x75: {  	_ =	shalt  }
0x76: {  	_ =	shalt  }
0x77: {  	_ =	shalt  }
0x78: {  	_ =	shalt  }
0x79: {  	_ =	shalt  }
0x7a: {  	_ =	shalt  }
0x7b: {  	_ =	shalt  }
0x7c: {  	_ =	shalt  }
0x7d: {  	_ =	shalt  }
0x7e: {  	_ =	shalt  }
0x7f: {  	_ =	shalt  }
0x80: {  	_ =	shalt  }
0x81: {  	_ =	shalt  }
0x82: {  	_ =	shalt  }
0x83: {  	_ =	shalt  }
0x84: {  	_ =	shalt  }
0x85: {  	_ =	shalt  }
0x86: {  	_ =	shalt  }
0x87: {  	_ =	shalt  }
.Lfunc_end0:
.L_simem_size_0:
called_computation_lowered:
.L_overlay_start_0:
0x88: {  	s2 =	sld [smem:$0x3FD9]  }
0x89: {  	s3 =	sld [smem:$0x3FFE];
	_ =	sdelay $0x1  }
0x8a: {  	s1 =	srdreg.scid  }
0x8b: {  	s0 =	sand.u32 $0x1, s1  }
0x8c: {  	s17 =	sshll.u32 s0, $0xA;
	s2 =	sadd.s32 s3, s2  }
0x8d: {  	s2 =	sadd.s32 s2, s17  }
0x8e: {  	[smem:$0x3FC1] =	sst s2  }
0x8f: {  	_ = 	snop  }
0x90: {  	s2 =	sld [smem:$0x3FD0];
	(tm) =	ssettm $0x1  }
0x91: {  	s18 =	sld [smem:$0x3FFB];
	_ =	sdelay $0x3  }
0x92: {  	_ =	strace s18  }
0x93: {  	s3 =	sld [smem:$0x3FFC];
	_ =	sdelay $0x3  }
0x94: {  	_ =	strace s3  }
0x95: {  	s3 =	sld [smem:$0x3FFD];
	_ =	sdelay $0x3  }
0x96: {  	_ =	strace s3  }
0x97: {  	_ =	strace $0x8FFFFFFF  }
0x98: {  	s19 =	sld [smem:$0x3FDB];
	_ =	sdelay $0x1  }
0x99: {  	s4 =	simm.s32 $_scs_section_size  }
0x9a: {  	s5 =	simm.s32 $_size__tile_overlayer_lowered;
	s6 =	simm.s32 $_tile_overlayer_lowered  }
0x9b: {  	s22 =	simm.s32 $0x1BFF;
	s21 =	sshll.u32 s6, $0x1;
	s3 =	sadd.s32 s4, s19  }
0x9c: {  	s7 =	simm.s32 $0x0;
	s20 =	sshll.u32 s5, $0x1;
	s5 =	sadd.s32 s21, s3  }
0x9d: {  	[timem:s7], [sflag:s22] =	dma.local [hbm:s5], s20  }
0x9e: {  	_ =	swait.ge [sflag:s22], s20  }
0x9f: {  	s4 =	ssub.s32 $0x0, s20;
	[sflag:s22] =	ssyncset.done $0x0  }
0xa0: {  	[sflag:s22] =	ssyncadd.s32 s4;
	_ =	sdelay $0x1  }
0xa1: {  	s23 =	simm.s32 $0x1B8B  }
0xa2: {  	_ =	swait.ge [sflag:s23], $0x1  }
0xa3: {  	[sflag:s23] =	ssyncset.done $0x0  }
0xa4: {  	s25 =	simm.s32 $0x1B8E;
	s24 =	sld [smem:$0x3FFE];
	[sflag:s23] =	ssyncadd.s32 $0xFFFFFFFF  }
0xa5: {  	s26 =	simm.s32 $execute0_lowered;
	[smem:$0x3FD2] =	sst s25  }
0xa6: {  	s5 =	sshll.u32 s26, $0x1;
	_ =	strace $0x80000046;
	[dreg:$0x1] =	wrdreg $0xFFFFFFFF  }
0xa7: {  	s28 =	simm.s32 $_size_execute0_lowered;
	s3 =	sadd.s32 s3, s5;
	[dreg:$0x0] =	wrdreg $0x0  }
0xa8: {  	s5 =	sshll.u32 s28, $0x1;
	[dreg:$0x2] =	wrdreg s3  }
0xa9: {  	[dreg:$0x3] =	wrdreg s5  }
0xaa: {  	[dreg:$0x4] =	wrdreg $0xC0  }
0xab: {  	_ =	task [dreg:s7], $0x5FFFF  }
0xac: {  	[dreg:$0x1] =	wrdreg $0xFFFFFFFF  }
0xad: {  	[dreg:$0x0] =	wrdreg $0x60  }
0xae: {  	[dreg:$0x2] =	wrdreg s24  }
0xaf: {  	[dreg:$0x3] =	wrdreg s2  }
0xb0: {  	[dreg:$0x4] =	wrdreg $0x9  }
0xb1: {  	_ =	task.clear_ibuf [dreg:s7], $0x5FFFF;
	_ =	strace $0x90000046  }
0xb2: {  	s29 =	simm.s32 $0x9;
	_ =	strace $0x80000048  }
0xb3: {  	_ =	swait.ge [sflag:s29], $0x1  }
0xb4: {  	[sflag:s29] =	ssyncadd.s32 $0xFFFFFFFF  }
0xb5: {  	_ =	strace $0x90000048  }
0xb6: {  	_ =	sfence  }
0xb7: {  	s30 =	sld [smem:$0x0];
	_ =	sdelay $0x2  }
0xb8: {  	s31 =	sshll.u32 s1, $0xD;
	s1 =	sshrl.u32 s1, $0x2  }
0xb9: {  	s3 =	sand.u32 $0x4000, s31;
	s1 =	sadd.s32 s1, s30  }
0xba: {  	s0 =	sor.u32 s3, s0;
	s1 =	sshll.u32 s1, $0x11  }
0xbb: {  	s0 =	sor.u32 s1, s0  }
0xbc: {  	s0 =	sadd.s32 $0x8F2B, s0  }
0xbd: {  	[sflag:s0] =	ssyncadd.remote.s32 $0x1  }
0xbe: {  	_ =	sfence.sel $0xFFFF  }
0xbf: {  	[dreg:$0x0] =	wrdreg $0xFFFFFFFF;
	(pc) =	sbr.abs _section_cstart, $3  }
0xc0: {  	[dreg:$0x1] =	wrdreg $0xFFFFFFFF  }
0xc1: {  	_ =	task.clear_ibuf [dreg:s7], $0x2FFFF;
	_ =	strace $0x9FFFFFFF  }
0xc2: {  	(tm) =	ssettm $0x7FFFFFFF  }
0xc3: {  	_ =	shalt  }
tec
execute0_lowered:
.L_overlay_start_1:
0x0: {  	(tag) =	ssettag $0x1  }
0x1: {  	s0 =	rddreg [dreg:$0x0];
	s1 =	simm.s32 $0x0  }
0x2: {  	s24 =	srdreg.scid;
	[smem:$0x7FF] =	sst s1;
	s21 =	sadd.s32 $0x10A400, s0  }
0x3: {  	s22 =	sadd.s32 $0x1BA400, s0;
	_ =	strace $0x80000047;
	[dreg:$0x4] =	wrdreg s21  }
0x4: {  	s4 =	stileid.u32;
	s23 =	sadd.s32 $0x212400, s0;
	[dreg:$0x5] =	wrdreg s22  }
0x5: {  	s2 =	sadd.s32 $0x26A400, s0;
	s25 =	sadd.s32 $0x2C2400, s0;
	[dreg:$0x6] =	wrdreg s23  }
0x6: {  	s1 =	sand.u32 $0x1, s24;
	s26 =	sadd.s32 $0x31A400, s0;
	[dreg:$0x7] =	wrdreg s2  }
0x7: {  	s3 =	sadd.s32 $0x372400, s0;
	s4 =	sshll.u32 s4, $0x1;
	[dreg:$0x8] =	wrdreg s25  }
0x8: {  	s5 =	sadd.s32 $0x3CA400, s0;
	s0 =	sadd.s32 $0x2400, s0;
	[dreg:$0x9] =	wrdreg s26  }
0x9: {  	s28 =	ssub.s32 $0x2, s1;
	[dreg:$0xa] =	wrdreg s3;
	s1 =	sor.u32 s1, s4  }
0xa: {  	[dreg:$0xb] =	wrdreg s5;
	s29 =	sshrl.u32 s28, $0x1;
	s30 =	smul.u32 $0x2C0, s1  }
0xb: {  	[dreg:$0xc] =	wrdreg s0;
	s2 =	ssub.s32 s28, s29  }
0xc: {  	[dreg:$0xd] =	wrdreg s30;
	s31 =	smax.u32 s2, $0x1  }
0xd: {  	s1 =	simm.s32 $0x0;
	[dreg:$0xe] =	wrdreg s31  }
.LBB2_1:
0xe: {  	[dreg:$0xf] =	wrdreg s1;
	s1 =	simm.s32 $0x0  }
.LBB2_2:
0xf: {  	[dreg:$0x10] =	wrdreg s1  }
0x10: {  	s0 =	sshll.u32 s1, $0x4;
	s15 =	rddreg [dreg:$0xd]  }
0x11: {  	s16 =	rddreg [dreg:$0x1];
	s0 =	sadd.s32 s15, s0  }
0x12: {  	[dreg:$0x11] =	wrdreg s0;
	s0 =	sshll.u32 s0, $0x4  }
0x13: {  	s3 =	simm.s32 $0x0;
	s17 =	rddreg [dreg:$0x8];
	s1 =	sadd.s32 s16, s0  }
0x14: {  	[tilespmem:s3], [sflag:$0x1] =	stream.linear.gather [hbm4b:s1+s3], $0x800, $0x38;
	[tilespmem:$0xD000] =	vst v63  }
0x15: {  	s2 =	simm.s32 $0x2000;
	s18 =	rddreg [dreg:$0x5];
	s1 =	sadd.s32 s17, s0  }
0x16: {  	[tilespmem:s2], [sflag:$0x1] =	stream.linear.gather [hbm4b:s1+s3], $0x800, $0x38;
	[tilespmem:$0xD000] =	vst v63  }
0x17: {  	s19 =	simm.s32 $0x800;
	s20 =	rddreg [dreg:$0x9];
	s1 =	sadd.s32 s18, s0  }
0x18: {  	[tilespmem:s19], [sflag:$0x1] =	stream.linear.gather [hbm4b:s1+s3], $0x800, $0x38;
	[tilespmem:$0xD000] =	vst v63  }
0x19: {  	s21 =	simm.s32 $0x2800;
	s22 =	rddreg [dreg:$0x6];
	s1 =	sadd.s32 s20, s0  }
0x1a: {  	[tilespmem:s21], [sflag:$0x1] =	stream.linear.gather [hbm4b:s1+s3], $0x800, $0x38;
	[tilespmem:$0xD000] =	vst v63  }
0x1b: {  	s23 =	simm.s32 $0x1000;
	s24 =	rddreg [dreg:$0xa];
	s1 =	sadd.s32 s22, s0  }
0x1c: {  	[tilespmem:s23], [sflag:$0x1] =	stream.linear.gather [hbm4b:s1+s3], $0x800, $0x38;
	[tilespmem:$0xD000] =	vst v63  }
0x1d: {  	s25 =	simm.s32 $0x3000;
	s26 =	rddreg [dreg:$0x7];
	s1 =	sadd.s32 s24, s0  }
0x1e: {  	[tilespmem:s25], [sflag:$0x1] =	stream.linear.gather [hbm4b:s1+s3], $0x800, $0x38;
	[tilespmem:$0xD000] =	vst v63  }
0x1f: {  	s28 =	simm.s32 $0x1800;
	s29 =	rddreg [dreg:$0xb];
	s1 =	sadd.s32 s26, s0  }
0x20: {  	[tilespmem:s28], [sflag:$0x1] =	stream.linear.gather [hbm4b:s1+s3], $0x800, $0x38;
	[tilespmem:$0xD000] =	vst v63  }
0x21: {  	s30 =	simm.s32 $0x3800;
	s31 =	simm.s32 $0x1;
	s0 =	sadd.s32 s29, s0  }
0x22: {  	[tilespmem:s30], [sflag:$0x1] =	stream.linear.gather [hbm4b:s0+s3], $0x800, $0x38;
	[tilespmem:$0xD000] =	vst v63  }
0x23: {  	_ =	swait.ge [sflag:s31], $0x800  }
0x24: {  	[sflag:s31] =	ssyncset.done $0x0  }
0x25: {  	[sflag:s31] =	ssyncadd.s32 $0xFFFFF800  }
0x26: {  	_ =	swait.ge [sflag:s31], $0x800  }
0x27: {  	[sflag:s31] =	ssyncset.done $0x0  }
0x28: {  	[sflag:s31] =	ssyncadd.s32 $0xFFFFF800  }
0x29: {  	_ =	swait.ge [sflag:s31], $0x800  }
0x2a: {  	[sflag:s31] =	ssyncset.done $0x0  }
0x2b: {  	[sflag:s31] =	ssyncadd.s32 $0xFFFFF800  }
0x2c: {  	_ =	swait.ge [sflag:s31], $0x800  }
0x2d: {  	[sflag:s31] =	ssyncset.done $0x0  }
0x2e: {  	[sflag:s31] =	ssyncadd.s32 $0xFFFFF800  }
0x2f: {  	_ =	swait.ge [sflag:s31], $0x800  }
0x30: {  	[sflag:s31] =	ssyncset.done $0x0  }
0x31: {  	[sflag:s31] =	ssyncadd.s32 $0xFFFFF800  }
0x32: {  	_ =	swait.ge [sflag:s31], $0x800  }
0x33: {  	[sflag:s31] =	ssyncset.done $0x0  }
0x34: {  	[sflag:s31] =	ssyncadd.s32 $0xFFFFF800  }
0x35: {  	_ =	swait.ge [sflag:s31], $0x800  }
0x36: {  	[sflag:s31] =	ssyncset.done $0x0  }
0x37: {  	[sflag:s31] =	ssyncadd.s32 $0xFFFFF800  }
0x38: {  	_ =	swait.ge [sflag:s31], $0x800  }
0x39: {  	[sflag:s31] =	ssyncset.done $0x0  }
0x3a: {  	s4 =	simm.s32 $0x0;
	[sflag:s31] =	ssyncadd.s32 $0xFFFFF800  }
.LBB2_3:
0x3b: {  	s0 =	sshll.u32 s4, $0x8  }
0x3c: {  	s2 =	rddreg [dreg:$0x4];
	s3 =	simm.s32 $0x80;
	s5 =	sshll.u32 s4, $0x1  }
0x3d: {  	s1 =	simm.s32 $0x4000;
	s0 =	sand.u32 $0x3FFFFF00, s0;
	s6 =	sor.u32 $0x10, s5  }
0x3e: {  	[tilespmem:s1], [sflag:$0x2] =	stream.indirect.gather [hbm4b:s2+s3], $0x20, s0, s3, $0xb8;
	[tilespmem:$0xD000] =	vst v63  }
0x3f: {  	s18 =	simm.s32 $0x5000;
	s17 =	sor.u32 $0x80, s0;
	s19 =	sshll.u32 s6, $0x7  }
0x40: {  	[tilespmem:s18], [sflag:$0x2] =	stream.indirect.gather [hbm4b:s2+s3], $0x20, s17, s3, $0xb8;
	[tilespmem:$0xD000] =	vst v63  }
0x41: {  	s20 =	simm.s32 $0x6000;
	s1 =	sand.u32 $0x3FFFFF00, s19;
	s17 =	sor.u32 $0x20, s5  }
0x42: {  	[tilespmem:s20], [sflag:$0x2] =	stream.indirect.gather [hbm4b:s2+s3], $0x20, s1, s3, $0xb8;
	[tilespmem:$0xD000] =	vst v63  }
0x43: {  	s22 =	simm.s32 $0x7000;
	s21 =	sadd.s32 $0x880, s0;
	s23 =	sshll.u32 s17, $0x7  }
0x44: {  	[tilespmem:s22], [sflag:$0x2] =	stream.indirect.gather [hbm4b:s2+s3], $0x20, s21, s3, $0xb8;
	[tilespmem:$0xD000] =	vst v63  }
0x45: {  	s24 =	simm.s32 $0x8000;
	s16 =	sor.u32 $0x30, s5;
	s1 =	sand.u32 $0x3FFFFF00, s23  }
0x46: {  	[tilespmem:s24], [sflag:$0x2] =	stream.indirect.gather [hbm4b:s2+s3], $0x20, s1, s3, $0xb8;
	[tilespmem:$0xD000] =	vst v63  }
0x47: {  	s26 =	simm.s32 $0x9000;
	s25 =	sadd.s32 $0x1080, s0;
	s28 =	sshll.u32 s16, $0x7  }
0x48: {  	[tilespmem:s26], [sflag:$0x2] =	stream.indirect.gather [hbm4b:s2+s3], $0x20, s25, s3, $0xb8;
	[tilespmem:$0xD000] =	vst v63  }
0x49: {  	[dreg:$0x12] =	wrdreg s4;
	s29 =	simm.s32 $0xA000;
	s1 =	sand.u32 $0x3FFFFF00, s28  }
0x4a: {  	[tilespmem:s29], [sflag:$0x2] =	stream.indirect.gather [hbm4b:s2+s3], $0x20, s1, s3, $0xb8;
	[tilespmem:$0xD000] =	vst v63  }
0x4b: {  	s30 =	simm.s32 $0xB000;
	s31 =	simm.s32 $0x2;
	s0 =	sadd.s32 $0x1880, s0  }
0x4c: {  	[tilespmem:s30], [sflag:$0x2] =	stream.indirect.gather [hbm4b:s2+s3], $0x20, s0, s3, $0xb8;
	[tilespmem:$0xD000] =	vst v63  }
0x4d: {  	_ =	swait.ge [sflag:s31], $0x1000  }
0x4e: {  	[sflag:s31] =	ssyncset.done $0x0  }
0x4f: {  	[sflag:s31] =	ssyncadd.s32 $0xFFFFF000  }
0x50: {  	_ =	swait.ge [sflag:s31], $0x1000  }
0x51: {  	[sflag:s31] =	ssyncset.done $0x0  }
0x52: {  	[sflag:s31] =	ssyncadd.s32 $0xFFFFF000  }
0x53: {  	_ =	swait.ge [sflag:s31], $0x1000  }
0x54: {  	[sflag:s31] =	ssyncset.done $0x0  }
0x55: {  	[sflag:s31] =	ssyncadd.s32 $0xFFFFF000  }
0x56: {  	_ =	swait.ge [sflag:s31], $0x1000  }
0x57: {  	[sflag:s31] =	ssyncset.done $0x0  }
0x58: {  	[sflag:s31] =	ssyncadd.s32 $0xFFFFF000  }
0x59: {  	_ =	swait.ge [sflag:s31], $0x1000  }
0x5a: {  	[sflag:s31] =	ssyncset.done $0x0  }
0x5b: {  	[sflag:s31] =	ssyncadd.s32 $0xFFFFF000  }
0x5c: {  	_ =	swait.ge [sflag:s31], $0x1000  }
0x5d: {  	[sflag:s31] =	ssyncset.done $0x0  }
0x5e: {  	[sflag:s31] =	ssyncadd.s32 $0xFFFFF000  }
0x5f: {  	_ =	swait.ge [sflag:s31], $0x1000  }
0x60: {  	s4 =	simm.s32 $0x0;
	[sflag:s31] =	ssyncset.done $0x0  }
0x61: {  	s2 =	sor.u32 s5, s4;
	[sflag:s31] =	ssyncadd.s32 $0xFFFFF000  }
0x62: {  	_ =	swait.ge [sflag:s31], $0x1000;
	[dreg:$0x3] =	wrdreg s5;
	s5 =	simm.s32 $0x0  }
0x63: {  	s7 =	sshll.u32 s2, $0x7;
	[sflag:s31] =	ssyncset.done $0x0;
	s1 =	sand.u32 $0x7, s5  }
0x64: {  	s0 =	sand.u32 $0x3FFFFF80, s7;
	[sflag:s31] =	ssyncadd.s32 $0xFFFFF000;
	s29 =	sshll.u32 s1, $0x4  }
0x65: {  	s28 =	sshll.u32 s1, $0x9;
	s8 =	sor.u32 s29, s0;
	s0 =	simm.s32 $0x4000  }
0x66: {  	v1 =	vld [tilespmem:s8+$0x2000];
	s9 =	sor.u32 s28, s0  }
0x67: {  	s26 =	sor.u32 $0x20, s28;
	v0 =	vld [tilespmem:s9+$0x10]  }
0x68: {  	s10 =	sor.u32 s26, s0;
	v2 =	vld [tilespmem:s9+$0x0]  }
0x69: {  	s24 =	sor.u32 $0x40, s28;
	v3 =	vld [tilespmem:s10+$0x10]  }
0x6a: {  	s11 =	sor.u32 s24, s0;
	v4 =	vld [tilespmem:s10+$0x0]  }
0x6b: {  	s15 =	sor.u32 $0x60, s28;
	v5 =	vld [tilespmem:s11+$0x0]  }
0x6c: {  	s12 =	sor.u32 s15, s0;
	v6 =	vld [tilespmem:s11+$0x10]  }
0x6d: {  	s5 =	sor.u32 $0xA0, s28;
	v8 =	vld [tilespmem:s12+$0x0]  }
0x6e: {  	s14 =	sor.u32 s5, s0;
	v9 =	vld [tilespmem:s12+$0x10];
	v7 =	vbroadcast v1, $0x0  }
0x6f: {  	s4 =	sor.u32 $0xC0, s28;
	v13 =	vld [tilespmem:s14+$0x10]  }
0x70: {  	s18 =	sor.u32 s4, s0;
	v21 =	vld [tilespmem:s14+$0x0];
	v10 =	vbroadcast v1, $0x1;
	v2 =	vmul.f32 v2, v7  }
0x71: {  	s10 =	sor.u32 $0x80, s28;
	v22 =	vld [tilespmem:s18+$0x10];
	v0 =	vmul.f32 v0, v7  }
0x72: {  	v23 =	vld [tilespmem:s18+$0x0];
	s13 =	sor.u32 s10, s0;
	v12 =	vbroadcast v1, $0x2;
	v4 =	vmul.f32 v4, v10;
	v2 =	vadd.f32 $0.0e+00, v2  }
0x73: {  	s7 =	sor.u32 $0xE0, s28;
	v20 =	vld [tilespmem:s13+$0x0];
	v3 =	vmul.f32 v3, v10;
	v0 =	vadd.f32 $0.0e+00, v0  }
0x74: {  	s19 =	sor.u32 s7, s0;
	s8 =	sor.u32 $0x100, s28;
	v11 =	vld [tilespmem:s13+$0x10];
	v14 =	vbroadcast v1, $0x3;
	v5 =	vmul.f32 v5, v12;
	v2 =	vadd.f32 v4, v2  }
0x75: {  	v25 =	vld [tilespmem:s19+$0x10];
	s20 =	sor.u32 s8, s0;
	v0 =	vadd.f32 v3, v0;
	v3 =	vmul.f32 v6, v12  }
0x76: {  	s9 =	sor.u32 $0x120, s28;
	v27 =	vld [tilespmem:s20+$0x10];
	v24 =	vbroadcast v1, $0x4;
	v8 =	vmul.f32 v8, v14;
	v2 =	vadd.f32 v5, v2  }
0x77: {  	v28 =	vld [tilespmem:s20+$0x0];
	s21 =	sor.u32 s9, s0;
	v9 =	vmul.f32 v9, v14;
	v0 =	vadd.f32 v3, v0  }
0x78: {  	v30 =	vld [tilespmem:s21+$0x10];
	v26 =	vbroadcast v1, $0x5;
	v7 =	vmul.f32 v20, v24;
	v2 =	vadd.f32 v8, v2  }
0x79: {  	s11 =	sor.u32 $0x140, s28;
	v11 =	vmul.f32 v11, v24;
	v3 =	vld [tilespmem:s19+$0x0];
	v0 =	vadd.f32 v9, v0  }
0x7a: {  	s22 =	sor.u32 s11, s0;
	v31 =	vld [tilespmem:s21+$0x0];
	v29 =	vbroadcast v1, $0x6;
	v10 =	vmul.f32 v21, v26;
	v2 =	vadd.f32 v7, v2  }
0x7b: {  	s12 =	sor.u32 $0x160, s28;
	v33 =	vld [tilespmem:s22+$0x10];
	v13 =	vmul.f32 v13, v26;
	v0 =	vadd.f32 v11, v0  }
0x7c: {  	s23 =	sor.u32 s12, s0;
	v34 =	vld [tilespmem:s22+$0x0];
	v32 =	vbroadcast v1, $0x7;
	v6 =	vmul.f32 v23, v29;
	v2 =	vadd.f32 v10, v2  }
0x7d: {  	s14 =	sor.u32 $0x1A0, s28;
	v36 =	vld [tilespmem:s23+$0x10];
	v4 =	vmul.f32 v22, v29;
	v0 =	vadd.f32 v13, v0  }
0x7e: {  	s30 =	sor.u32 s14, s0;
	v37 =	vld [tilespmem:s23+$0x0];
	v35 =	vbroadcast v1, $0x8;
	v3 =	vmul.f32 v3, v32;
	v2 =	vadd.f32 v6, v2  }
0x7f: {  	s13 =	sor.u32 $0x180, s28;
	v41 =	vld [tilespmem:s30+$0x10];
	v5 =	vmul.f32 v25, v32;
	v0 =	vadd.f32 v4, v0  }
0x80: {  	v42 =	vld [tilespmem:s30+$0x0];
	s25 =	sor.u32 s13, s0;
	v38 =	vbroadcast v1, $0x9;
	v9 =	vmul.f32 v28, v35;
	v2 =	vadd.f32 v3, v2  }
0x81: {  	s22 =	sor.u32 $0x1C0, s28;
	v39 =	vld [tilespmem:s25+$0x0];
	v8 =	vmul.f32 v27, v35;
	v0 =	vadd.f32 v5, v0  }
0x82: {  	s31 =	sor.u32 s22, s0;
	v40 =	vbroadcast v1, $0xA;
	v11 =	vmul.f32 v31, v38;
	v3 =	vld [tilespmem:s25+$0x10];
	s25 =	sor.u32 $0x1E0, s28;
	v2 =	vadd.f32 v9, v2  }
0x83: {  	v44 =	vld [tilespmem:s31+$0x10];
	v7 =	vmul.f32 v30, v38;
	s0 =	sor.u32 s25, s0;
	v0 =	vadd.f32 v8, v0  }
0x84: {  	v43 =	vbroadcast v1, $0xB;
	v12 =	vmul.f32 v34, v40;
	v46 =	vld [tilespmem:s0+$0x10];
	v2 =	vadd.f32 v11, v2  }
0x85: {  	s20 =	smov.u32 s6;
	s6 =	sadd.s32 $0x0, s6;
	v10 =	vmul.f32 v33, v40;
	v47 =	vld [tilespmem:s0+$0x0];
	s0 =	simm.s32 $0x6000;
	v0 =	vadd.f32 v7, v0  }
0x86: {  	s3 =	sshll.u32 s6, $0x7;
	v15 =	vld [tilespmem:s31+$0x0];
	v45 =	vbroadcast v1, $0xC;
	v4 =	vmul.f32 v37, v43;
	s18 =	sor.u32 s28, s0;
	v2 =	vadd.f32 v12, v2  }
0x87: {  	s3 =	sand.u32 $0x3FFFFF80, s3;
	v6 =	vmul.f32 v36, v43;
	v50 =	vld [tilespmem:s18+$0x10];
	v10 =	vadd.f32 v10, v0  }
0x88: {  	s3 =	sor.u32 s29, s3;
	v48 =	vbroadcast v1, $0xD;
	v5 =	vmul.f32 v39, v45;
	v51 =	vld [tilespmem:s18+$0x0];
	v4 =	vadd.f32 v4, v2  }
0x89: {  	s21 =	sor.u32 s26, s0;
	v3 =	vmul.f32 v3, v45;
	v6 =	vadd.f32 v6, v10;
	v2 =	vld [tilespmem:s3+$0x2000]  }
0x8a: {  	v49 =	vbroadcast v1, $0xE;
	v8 =	vmul.f32 v42, v48;
	v53 =	vld [tilespmem:s21+$0x10];
	v4 =	vadd.f32 v5, v4  }
0x8b: {  	v9 =	vmul.f32 v41, v48;
	s23 =	sor.u32 s24, s0;
	v54 =	vld [tilespmem:s21+$0x0];
	v3 =	vadd.f32 v3, v6  }
0x8c: {  	v1 =	vbroadcast v1, $0xF;
	v52 =	vmul.f32 v15, v49;
	v57 =	vld [tilespmem:s23+$0x10];
	v4 =	vadd.f32 v8, v4  }
0x8d: {  	s30 =	sor.u32 s15, s0;
	v7 =	vmul.f32 v44, v49;
	v58 =	vld [tilespmem:s23+$0x0];
	v3 =	vadd.f32 v9, v3  }
0x8e: {  	v60 =	vld [tilespmem:s30+$0x10];
	v55 =	vmul.f32 v47, v1;
	v56 =	vbroadcast v2, $0x0;
	v4 =	vadd.f32 v52, v4  }
0x8f: {  	s31 =	sor.u32 s10, s0;
	v61 =	vld [tilespmem:s30+$0x0];
	v1 =	vmul.f32 v46, v1;
	v3 =	vadd.f32 v7, v3  }
0x90: {  	s6 =	sor.u32 s5, s0;
	v16 =	vld [tilespmem:s31+$0x10];
	v59 =	vbroadcast v2, $0x1;
	v6 =	vmul.f32 v51, v56;
	v4 =	vadd.f32 v55, v4  }
0x91: {  	s19 =	smov.u32 s16;
	s16 =	sadd.s32 $0x0, s16;
	v19 =	vld [tilespmem:s6+$0x10];
	v1 =	vadd.f32 v1, v3;
	v3 =	vmul.f32 v50, v56  }
0x92: {  	s16 =	sshll.u32 s16, $0x7;
	v21 =	vld [tilespmem:s6+$0x0];
	v63 =	vbroadcast v2, $0x2;
	v62 =	vmul.f32 v54, v59;
	v4 =	vadd.f32 v6, v4  }
0x93: {  	s16 =	sand.u32 $0x3FFFFF80, s16;
	s18 =	sor.u32 s7, s0;
	v18 =	vbroadcast v2, $0x3;
	v1 =	vadd.f32 v3, v1;
	v3 =	vld [tilespmem:s31+$0x0]  }
0x94: {  	s16 =	sor.u32 s29, s16;
	v26 =	vld [tilespmem:s18+$0x10];
	v8 =	vmul.f32 v53, v59;
	v17 =	vmul.f32 v58, v63;
	v4 =	vadd.f32 v62, v4  }
0x95: {  	v0 =	vld [tilespmem:s16+$0x2000];
	s16 =	sor.u32 s4, s0;
	v22 =	vbroadcast v2, $0x4;
	v20 =	vmul.f32 v57, v63  }
0x96: {  	v24 =	vld [tilespmem:s16+$0x0];
	v5 =	vmul.f32 v61, v18;
	v1 =	vadd.f32 v8, v1;
	v4 =	vadd.f32 v17, v4  }
0x97: {  	v27 =	vld [tilespmem:s18+$0x0];
	v25 =	vbroadcast v2, $0x5;
	v7 =	vmul.f32 v60, v18  }
0x98: {  	s21 =	sor.u32 s8, s0;
	v23 =	vld [tilespmem:s16+$0x10];
	v1 =	vadd.f32 v20, v1;
	v3 =	vmul.f32 v3, v22;
	v4 =	vadd.f32 v5, v4  }
0x99: {  	v30 =	vld [tilespmem:s21+$0x10];
	v29 =	vbroadcast v2, $0x6;
	v28 =	vmul.f32 v21, v25  }
0x9a: {  	s23 =	sor.u32 s9, s0;
	v31 =	vld [tilespmem:s21+$0x0];
	v6 =	vmul.f32 v16, v22;
	v1 =	vadd.f32 v7, v1;
	v3 =	vadd.f32 v3, v4  }
0x9b: {  	v34 =	vld [tilespmem:s23+$0x10];
	v33 =	vbroadcast v2, $0x7;
	v32 =	vmul.f32 v24, v29  }
0x9c: {  	s30 =	sor.u32 s11, s0;
	v36 =	vld [tilespmem:s23+$0x0];
	v5 =	vmul.f32 v19, v25;
	v1 =	vadd.f32 v6, v1;
	v3 =	vadd.f32 v28, v3  }
0x9d: {  	v39 =	vld [tilespmem:s30+$0x10];
	v38 =	vbroadcast v2, $0x8;
	v35 =	vmul.f32 v23, v29  }
0x9e: {  	s6 =	sor.u32 s12, s0;
	v41 =	vld [tilespmem:s30+$0x0];
	v37 =	vmul.f32 v27, v33;
	s31 =	sadd.s32 $0x0, s17;
	v1 =	vadd.f32 v5, v1;
	v3 =	vadd.f32 v32, v3  }
0x9f: {  	v44 =	vld [tilespmem:s6+$0x10];
	v43 =	vbroadcast v2, $0x9;
	v40 =	vmul.f32 v26, v33;
	s16 =	sshll.u32 s31, $0x7  }
0xa0: {  	v45 =	vld [tilespmem:s6+$0x0];
	s18 =	sor.u32 s22, s0;
	v42 =	vmul.f32 v31, v38;
	s16 =	sand.u32 $0x3FFFFF80, s16;
	v1 =	vadd.f32 v35, v1;
	v3 =	vadd.f32 v37, v3  }
0xa1: {  	v47 =	vbroadcast v2, $0xA;
	v46 =	vmul.f32 v36, v43;
	v58 =	vld [tilespmem:s18+$0x0];
	s16 =	sor.u32 s29, s16  }
0xa2: {  	v7 =	vmul.f32 v30, v38;
	v5 =	vadd.f32 v40, v1;
	v1 =	vld [tilespmem:s16+$0x2000];
	s16 =	sor.u32 s13, s0;
	v3 =	vadd.f32 v42, v3  }
0xa3: {  	s21 =	smov.u32 s17;
	v49 =	vmul.f32 v41, v47;
	v50 =	vbroadcast v2, $0xB;
	s17 =	sor.u32 s14, s0;
	v48 =	vld [tilespmem:s16+$0x0]  }
0xa4: {  	v53 =	vld [tilespmem:s17+$0x0];
	v6 =	vmul.f32 v34, v43;
	v5 =	vadd.f32 v7, v5;
	v3 =	vadd.f32 v46, v3  }
0xa5: {  	v52 =	vmul.f32 v39, v47;
	v54 =	vbroadcast v2, $0xC;
	v51 =	vld [tilespmem:s16+$0x10]  }
0xa6: {  	v61 =	vld [tilespmem:s18+$0x10];
	v55 =	vmul.f32 v45, v50;
	v5 =	vadd.f32 v6, v5;
	v3 =	vadd.f32 v49, v3  }
0xa7: {  	s23 =	sor.u32 s25, s0;
	v59 =	vbroadcast v2, $0xD;
	v57 =	vmul.f32 v44, v50;
	v56 =	vld [tilespmem:s17+$0x10]  }
0xa8: {  	v63 =	vld [tilespmem:s23+$0x0];
	s0 =	simm.s32 $0x8000;
	v5 =	vadd.f32 v52, v5;
	v60 =	vmul.f32 v48, v54;
	v3 =	vadd.f32 v55, v3  }
0xa9: {  	v18 =	vld [tilespmem:s23+$0x10];
	v16 =	vbroadcast v2, $0xE;
	v17 =	vmul.f32 v53, v59;
	s29 =	sor.u32 s28, s0  }
0xaa: {  	v20 =	vld [tilespmem:s29+$0x0];
	v62 =	vmul.f32 v51, v54;
	v5 =	vadd.f32 v57, v5;
	v3 =	vadd.f32 v60, v3  }
0xab: {  	v2 =	vbroadcast v2, $0xF;
	v21 =	vmul.f32 v58, v16;
	s30 =	sor.u32 s26, s0;
	v22 =	vld [tilespmem:s29+$0x10]  }
0xac: {  	v19 =	vmul.f32 v56, v59;
	v24 =	vld [tilespmem:s30+$0x0];
	v5 =	vadd.f32 v62, v5;
	v3 =	vadd.f32 v17, v3  }
0xad: {  	v23 =	vmul.f32 v61, v16;
	v26 =	vmul.f32 v63, v2;
	s31 =	sor.u32 s24, s0;
	v27 =	vld [tilespmem:s30+$0x10]  }
0xae: {  	v28 =	vld [tilespmem:s31+$0x0];
	v25 =	vbroadcast v1, $0x0;
	v5 =	vadd.f32 v19, v5;
	v3 =	vadd.f32 v21, v3  }
0xaf: {  	v2 =	vmul.f32 v18, v2;
	s6 =	sor.u32 s15, s0;
	v31 =	vld [tilespmem:s31+$0x10];
	v30 =	vbroadcast v1, $0x1  }
0xb0: {  	v33 =	vld [tilespmem:s6+$0x0];
	v29 =	vmul.f32 v20, v25;
	v5 =	vadd.f32 v23, v5;
	v3 =	vadd.f32 v26, v3  }
0xb1: {  	s16 =	sor.u32 s10, s0;
	v36 =	vld [tilespmem:s6+$0x10];
	v35 =	vbroadcast v1, $0x2;
	v32 =	vmul.f32 v22, v25  }
0xb2: {  	v38 =	vld [tilespmem:s16+$0x0];
	v34 =	vmul.f32 v24, v30;
	v2 =	vadd.f32 v2, v5;
	v3 =	vadd.f32 v29, v3  }
0xb3: {  	s17 =	sor.u32 s5, s0;
	v41 =	vld [tilespmem:s16+$0x10];
	v40 =	vbroadcast v1, $0x3;
	v37 =	vmul.f32 v27, v30  }
0xb4: {  	s23 =	sor.u32 s7, s0;
	v43 =	vld [tilespmem:s17+$0x0];
	v39 =	vmul.f32 v28, v35;
	v2 =	vadd.f32 v32, v2;
	v3 =	vadd.f32 v34, v3  }
0xb5: {  	v53 =	vld [tilespmem:s23+$0x0];
	v45 =	vbroadcast v1, $0x4;
	v42 =	vmul.f32 v31, v35  }
0xb6: {  	s18 =	sor.u32 s4, s0;
	v46 =	vld [tilespmem:s17+$0x10];
	v44 =	vmul.f32 v33, v40;
	v2 =	vadd.f32 v37, v2;
	v3 =	vadd.f32 v39, v3  }
0xb7: {  	v50 =	vbroadcast v1, $0x5;
	v48 =	vld [tilespmem:s18+$0x0];
	v47 =	vmul.f32 v36, v40  }
0xb8: {  	v51 =	vld [tilespmem:s18+$0x10];
	v49 =	vmul.f32 v38, v45;
	v2 =	vadd.f32 v42, v2;
	v3 =	vadd.f32 v44, v3  }
0xb9: {  	v56 =	vld [tilespmem:s23+$0x10];
	s29 =	sor.u32 s8, s0;
	v54 =	vbroadcast v1, $0x6;
	v52 =	vmul.f32 v41, v45  }
0xba: {  	v58 =	vld [tilespmem:s29+$0x0];
	v55 =	vmul.f32 v43, v50;
	v2 =	vadd.f32 v47, v2;
	v3 =	vadd.f32 v49, v3  }
0xbb: {  	s30 =	sor.u32 s9, s0;
	v61 =	vld [tilespmem:s29+$0x10];
	v57 =	vmul.f32 v46, v50;
	v60 =	vbroadcast v1, $0x7  }
0xbc: {  	v63 =	vld [tilespmem:s30+$0x0];
	v59 =	vmul.f32 v48, v54;
	v2 =	vadd.f32 v52, v2;
	v3 =	vadd.f32 v55, v3  }
0xbd: {  	s31 =	sor.u32 s11, s0;
	v18 =	vld [tilespmem:s30+$0x10];
	v62 =	vmul.f32 v51, v54;
	v16 =	vmul.f32 v53, v60  }
0xbe: {  	s6 =	sor.u32 s12, s0;
	v20 =	vld [tilespmem:s31+$0x0];
	v17 =	vbroadcast v1, $0x8;
	v2 =	vadd.f32 v57, v2;
	v3 =	vadd.f32 v59, v3  }
0xbf: {  	v22 =	vbroadcast v1, $0x9;
	v25 =	vld [tilespmem:s6+$0x0];
	v19 =	vmul.f32 v56, v60  }
0xc0: {  	v21 =	vmul.f32 v58, v17;
	v23 =	vld [tilespmem:s31+$0x10];
	v2 =	vadd.f32 v62, v2;
	v3 =	vadd.f32 v16, v3  }
0xc1: {  	s16 =	sor.u32 s13, s0;
	v27 =	vbroadcast v1, $0xA;
	v28 =	vld [tilespmem:s6+$0x10];
	v24 =	vmul.f32 v61, v17  }
0xc2: {  	v30 =	vld [tilespmem:s16+$0x0];
	v26 =	vmul.f32 v63, v22;
	v2 =	vadd.f32 v19, v2;
	v3 =	vadd.f32 v21, v3  }
0xc3: {  	s17 =	sor.u32 s14, s0;
	v33 =	vld [tilespmem:s16+$0x10];
	v31 =	vmul.f32 v20, v27;
	v29 =	vmul.f32 v18, v22  }
0xc4: {  	v35 =	vld [tilespmem:s17+$0x0];
	v32 =	vbroadcast v1, $0xB;
	v2 =	vadd.f32 v24, v2;
	v3 =	vadd.f32 v26, v3  }
0xc5: {  	s18 =	sor.u32 s22, s0;
	v36 =	vbroadcast v1, $0xC;
	v38 =	vld [tilespmem:s17+$0x10];
	v34 =	vmul.f32 v23, v27  }
0xc6: {  	s23 =	sor.u32 s25, s0;
	v40 =	vld [tilespmem:s18+$0x0];
	v37 =	vmul.f32 v25, v32;
	v2 =	vadd.f32 v29, v2;
	v3 =	vadd.f32 v31, v3  }
0xc7: {  	v45 =	vld [tilespmem:s23+$0x0];
	v41 =	vmul.f32 v30, v36;
	v39 =	vmul.f32 v28, v32  }
0xc8: {  	v43 =	vld [tilespmem:s18+$0x10];
	v42 =	vbroadcast v1, $0xD;
	v2 =	vadd.f32 v34, v2;
	v3 =	vadd.f32 v37, v3  }
0xc9: {  	s0 =	simm.s32 $0xA000;
	v44 =	vmul.f32 v33, v36;
	v47 =	vbroadcast v1, $0xE  }
0xca: {  	s29 =	sor.u32 s28, s0;
	v46 =	vld [tilespmem:s23+$0x10];
	v48 =	vmul.f32 v35, v42;
	v2 =	vadd.f32 v39, v2;
	v3 =	vadd.f32 v41, v3  }
0xcb: {  	s30 =	sor.u32 s26, s0;
	v50 =	vld [tilespmem:s29+$0x0];
	v1 =	vbroadcast v1, $0xF;
	v49 =	vmul.f32 v38, v42  }
0xcc: {  	v54 =	vld [tilespmem:s30+$0x0];
	v52 =	vmul.f32 v40, v47;
	v2 =	vadd.f32 v44, v2;
	v3 =	vadd.f32 v48, v3  }
0xcd: {  	v51 =	vld [tilespmem:s29+$0x10];
	s31 =	sor.u32 s24, s0;
	v53 =	vmul.f32 v43, v47;
	v56 =	vmul.f32 v45, v1  }
0xce: {  	v58 =	vld [tilespmem:s31+$0x0];
	v57 =	vbroadcast v0, $0x0;
	v2 =	vadd.f32 v49, v2;
	v3 =	vadd.f32 v52, v3  }
0xcf: {  	s6 =	sor.u32 s15, s0;
	v61 =	vbroadcast v0, $0x1;
	v1 =	vmul.f32 v46, v1;
	v55 =	vld [tilespmem:s30+$0x10]  }
0xd0: {  	v60 =	vmul.f32 v50, v57;
	v62 =	vld [tilespmem:s6+$0x0];
	v2 =	vadd.f32 v53, v2;
	v3 =	vadd.f32 v56, v3  }
0xd1: {  	v13 =	vbroadcast v0, $0x2;
	s10 =	sor.u32 s10, s0;
	v12 =	vmul.f32 v54, v61;
	v59 =	vld [tilespmem:s31+$0x10]  }
0xd2: {  	v14 =	vld [tilespmem:s10+$0x0];
	v1 =	vadd.f32 v1, v2;
	v2 =	vmul.f32 v51, v57;
	v3 =	vadd.f32 v60, v3  }
0xd3: {  	s15 =	sor.u32 s5, s0;
	v17 =	vbroadcast v0, $0x3;
	v63 =	vld [tilespmem:s6+$0x10];
	v16 =	vmul.f32 v58, v13  }
0xd4: {  	v18 =	vld [tilespmem:s15+$0x0];
	v1 =	vadd.f32 v2, v1;
	v2 =	vmul.f32 v55, v61;
	v3 =	vadd.f32 v12, v3  }
0xd5: {  	s16 =	sor.u32 s4, s0;
	v15 =	vld [tilespmem:s10+$0x10];
	v21 =	vbroadcast v0, $0x4;
	v20 =	vmul.f32 v62, v17  }
0xd6: {  	v22 =	vld [tilespmem:s16+$0x0];
	v1 =	vadd.f32 v2, v1;
	v2 =	vmul.f32 v59, v13;
	v3 =	vadd.f32 v16, v3  }
0xd7: {  	s17 =	sor.u32 s7, s0;
	v25 =	vbroadcast v0, $0x5;
	v19 =	vld [tilespmem:s15+$0x10];
	v24 =	vmul.f32 v14, v21  }
0xd8: {  	v26 =	vld [tilespmem:s17+$0x0];
	v1 =	vadd.f32 v2, v1;
	v2 =	vmul.f32 v63, v17;
	v3 =	vadd.f32 v20, v3  }
0xd9: {  	s18 =	sor.u32 s8, s0;
	v23 =	vld [tilespmem:s16+$0x10];
	v28 =	vmul.f32 v18, v25;
	v29 =	vbroadcast v0, $0x6  }
0xda: {  	v30 =	vld [tilespmem:s18+$0x0];
	v1 =	vadd.f32 v2, v1;
	v2 =	vmul.f32 v15, v21;
	v3 =	vadd.f32 v24, v3  }
0xdb: {  	s23 =	sor.u32 s9, s0;
	v27 =	vld [tilespmem:s17+$0x10];
	v33 =	vbroadcast v0, $0x7;
	v32 =	vmul.f32 v22, v29  }
0xdc: {  	v34 =	vld [tilespmem:s23+$0x0];
	v1 =	vadd.f32 v2, v1;
	v2 =	vmul.f32 v19, v25;
	v3 =	vadd.f32 v28, v3  }
0xdd: {  	s24 =	sor.u32 s11, s0;
	v31 =	vld [tilespmem:s18+$0x10];
	v37 =	vbroadcast v0, $0x8;
	v36 =	vmul.f32 v26, v33  }
0xde: {  	v38 =	vld [tilespmem:s24+$0x0];
	v1 =	vadd.f32 v2, v1;
	v2 =	vmul.f32 v23, v29;
	v3 =	vadd.f32 v32, v3  }
0xdf: {  	s26 =	sor.u32 s12, s0;
	v35 =	vld [tilespmem:s23+$0x10];
	v40 =	vmul.f32 v30, v37;
	v41 =	vbroadcast v0, $0x9  }
0xe0: {  	v42 =	vld [tilespmem:s26+$0x0];
	v1 =	vadd.f32 v2, v1;
	v2 =	vmul.f32 v27, v33;
	v3 =	vadd.f32 v36, v3  }
0xe1: {  	s28 =	sor.u32 s13, s0;
	v45 =	vbroadcast v0, $0xA;
	v39 =	vld [tilespmem:s24+$0x10];
	v44 =	vmul.f32 v34, v41  }
0xe2: {  	v46 =	vld [tilespmem:s28+$0x0];
	v1 =	vadd.f32 v2, v1;
	v2 =	vmul.f32 v31, v37;
	v3 =	vadd.f32 v40, v3  }
0xe3: {  	s29 =	sor.u32 s14, s0;
	v43 =	vld [tilespmem:s26+$0x10];
	v48 =	vmul.f32 v38, v45;
	v49 =	vbroadcast v0, $0xB  }
0xe4: {  	v50 =	vld [tilespmem:s29+$0x0];
	v1 =	vadd.f32 v2, v1;
	v2 =	vmul.f32 v35, v41;
	v3 =	vadd.f32 v44, v3  }
0xe5: {  	v47 =	vld [tilespmem:s28+$0x10];
	s30 =	sor.u32 s22, s0;
	v52 =	vmul.f32 v42, v49;
	v53 =	vbroadcast v0, $0xC  }
0xe6: {  	v54 =	vld [tilespmem:s30+$0x0];
	v1 =	vadd.f32 v2, v1;
	v2 =	vmul.f32 v39, v45;
	v3 =	vadd.f32 v48, v3  }
0xe7: {  	s0 =	sor.u32 s25, s0;
	v51 =	vld [tilespmem:s29+$0x10];
	v56 =	vmul.f32 v46, v53;
	v57 =	vbroadcast v0, $0xD  }
0xe8: {  	v58 =	vld [tilespmem:s0+$0x0];
	v1 =	vadd.f32 v2, v1;
	v2 =	vmul.f32 v43, v49;
	v3 =	vadd.f32 v52, v3  }
0xe9: {  	v55 =	vld [tilespmem:s30+$0x10];
	v60 =	vbroadcast v0, $0xE;
	v59 =	vmul.f32 v50, v57  }
0xea: {  	v1 =	vadd.f32 v2, v1;
	v2 =	vmul.f32 v47, v53;
	v3 =	vadd.f32 v56, v3  }
0xeb: {  	v61 =	vld [tilespmem:s0+$0x10];
	v0 =	vbroadcast v0, $0xF;
	v62 =	vmul.f32 v54, v60  }
0xec: {  	v1 =	vadd.f32 v2, v1;
	v2 =	vmul.f32 v51, v57;
	v3 =	vadd.f32 v59, v3  }
0xed: {  	v63 =	vmul.f32 v58, v0  }
0xee: {  	v1 =	vadd.f32 v2, v1;
	v2 =	vmul.f32 v55, v60;
	v3 =	vadd.f32 v62, v3  }
0xef: {  	s31 =	sshll.u32 s2, $0x8  }
0xf0: {  	s1 =	sshll.u32 s1, $0x5;
	s0 =	sand.u32 $0x3FFFFF00, s31;
	v0 =	vmul.f32 v61, v0;
	v1 =	vadd.f32 v2, v1;
	v2 =	vadd.f32 v63, v3  }
0xf1: {  	s0 =	sor.u32 s1, s0  }
0xf2: {  	s14 =	simm.s32 $0x1;
	v0 =	vadd.f32 v0, v1;
	[tilespmem:s0+$0xC000] =	vst v2  }
.LBB2_4:
0xf3: {  	s3 =	sshrl.u32 s14, $0x3  }
0xf4: {  	s12 =	sshll.u32 s3, $0xE  }
0xf5: {  	s4 =	sand.u32 $0x7, s14;
	[tilespmem:s0+$0xC010] =	vst v0;
	s0 =	rddreg [dreg:$0x3];
	s28 =	sshra.s32 s12, $0x2  }
0xf6: {  	s29 =	sshll.u32 s4, $0x9;
	s5 =	sor.u32 s0, s3;
	s16 =	sadd.s32 $0x4000, s28  }
0xf7: {  	s2 =	sshll.u32 s5, $0x7;
	s15 =	sor.u32 s29, s16  }
0xf8: {  	s0 =	sshll.u32 s4, $0x4;
	s2 =	sand.u32 $0x3FFFFF80, s2;
	v0 =	vld [tilespmem:s15+$0x10]  }
0xf9: {  	s30 =	sor.u32 $0x20, s29;
	s13 =	sor.u32 s0, s2;
	v2 =	vld [tilespmem:s15+$0x0]  }
0xfa: {  	s7 =	sor.u32 s30, s16;
	v1 =	vld [tilespmem:s13+$0x2000]  }
0xfb: {  	s26 =	sor.u32 $0x40, s29;
	v3 =	vld [tilespmem:s7+$0x10]  }
0xfc: {  	s31 =	sor.u32 s26, s16;
	v4 =	vld [tilespmem:s7+$0x0]  }
0xfd: {  	s25 =	sor.u32 $0x60, s29;
	v6 =	vld [tilespmem:s31+$0x0]  }
0xfe: {  	s18 =	sor.u32 s25, s16;
	v8 =	vld [tilespmem:s31+$0x10]  }
0xff: {  	s24 =	sor.u32 $0x80, s29;
	v63 =	vld [tilespmem:s18+$0x0];
	v5 =	vbroadcast v1, $0x0  }
0x100: {  	v10 =	vld [tilespmem:s18+$0x10];
	s18 =	sor.u32 s24, s16;
	v7 =	vbroadcast v1, $0x1  }
0x101: {  	s22 =	sor.u32 $0xA0, s29;
	v11 =	vld [tilespmem:s18+$0x10];
	v2 =	vmul.f32 v2, v5;
	v0 =	vmul.f32 v0, v5  }
0x102: {  	v13 =	vld [tilespmem:s18+$0x0];
	s18 =	sor.u32 s22, s16;
	v9 =	vbroadcast v1, $0x2;
	v3 =	vmul.f32 v3, v7  }
0x103: {  	s11 =	smov.u32 s14;
	s2 =	sor.u32 $0xC0, s29;
	v16 =	vld [tilespmem:s18+$0x10];
	v4 =	vmul.f32 v4, v7;
	v2 =	vadd.f32 $0.0e+00, v2;
	v0 =	vadd.f32 $0.0e+00, v0  }
0x104: {  	s17 =	sadd.s32 $0x1, s14;
	p0 =	sne.s32 s14, $0xF;
	s14 =	sor.u32 s2, s16;
	v14 =	vld [tilespmem:s18+$0x0];
	v12 =	vbroadcast v1, $0x3  }
0x105: {  	s1 =	sadd.s32 s20, s3;
	s15 =	sor.u32 $0xE0, s29;
	v20 =	vld [tilespmem:s14+$0x10];
	v0 =	vadd.f32 v3, v0;
	v3 =	vmul.f32 v6, v9;
	v2 =	vadd.f32 v4, v2  }
0x106: {  	s1 =	sshll.u32 s1, $0x7;
	v23 =	vld [tilespmem:s14+$0x0];
	s18 =	sor.u32 s15, s16;
	v18 =	vmul.f32 v8, v9  }
0x107: {  	s23 =	sand.u32 $0x3FFFFF80, s1;
	s1 =	sor.u32 $0x100, s29;
	v24 =	vld [tilespmem:s18+$0x10];
	v17 =	vbroadcast v1, $0x4;
	v5 =	vmul.f32 v63, v12;
	v2 =	vadd.f32 v3, v2  }
0x108: {  	s14 =	sor.u32 s1, s16;
	v26 =	vld [tilespmem:s18+$0x0];
	v19 =	vmul.f32 v10, v12;
	v0 =	vadd.f32 v18, v0  }
0x109: {  	s13 =	sor.u32 $0x120, s29;
	v28 =	vld [tilespmem:s14+$0x10];
	v22 =	vbroadcast v1, $0x5;
	v3 =	vmul.f32 v13, v17;
	v2 =	vadd.f32 v5, v2  }
0x10a: {  	v30 =	vld [tilespmem:s14+$0x0];
	s18 =	sor.u32 s13, s16;
	v21 =	vmul.f32 v11, v17;
	v0 =	vadd.f32 v19, v0  }
0x10b: {  	s12 =	sor.u32 $0x140, s29;
	v31 =	vld [tilespmem:s18+$0x10];
	v25 =	vbroadcast v1, $0x6;
	v27 =	vmul.f32 v14, v22;
	v2 =	vadd.f32 v3, v2  }
0x10c: {  	s14 =	sor.u32 s12, s16;
	v33 =	vld [tilespmem:s18+$0x0];
	v6 =	vmul.f32 v16, v22;
	v0 =	vadd.f32 v21, v0  }
0x10d: {  	s11 =	sor.u32 $0x160, s29;
	v35 =	vld [tilespmem:s14+$0x10];
	v29 =	vbroadcast v1, $0x7;
	v3 =	vmul.f32 v23, v25;
	v2 =	vadd.f32 v27, v2  }
0x10e: {  	v37 =	vld [tilespmem:s14+$0x0];
	s18 =	sor.u32 s11, s16;
	v9 =	vmul.f32 v20, v25;
	v0 =	vadd.f32 v6, v0  }
0x10f: {  	s10 =	sor.u32 $0x180, s29;
	v38 =	vld [tilespmem:s18+$0x10];
	v32 =	vbroadcast v1, $0x8;
	v34 =	vmul.f32 v26, v29;
	v2 =	vadd.f32 v3, v2  }
0x110: {  	s14 =	sor.u32 s10, s16;
	v40 =	vld [tilespmem:s18+$0x0];
	v4 =	vmul.f32 v24, v29;
	v0 =	vadd.f32 v9, v0  }
0x111: {  	s9 =	sor.u32 $0x1A0, s29;
	v42 =	vld [tilespmem:s14+$0x10];
	v36 =	vbroadcast v1, $0x9;
	v3 =	vmul.f32 v30, v32;
	v2 =	vadd.f32 v34, v2  }
0x112: {  	v44 =	vld [tilespmem:s14+$0x0];
	s18 =	sor.u32 s9, s16;
	v8 =	vmul.f32 v28, v32;
	v0 =	vadd.f32 v4, v0  }
0x113: {  	s6 =	sadd.s32 s21, s3;
	s8 =	sor.u32 $0x1C0, s29;
	v39 =	vbroadcast v1, $0xA;
	v45 =	vld [tilespmem:s18+$0x10];
	v41 =	vmul.f32 v33, v36;
	v2 =	vadd.f32 v3, v2  }
0x114: {  	s6 =	sshll.u32 s6, $0x7;
	s3 =	sadd.s32 s19, s3;
	s14 =	sor.u32 s8, s16;
	v47 =	vld [tilespmem:s18+$0x0];
	v7 =	vmul.f32 v31, v36;
	v0 =	vadd.f32 v8, v0  }
0x115: {  	s6 =	sand.u32 $0x3FFFFF80, s6;
	s3 =	sshll.u32 s3, $0x7;
	s7 =	sor.u32 $0x1E0, s29;
	v43 =	vbroadcast v1, $0xB;
	v49 =	vld [tilespmem:s14+$0x10];
	v3 =	vmul.f32 v37, v39;
	v2 =	vadd.f32 v41, v2  }
0x116: {  	s23 =	sor.u32 s0, s23;
	s3 =	sand.u32 $0x3FFFFF80, s3;
	v51 =	vld [tilespmem:s14+$0x0];
	s18 =	sor.u32 s7, s16;
	v6 =	vmul.f32 v35, v39;
	v0 =	vadd.f32 v7, v0  }
0x117: {  	s31 =	sor.u32 s0, s6;
	s3 =	sor.u32 s0, s3;
	s0 =	sadd.s32 $0x6000, s28;
	v46 =	vbroadcast v1, $0xC;
	v52 =	vld [tilespmem:s18+$0x10];
	v48 =	vmul.f32 v40, v43;
	v2 =	vadd.f32 v3, v2  }
0x118: {  	s14 =	sor.u32 s29, s0;
	v54 =	vld [tilespmem:s18+$0x0];
	v9 =	vmul.f32 v38, v43;
	v0 =	vadd.f32 v6, v0  }
0x119: {  	v50 =	vbroadcast v1, $0xD;
	v57 =	vld [tilespmem:s14+$0x10];
	v3 =	vmul.f32 v44, v46;
	v4 =	vadd.f32 v48, v2  }
0x11a: {  	v5 =	vmul.f32 v42, v46;
	v9 =	vadd.f32 v9, v0;
	v2 =	vld [tilespmem:s23+$0x2000]  }
0x11b: {  	v53 =	vbroadcast v1, $0xE;
	s16 =	sor.u32 s30, s0;
	v58 =	vld [tilespmem:s14+$0x0];
	v11 =	vmul.f32 v47, v50;
	v3 =	vadd.f32 v3, v4  }
0x11c: {  	v1 =	vbroadcast v1, $0xF;
	v59 =	vld [tilespmem:s16+$0x10];
	v8 =	vmul.f32 v45, v50;
	v55 =	vadd.f32 v5, v9  }
0x11d: {  	v60 =	vld [tilespmem:s16+$0x0];
	s18 =	sor.u32 s26, s0;
	v56 =	vmul.f32 v51, v53;
	v3 =	vadd.f32 v11, v3  }
0x11e: {  	s6 =	sor.u32 s24, s0;
	v63 =	vld [tilespmem:s18+$0x10];
	v7 =	vmul.f32 v49, v53;
	v6 =	vmul.f32 v52, v1;
	v4 =	vadd.f32 v8, v55  }
0x11f: {  	v26 =	vld [tilespmem:s6+$0x0];
	v1 =	vmul.f32 v54, v1;
	v62 =	vbroadcast v2, $0x0;
	v3 =	vadd.f32 v56, v3  }
0x120: {  	s14 =	sor.u32 s22, s0;
	v19 =	vld [tilespmem:s18+$0x0];
	v61 =	vadd.f32 v7, v4  }
0x121: {  	v16 =	vld [tilespmem:s14+$0x10];
	s23 =	sor.u32 s25, s0;
	v18 =	vbroadcast v2, $0x1;
	v20 =	vmul.f32 v58, v62;
	v1 =	vadd.f32 v1, v3  }
0x122: {  	v22 =	vld [tilespmem:s23+$0x0];
	v7 =	vmul.f32 v57, v62;
	v3 =	vadd.f32 v6, v61  }
0x123: {  	s16 =	sor.u32 s2, s0;
	v21 =	vld [tilespmem:s23+$0x10];
	v24 =	vbroadcast v2, $0x2;
	v23 =	vmul.f32 v60, v18;
	v1 =	vadd.f32 v20, v1  }
0x124: {  	v17 =	vld [tilespmem:s16+$0x10];
	v8 =	vmul.f32 v59, v18;
	v3 =	vadd.f32 v7, v3  }
0x125: {  	v25 =	vld [tilespmem:s6+$0x10];
	v28 =	vbroadcast v2, $0x3;
	v27 =	vmul.f32 v19, v24;
	v1 =	vadd.f32 v23, v1  }
0x126: {  	s18 =	sor.u32 s15, s0;
	v30 =	vld [tilespmem:s14+$0x0];
	v29 =	vmul.f32 v63, v24;
	v3 =	vadd.f32 v8, v3  }
0x127: {  	v36 =	vld [tilespmem:s18+$0x0];
	v31 =	vbroadcast v2, $0x4;
	v9 =	vmul.f32 v22, v28;
	v1 =	vadd.f32 v27, v1  }
0x128: {  	v32 =	vld [tilespmem:s16+$0x0];
	s14 =	sor.u32 s12, s0;
	v6 =	vmul.f32 v21, v28;
	v3 =	vadd.f32 v29, v3  }
0x129: {  	v51 =	vld [tilespmem:s14+$0x0];
	v33 =	vbroadcast v2, $0x5;
	v7 =	vmul.f32 v26, v31;
	v1 =	vadd.f32 v9, v1  }
0x12a: {  	v34 =	vld [tilespmem:s18+$0x10];
	v35 =	vmul.f32 v25, v31;
	v3 =	vadd.f32 v6, v3  }
0x12b: {  	v49 =	vld [tilespmem:s14+$0x10];
	s23 =	sor.u32 s1, s0;
	v38 =	vbroadcast v2, $0x6;
	v37 =	vmul.f32 v30, v33;
	v1 =	vadd.f32 v7, v1  }
0x12c: {  	v41 =	vld [tilespmem:s23+$0x0];
	v40 =	vmul.f32 v16, v33;
	v3 =	vadd.f32 v35, v3  }
0x12d: {  	s6 =	sor.u32 s13, s0;
	v39 =	vld [tilespmem:s23+$0x10];
	v43 =	vbroadcast v2, $0x7;
	v42 =	vmul.f32 v32, v38;
	v1 =	vadd.f32 v37, v1  }
0x12e: {  	v46 =	vld [tilespmem:s6+$0x0];
	v15 =	vbroadcast v2, $0xD;
	v45 =	vmul.f32 v17, v38;
	v3 =	vadd.f32 v40, v3  }
0x12f: {  	s16 =	sor.u32 s11, s0;
	v44 =	vld [tilespmem:s6+$0x10];
	v48 =	vbroadcast v2, $0x8;
	v47 =	vmul.f32 v36, v43;
	v1 =	vadd.f32 v42, v1  }
0x130: {  	v54 =	vld [tilespmem:s16+$0x10];
	v5 =	vbroadcast v2, $0xE;
	v50 =	vmul.f32 v34, v43;
	v3 =	vadd.f32 v45, v3  }
0x131: {  	v0 =	vld [tilespmem:s3+$0x2000];
	v53 =	vbroadcast v2, $0x9;
	v52 =	vmul.f32 v41, v48;
	v1 =	vadd.f32 v47, v1  }
0x132: {  	s18 =	sor.u32 s10, s0;
	v12 =	vbroadcast v2, $0xF;
	v56 =	vld [tilespmem:s16+$0x0];
	v55 =	vmul.f32 v39, v48;
	v3 =	vadd.f32 v50, v3  }
0x133: {  	v11 =	vmul.f32 v46, v53;
	v57 =	vbroadcast v2, $0xA;
	v59 =	vld [tilespmem:s18+$0x0];
	v7 =	vadd.f32 v52, v1  }
0x134: {  	s23 =	sor.u32 s9, s0;
	v4 =	vbroadcast v2, $0xC;
	v58 =	vmul.f32 v44, v53;
	v60 =	vld [tilespmem:s18+$0x10];
	v3 =	vadd.f32 v55, v3  }
0x135: {  	v2 =	vbroadcast v2, $0xB;
	v62 =	vld [tilespmem:s23+$0x0];
	v8 =	vmul.f32 v51, v57;
	v7 =	vadd.f32 v11, v7  }
0x136: {  	v61 =	vmul.f32 v49, v57;
	v20 =	vld [tilespmem:s23+$0x10];
	v3 =	vadd.f32 v58, v3  }
0x137: {  	v63 =	vmul.f32 v56, v2;
	v1 =	vld [tilespmem:s31+$0x2000];
	s31 =	sor.u32 s8, s0;
	v7 =	vadd.f32 v8, v7  }
0x138: {  	v2 =	vmul.f32 v54, v2;
	v21 =	vld [tilespmem:s31+$0x0];
	v6 =	vadd.f32 v61, v3  }
0x139: {  	s6 =	sor.u32 s7, s0;
	v23 =	vmul.f32 v59, v4;
	v24 =	vld [tilespmem:s31+$0x10];
	v7 =	vadd.f32 v63, v7  }
0x13a: {  	v25 =	vld [tilespmem:s6+$0x0];
	v4 =	vmul.f32 v60, v4;
	s0 =	sadd.s32 $0x8000, s28;
	v6 =	vadd.f32 v2, v6  }
0x13b: {  	v28 =	vld [tilespmem:s6+$0x10];
	v27 =	vmul.f32 v62, v15;
	s14 =	sor.u32 s29, s0;
	v7 =	vadd.f32 v23, v7  }
0x13c: {  	v29 =	vmul.f32 v20, v15;
	v30 =	vld [tilespmem:s14+$0x0];
	v4 =	vadd.f32 v4, v6  }
0x13d: {  	s16 =	sor.u32 s30, s0;
	v32 =	vld [tilespmem:s14+$0x10];
	v31 =	vmul.f32 v21, v5;
	v7 =	vadd.f32 v27, v7  }
0x13e: {  	v33 =	vld [tilespmem:s16+$0x0];
	v5 =	vmul.f32 v24, v5;
	v4 =	vadd.f32 v29, v4  }
0x13f: {  	v34 =	vmul.f32 v25, v12;
	s18 =	sor.u32 s26, s0;
	v35 =	vld [tilespmem:s16+$0x10];
	v26 =	vbroadcast v1, $0x0;
	v7 =	vadd.f32 v31, v7  }
0x140: {  	v36 =	vmul.f32 v28, v12;
	v37 =	vld [tilespmem:s18+$0x0];
	v4 =	vadd.f32 v5, v4  }
0x141: {  	s23 =	sor.u32 s25, s0;
	v40 =	vld [tilespmem:s18+$0x10];
	v39 =	vbroadcast v1, $0x1;
	v38 =	vmul.f32 v30, v26;
	v7 =	vadd.f32 v34, v7  }
0x142: {  	v42 =	vld [tilespmem:s23+$0x0];
	v41 =	vmul.f32 v32, v26;
	v4 =	vadd.f32 v36, v4  }
0x143: {  	s31 =	sor.u32 s24, s0;
	v44 =	vld [tilespmem:s23+$0x10];
	v43 =	vbroadcast v1, $0x2;
	v6 =	vmul.f32 v33, v39;
	v7 =	vadd.f32 v38, v7  }
0x144: {  	v46 =	vld [tilespmem:s31+$0x0];
	v45 =	vmul.f32 v35, v39;
	v4 =	vadd.f32 v41, v4  }
0x145: {  	s6 =	sor.u32 s22, s0;
	v49 =	vld [tilespmem:s31+$0x10];
	v48 =	vbroadcast v1, $0x3;
	v47 =	vmul.f32 v37, v43;
	v6 =	vadd.f32 v6, v7  }
0x146: {  	v51 =	vld [tilespmem:s6+$0x0];
	v50 =	vmul.f32 v40, v43;
	v4 =	vadd.f32 v45, v4  }
0x147: {  	v54 =	vld [tilespmem:s6+$0x10];
	s14 =	sor.u32 s2, s0;
	v53 =	vbroadcast v1, $0x4;
	v52 =	vmul.f32 v42, v48;
	v6 =	vadd.f32 v47, v6  }
0x148: {  	v56 =	vld [tilespmem:s14+$0x0];
	v55 =	vmul.f32 v44, v48;
	v4 =	vadd.f32 v50, v4  }
0x149: {  	s16 =	sor.u32 s15, s0;
	v59 =	vld [tilespmem:s14+$0x10];
	v58 =	vbroadcast v1, $0x5;
	v57 =	vmul.f32 v46, v53;
	v6 =	vadd.f32 v52, v6  }
0x14a: {  	v61 =	vld [tilespmem:s16+$0x0];
	v60 =	vmul.f32 v49, v53;
	v4 =	vadd.f32 v55, v4  }
0x14b: {  	s18 =	sor.u32 s1, s0;
	v22 =	vbroadcast v1, $0x6;
	v63 =	vld [tilespmem:s16+$0x10];
	v62 =	vmul.f32 v51, v58;
	v6 =	vadd.f32 v57, v6  }
0x14c: {  	v18 =	vld [tilespmem:s18+$0x0];
	v17 =	vmul.f32 v54, v58;
	v4 =	vadd.f32 v60, v4  }
0x14d: {  	s23 =	sor.u32 s13, s0;
	v20 =	vbroadcast v1, $0x7;
	v21 =	vld [tilespmem:s18+$0x10];
	v19 =	vmul.f32 v56, v22;
	v6 =	vadd.f32 v62, v6  }
0x14e: {  	v22 =	vmul.f32 v59, v22;
	v23 =	vld [tilespmem:s23+$0x0];
	v4 =	vadd.f32 v17, v4  }
0x14f: {  	s31 =	sor.u32 s12, s0;
	v25 =	vbroadcast v1, $0x8;
	v26 =	vld [tilespmem:s23+$0x10];
	v24 =	vmul.f32 v61, v20;
	v6 =	vadd.f32 v19, v6  }
0x150: {  	v28 =	vld [tilespmem:s31+$0x0];
	v27 =	vmul.f32 v63, v20;
	v4 =	vadd.f32 v22, v4  }
0x151: {  	s6 =	sor.u32 s11, s0;
	v30 =	vbroadcast v1, $0x9;
	v29 =	vmul.f32 v18, v25;
	v31 =	vld [tilespmem:s31+$0x10];
	v6 =	vadd.f32 v24, v6  }
0x152: {  	v33 =	vld [tilespmem:s6+$0x0];
	v32 =	vmul.f32 v21, v25;
	v4 =	vadd.f32 v27, v4  }
0x153: {  	s14 =	sor.u32 s10, s0;
	v35 =	vbroadcast v1, $0xA;
	v34 =	vmul.f32 v23, v30;
	v36 =	vld [tilespmem:s6+$0x10];
	v6 =	vadd.f32 v29, v6  }
0x154: {  	v37 =	vmul.f32 v26, v30;
	v38 =	vld [tilespmem:s14+$0x0];
	v4 =	vadd.f32 v32, v4  }
0x155: {  	s16 =	sor.u32 s9, s0;
	v40 =	vbroadcast v1, $0xB;
	v39 =	vmul.f32 v28, v35;
	v41 =	vld [tilespmem:s14+$0x10];
	v6 =	vadd.f32 v34, v6  }
0x156: {  	v43 =	vld [tilespmem:s16+$0x0];
	v42 =	vmul.f32 v31, v35;
	v4 =	vadd.f32 v37, v4  }
0x157: {  	v3 =	vbroadcast v1, $0xC;
	s18 =	sor.u32 s8, s0;
	v44 =	vmul.f32 v33, v40;
	v45 =	vld [tilespmem:s16+$0x10];
	v6 =	vadd.f32 v39, v6  }
0x158: {  	v46 =	vmul.f32 v36, v40;
	v47 =	vld [tilespmem:s18+$0x0];
	v4 =	vadd.f32 v42, v4  }
0x159: {  	v49 =	vbroadcast v1, $0xD;
	s23 =	sor.u32 s7, s0;
	v50 =	vld [tilespmem:s18+$0x10];
	v48 =	vmul.f32 v38, v3;
	v6 =	vadd.f32 v44, v6  }
0x15a: {  	s0 =	sadd.s32 $0xA000, s28;
	v51 =	vld [tilespmem:s23+$0x0];
	v3 =	vmul.f32 v41, v3;
	v4 =	vadd.f32 v46, v4  }
0x15b: {  	v2 =	vbroadcast v1, $0xE;
	v53 =	vld [tilespmem:s23+$0x10];
	s31 =	sor.u32 s29, s0;
	v52 =	vmul.f32 v43, v49;
	v6 =	vadd.f32 v48, v6  }
0x15c: {  	v55 =	vld [tilespmem:s31+$0x0];
	v54 =	vmul.f32 v45, v49;
	v3 =	vadd.f32 v3, v4  }
0x15d: {  	v1 =	vbroadcast v1, $0xF;
	s6 =	sor.u32 s30, s0;
	v57 =	vld [tilespmem:s31+$0x10];
	v56 =	vmul.f32 v47, v2;
	v6 =	vadd.f32 v52, v6  }
0x15e: {  	v58 =	vld [tilespmem:s6+$0x0];
	v2 =	vmul.f32 v50, v2;
	v3 =	vadd.f32 v54, v3  }
0x15f: {  	v59 =	vbroadcast v0, $0x0;
	v5 =	vmul.f32 v51, v1;
	s14 =	sor.u32 s26, s0;
	v60 =	vld [tilespmem:s6+$0x10];
	v6 =	vadd.f32 v56, v6  }
0x160: {  	v1 =	vmul.f32 v53, v1;
	s16 =	sor.u32 s25, s0;
	v2 =	vadd.f32 v2, v3;
	v3 =	vld [tilespmem:s14+$0x0]  }
0x161: {  	v12 =	vld [tilespmem:s16+$0x0];
	v62 =	vbroadcast v0, $0x1;
	v61 =	vmul.f32 v55, v59;
	v5 =	vadd.f32 v5, v6  }
0x162: {  	v63 =	vld [tilespmem:s14+$0x10];
	s18 =	sor.u32 s24, s0;
	v1 =	vadd.f32 v1, v2;
	v2 =	vmul.f32 v57, v59  }
0x163: {  	v13 =	vbroadcast v0, $0x2;
	v15 =	vld [tilespmem:s18+$0x0];
	v4 =	vmul.f32 v58, v62;
	v5 =	vadd.f32 v61, v5  }
0x164: {  	v16 =	vbroadcast v0, $0x3;
	s22 =	sor.u32 s22, s0;
	v14 =	vld [tilespmem:s16+$0x10];
	v1 =	vadd.f32 v2, v1  }
0x165: {  	v18 =	vld [tilespmem:s22+$0x0];
	v2 =	vmul.f32 v60, v62;
	v3 =	vmul.f32 v3, v13;
	v4 =	vadd.f32 v4, v5  }
0x166: {  	s2 =	sor.u32 s2, s0;
	v20 =	vbroadcast v0, $0x4;
	v17 =	vld [tilespmem:s18+$0x10];
	v19 =	vmul.f32 v12, v16  }
0x167: {  	v22 =	vld [tilespmem:s2+$0x0];
	v1 =	vadd.f32 v2, v1;
	v2 =	vmul.f32 v63, v13;
	v3 =	vadd.f32 v3, v4  }
0x168: {  	s23 =	sor.u32 s15, s0;
	v21 =	vld [tilespmem:s22+$0x10];
	v23 =	vmul.f32 v15, v20;
	v24 =	vbroadcast v0, $0x5  }
0x169: {  	v26 =	vld [tilespmem:s23+$0x0];
	v1 =	vadd.f32 v2, v1;
	v2 =	vmul.f32 v14, v16;
	v3 =	vadd.f32 v19, v3  }
0x16a: {  	v28 =	vbroadcast v0, $0x6;
	s1 =	sor.u32 s1, s0;
	v25 =	vld [tilespmem:s2+$0x10];
	v27 =	vmul.f32 v18, v24  }
0x16b: {  	v30 =	vld [tilespmem:s1+$0x0];
	v1 =	vadd.f32 v2, v1;
	v2 =	vmul.f32 v17, v20;
	v3 =	vadd.f32 v23, v3  }
0x16c: {  	s24 =	sor.u32 s13, s0;
	v29 =	vld [tilespmem:s23+$0x10];
	v32 =	vbroadcast v0, $0x7;
	v31 =	vmul.f32 v22, v28  }
0x16d: {  	v34 =	vld [tilespmem:s24+$0x0];
	v1 =	vadd.f32 v2, v1;
	v2 =	vmul.f32 v21, v24;
	v3 =	vadd.f32 v27, v3  }
0x16e: {  	v33 =	vld [tilespmem:s1+$0x10];
	s25 =	sor.u32 s12, s0;
	v36 =	vbroadcast v0, $0x8;
	v35 =	vmul.f32 v26, v32  }
0x16f: {  	v38 =	vld [tilespmem:s25+$0x0];
	v1 =	vadd.f32 v2, v1;
	v2 =	vmul.f32 v25, v28;
	v3 =	vadd.f32 v31, v3  }
0x170: {  	s26 =	sor.u32 s11, s0;
	v40 =	vbroadcast v0, $0x9;
	v37 =	vld [tilespmem:s24+$0x10];
	v39 =	vmul.f32 v30, v36  }
0x171: {  	v42 =	vld [tilespmem:s26+$0x0];
	v1 =	vadd.f32 v2, v1;
	v2 =	vmul.f32 v29, v32;
	v3 =	vadd.f32 v35, v3  }
0x172: {  	s28 =	sor.u32 s10, s0;
	v41 =	vld [tilespmem:s25+$0x10];
	v44 =	vbroadcast v0, $0xA;
	v43 =	vmul.f32 v34, v40  }
0x173: {  	v46 =	vld [tilespmem:s28+$0x0];
	v1 =	vadd.f32 v2, v1;
	v2 =	vmul.f32 v33, v36;
	v3 =	vadd.f32 v39, v3  }
0x174: {  	s29 =	sor.u32 s9, s0;
	v45 =	vld [tilespmem:s26+$0x10];
	v47 =	vmul.f32 v38, v44;
	v48 =	vbroadcast v0, $0xB  }
0x175: {  	v50 =	vld [tilespmem:s29+$0x0];
	v1 =	vadd.f32 v2, v1;
	v2 =	vmul.f32 v37, v40;
	v3 =	vadd.f32 v43, v3  }
0x176: {  	s30 =	sor.u32 s8, s0;
	v49 =	vld [tilespmem:s28+$0x10];
	v51 =	vmul.f32 v42, v48;
	v52 =	vbroadcast v0, $0xC  }
0x177: {  	v54 =	vld [tilespmem:s30+$0x0];
	v1 =	vadd.f32 v2, v1;
	v2 =	vmul.f32 v41, v44;
	v3 =	vadd.f32 v47, v3  }
0x178: {  	v53 =	vld [tilespmem:s29+$0x10];
	s0 =	sor.u32 s7, s0;
	v55 =	vmul.f32 v46, v52;
	v56 =	vbroadcast v0, $0xD  }
0x179: {  	v58 =	vld [tilespmem:s0+$0x0];
	v1 =	vadd.f32 v2, v1;
	v2 =	vmul.f32 v45, v48;
	v3 =	vadd.f32 v51, v3  }
0x17a: {  	v57 =	vld [tilespmem:s30+$0x10];
	v59 =	vmul.f32 v50, v56;
	v60 =	vbroadcast v0, $0xE  }
0x17b: {  	v1 =	vadd.f32 v2, v1;
	v2 =	vmul.f32 v49, v52;
	v3 =	vadd.f32 v55, v3  }
0x17c: {  	v61 =	vld [tilespmem:s0+$0x10];
	v0 =	vbroadcast v0, $0xF;
	v62 =	vmul.f32 v54, v60  }
0x17d: {  	v1 =	vadd.f32 v2, v1;
	v2 =	vmul.f32 v53, v56;
	v3 =	vadd.f32 v59, v3  }
0x17e: {  	v63 =	vmul.f32 v58, v0  }
.Ltmp0:
0x17f: {  	v1 =	vadd.f32 v2, v1;
	v2 =	vmul.f32 v57, v60;
	v3 =	vadd.f32 v62, v3;
	(pc) =	sbr.rel @p0 .LBB2_4-.Ltmp0, $4  }
0x180: {  	s5 =	sshll.u32 s5, $0x8  }
0x181: {  	s5 =	sand.u32 $0x3FFFFF00, s5;
	s31 =	sshll.u32 s4, $0x5;
	v0 =	vmul.f32 v61, v0;
	v1 =	vadd.f32 v2, v1;
	v2 =	vadd.f32 v63, v3  }
0x182: {  	s0 =	sor.u32 s31, s5  }
0x183: {  	s14 =	smov.u32 s17;
	v0 =	vadd.f32 v0, v1;
	[tilespmem:s0+$0xC000] =	vst v2  }
0x184: {  	s4 =	rddreg [dreg:$0x12]  }
0x185: {  	s4 =	sadd.s32 $0x1, s4  }
0x186: {  	p0 =	sne.s32 s4, $0x8  }
.Ltmp1:
0x187: {  	_ = 	snop;
	(pc) =	sbr.rel @p0 .LBB2_3-.Ltmp1, $2  }
0x188: {  	_ =	sdelay $0x2  }
0x189: {  	[tilespmem:s0+$0xC010] =	vst v0  }
0x18a: {  	s0 =	rddreg [dreg:$0x11]  }
0x18b: {  	s1 =	rddreg [dreg:$0xc];
	s29 =	simm.s32 $0x0;
	s0 =	sshll.u32 s0, $0x5  }
0x18c: {  	s2 =	simm.s32 $0xC000;
	s30 =	simm.s32 $0x3;
	s0 =	sadd.s32 s1, s0  }
0x18d: {  	[hbm4b:s0+s29] =	stream.linear.scatter [tilespmem:s2], [sflag:$0x3], $0x1000, $0x38;
	[tilespmem:$0xD000] =	vst v63  }
0x18e: {  	_ =	swait.ge [sflag:s30], $0x1000  }
0x18f: {  	s31 =	rddreg [dreg:$0x10]  }
0x190: {  	s1 =	sadd.s32 $0x1, s31  }
0x191: {  	p0 =	sne.s32 s1, $0x2C  }
.Ltmp2:
0x192: {  	_ = 	snop;
	(pc) =	sbr.rel @p0 .LBB2_2-.Ltmp2, $3  }
0x193: {  	_ =	sdelay $0x1  }
0x194: {  	[sflag:s30] =	ssyncset.done $0x0  }
0x195: {  	[sflag:s30] =	ssyncadd.s32 $0xFFFFF000  }
0x196: {  	s1 =	rddreg [dreg:$0xf]  }
0x197: {  	s0 =	rddreg [dreg:$0xe];
	s1 =	sadd.s32 $0x1, s1  }
0x198: {  	p0 =	sne.s32 s1, s0  }
.Ltmp3:
0x199: {  	_ = 	snop;
	(pc) =	sbr.rel @p0 .LBB2_1-.Ltmp3, $1  }
0x19a: {  	_ =	sdelay $0x3  }
0x19b: {  	_ =	sfence.sel $0x180000  }
0x19c: {  	[bflag:$0x0] =	sbarrier.arrive $0xFFFF  }
0x19d: {  	_ =	strace $0x90000047  }
0x19e: {  	s0 =	stileid.u32;
	[bflag:$0x2] =	sbarrier.arrive $0xFFFF  }
0x19f: {  	p0 =	sne.s32 s0, $0x0;
	s0 =	rddreg [dreg:$0x2]  }
0x1a0: {  	s0 =	sadd.s32 @!p0 $0x100000, s0  }
0x1a1: {  	[sflag:s0] =	ssyncadd.tile.s32 @!p0 $0x1;
	_ =	shalt  }
.Lfunc_end2:
_tile_overlayer_lowered:
.L_overlay_start_2:
0x1a2: {  	(tag) =	ssettag $0x2  }
0x1a3: {  	s0 =	rddreg [dreg:$0x0];
	s2 =	stileid.u32  }
0x1a4: {  	s1 =	rddreg [dreg:$0x1];
	p0 =	sne.s32 s2, $0x0  }
0x1a5: {  	s3 =	rddreg [dreg:$0x2];
	[bflag:$0x3] =	sbarrier.arrive $0xFFFF;
	s2 =	simm.s32 @!p0 $0x1C03  }
0x1a6: {  	[timem:s3], [sflag:s2] =	dma.local @!p0 [hbm:s0], s1  }
0x1a7: {  	s0 =	simm.s32 @!p0 $0x3  }
0x1a8: {  	_ =	swait.ge @!p0 [sflag:s0], s1  }
0x1a9: {  	s1 =	ssub.s32 @!p0 $0x0, s1;
	[sflag:s0] =	ssyncset.done @!p0 $0x0  }
0x1aa: {  	[sflag:s0] =	ssyncadd.s32 @!p0 s1  }
0x1ab: {  	[bflag:$0x3] =	sbarrier.arrive $0xFFFF  }
0x1ac: {  	_ =	shalt  }

</sc_bundles>
